<compile_context>
chip_gen: v7x
topology: tpu7x:2x2x1
jax: 0.10.2.dev20260603
libtpu: 0.0.44.dev20260713+nightly
codegen_flags: <defaults>
</compile_context>

<pallas_src>
import functools

import jax
import jax.numpy as jnp
from jax import lax
from jax.experimental import pallas as pl
from jax.experimental.pallas import tpu as pltpu
from jax.experimental.pallas import tpu_sc as plsc

DIM = 128
NUM_CORES = 2
NUM_SUBCORES = 16
NW = NUM_CORES * NUM_SUBCORES

CE = 56
CO = 72
GSZ = CE + CO
NBUF = 4
K = 2


@functools.partial(jax.jit, static_argnums=(2,))
def _gather_rows(ids_flat, table, n_rows):
    rows_per_w = n_rows // NW
    groups = rows_per_w // GSZ
    assert groups % NBUF == 0 and groups // NBUF >= 2
    mesh = plsc.VectorSubcoreMesh(core_axis_name="c", subcore_axis_name="s")

    @functools.partial(
        pl.kernel,
        mesh=mesh,
        out_type=jax.ShapeDtypeStruct((n_rows, DIM), jnp.float32),
        scratch_types=[
            pltpu.VMEM((rows_per_w,), jnp.int32),
            pltpu.VMEM((NBUF, CE, DIM), jnp.float32),
            pltpu.VMEM((NBUF, CO, DIM), jnp.float32),
            pltpu.VMEM_SHARED((NUM_SUBCORES * NBUF, CO, DIM), jnp.float32),
            pltpu.SemaphoreType.DMA((NBUF,)),
            pltpu.SemaphoreType.DMA((NBUF,)),
            pltpu.SemaphoreType.DMA((NBUF,)),
            pltpu.SemaphoreType.DMA((NBUF,)),
            pltpu.SemaphoreType.DMA((NBUF,)),
        ],
    )
    def body(ids_hbm, table_hbm, out_hbm, idx_v, rows_v, rows2_v, spm,
             gsem, ssem, gsem2, csem2, ssem2):
        wid = lax.axis_index("s") * NUM_CORES + lax.axis_index("c")
        sid = lax.axis_index("s")
        base = wid * rows_per_w
        pltpu.sync_copy(ids_hbm.at[pl.ds(base, rows_per_w)], idx_v)

        def gather_e(g, buf):
            return pltpu.make_async_copy(
                table_hbm.at[idx_v.at[pl.ds(g * GSZ, CE)]],
                rows_v.at[buf],
                gsem.at[buf],
            )

        def store_e(g, buf):
            return pltpu.make_async_copy(
                rows_v.at[buf],
                out_hbm.at[pl.ds(base + g * GSZ, CE)],
                ssem.at[buf],
            )

        def gather_o(g, buf):
            return pltpu.make_async_copy(
                table_hbm.at[idx_v.at[pl.ds(g * GSZ + CE, CO)]],
                rows2_v.at[buf],
                gsem2.at[buf],
            )

        def copy_o(buf):
            return pltpu.make_async_copy(
                rows2_v.at[buf],
                spm.at[sid * NBUF + buf],
                csem2.at[buf],
            )

        def store_o(g, buf):
            return pltpu.make_async_copy(
                spm.at[sid * NBUF + buf],
                out_hbm.at[pl.ds(base + g * GSZ + CE, CO)],
                ssem2.at[buf],
            )

        def launch(g, buf):
            gather_e(g, buf).start()
            gather_o(g, buf).start()

        def emit(g, b, do_gather, do_store_wait, do_prev):
            if do_gather:
                bk = (b + K) % NBUF
                if do_store_wait:
                    store_e(g + K - NBUF, bk).wait()
                    store_o(g + K - NBUF, bk).wait()
                launch(g + K, bk)
            gather_e(g, b).wait()
            store_e(g, b).start()
            gather_o(g, b).wait()
            copy_o(b).start()
            if do_prev:
                bp = (b - 1) % NBUF
                copy_o(bp).wait()
                store_o(g - 1, bp).start()

        for i in range(K):
            launch(i, i)
        for g in range(NBUF):
            emit(g, g, True, g + K - NBUF >= 0, g >= 1)

        def outer(g0, carry):
            for j in range(NBUF):
                emit(g0 * NBUF + j, j, True, True, True)
            return carry

        lax.fori_loop(1, groups // NBUF - 1, outer, 0)

        for j in range(NBUF):
            g = groups - NBUF + j
            emit(g, j, g + K < groups, True, True)
        copy_o(NBUF - 1).wait()
        store_o(groups - 1, NBUF - 1).start()
        for j in range(NBUF):
            store_e(groups - NBUF + j, j).wait()
            store_o(groups - NBUF + j, j).wait()

    return body(ids_flat, table)


def kernel(input_ids, embedding_weight):
    b, l = input_ids.shape
    n_rows = b * l
    out = _gather_rows(input_ids.reshape(n_rows), embedding_weight, n_rows)
    return out.reshape(b, l, DIM)

# --- scband reference (transcript-rebuilt; emitter-appended) ---
"""Pipeline reference for scband-r2-d2-base-44306882625966 (READ-ONLY COPY).

The authoritative reference and input builder live on the scoring server;
editing this copy changes nothing except your own understanding.
"""

import jax, jax.numpy as jnp
import numpy as np

VOCAB = 1000000
DIM = 128
B = 4096
L = 200


def setup_inputs(seed: int = 0) -> dict:
    key = jax.random.key(seed)
    k_idx, k_emb = jax.random.split(key)
    # indices into the embedding table (int32 to avoid x64 requirement; values < VOCAB)
    input_ids = jax.random.randint(k_idx, (B, L), 0, VOCAB, dtype=jnp.int32)
    # embedding table initialized like the module: normal(mean=0, std=0.02)
    embedding_weight = jax.random.normal(k_emb, (VOCAB, DIM), dtype=jnp.float32) * 0.02
    return {"input_ids": input_ids, "embedding_weight": embedding_weight}


def reference(input_ids, embedding_weight):
    # R2D2Base has no explicit forward; its core token encoding op is the
    # embedding lookup: self.embedding(input_ids)
    return jnp.take(embedding_weight, input_ids, axis=0)

if __name__ == "__main__":
    import jax
    _d = setup_inputs()
    print(jax.jit(kernel)(*tuple(_d.values())))

</pallas_src>

<mosaic_0001>
#map = affine_map<(d0, d1) -> (0)>
#map1 = affine_map<(d0, d1) -> (0, 0)>
module attributes {stable_mosaic.version = 14 : i64} {
  func.func @body(%arg0: i32, %arg1: i32, %arg2: memref<819200xi32, #tpu.memory_space<hbm>>, %arg3: memref<1000000x128xf32, #tpu.memory_space<hbm>>, %arg4: memref<819200x128xf32, #tpu.memory_space<hbm>>, %arg5: memref<25600xi32, #tpu.memory_space<vmem>>, %arg6: memref<4x56x128xf32, #tpu.memory_space<vmem>>, %arg7: memref<4x72x128xf32, #tpu.memory_space<vmem>>, %arg8: memref<64x72x128xf32, #tpu.memory_space<vmem_shared>>, %arg9: memref<4x!tpu.dma_semaphore, #tpu.memory_space<semaphore_mem>>, %arg10: memref<4x!tpu.dma_semaphore, #tpu.memory_space<semaphore_mem>>, %arg11: memref<4x!tpu.dma_semaphore, #tpu.memory_space<semaphore_mem>>, %arg12: memref<4x!tpu.dma_semaphore, #tpu.memory_space<semaphore_mem>>, %arg13: memref<4x!tpu.dma_semaphore, #tpu.memory_space<semaphore_mem>>) attributes {dimension_semantics = [#tpu.dimension_semantics<core_parallel>, #tpu.dimension_semantics<subcore_parallel>], iteration_bounds = array<i64: 2, 16>, scalar_prefetch = 0 : i64, scratch_operands = 9 : i64, tpu.core_type = #tpu.core_type<sc_vector_subcore>, window_params = [{transform_indices = #map}, {transform_indices = #map1}, {transform_indices = #map1}]} {
    %mul3A = arith.constant 2 : i32
    %mul3A_0 = arith.muli %arg1, %mul3A : i32
    %add3A = arith.addi %mul3A_0, %arg0 : i32
    %mul3A_1 = arith.constant 25600 : i32
    %mul3A_2 = arith.muli %add3A, %mul3A_1 : i32
    "tpu.region"() ({
      %run_scoped3A = tpu.sem_alloc : memref<!tpu.dma_semaphore, #tpu.memory_space<semaphore_mem>>
      %dma_start3A_1366 = tpu.memref_slice %arg2[%mul3A_2] : memref<819200xi32, #tpu.memory_space<hbm>> -> memref<25600xi32, #tpu.memory_space<hbm>>
      %dma_start3A_1367 = tpu.memref_slice %arg2[%mul3A_2] : memref<819200xi32, #tpu.memory_space<hbm>> -> memref<25600xi32, #tpu.memory_space<hbm>>
      tpu.enqueue_dma source(%dma_start3A_1367 : memref<25600xi32, #tpu.memory_space<hbm>>) target(%arg5 : memref<25600xi32, #tpu.memory_space<vmem>>) target_semaphore(%run_scoped3A : memref<!tpu.dma_semaphore, #tpu.memory_space<semaphore_mem>>)
      %dma_wait3A_1368 = tpu.memref_slice %arg2[%mul3A_2] : memref<819200xi32, #tpu.memory_space<hbm>> -> memref<25600xi32, #tpu.memory_space<hbm>>
      %dma_wait3A_1369 = tpu.memref_slice %arg2[%mul3A_2] : memref<819200xi32, #tpu.memory_space<hbm>> -> memref<25600xi32, #tpu.memory_space<hbm>>
      tpu.wait_dma2 semaphore(%run_scoped3A : memref<!tpu.dma_semaphore, #tpu.memory_space<semaphore_mem>>) src(%dma_wait3A_1369 : memref<25600xi32, #tpu.memory_space<hbm>>) dst(%arg5 : memref<25600xi32, #tpu.memory_space<vmem>>)
      tpu.yield
    }) : () -> ()
    %dma_start3A = arith.constant 0 : i32
    %dma_start3A_3 = arith.constant 0 : i32
    %dma_start3A_4 = arith.constant 0 : i32
    %dma_start3A_5 = arith.constant 0 : i32
    %dma_start3A_6 = tpu.memref_slice %arg6[%dma_start3A, %dma_start3A_4, %dma_start3A_5] : memref<4x56x128xf32, #tpu.memory_space<vmem>> -> memref<1x56x128xf32, #tpu.memory_space<vmem>>
    %dma_start3A_7 = tpu.memref_squeeze %dma_start3A_6 : memref<1x56x128xf32, #tpu.memory_space<vmem>> -> memref<56x128xf32, #tpu.memory_space<vmem>>
    %dma_start3A_8 = arith.constant 0 : i32
    %dma_start3A_9 = tpu.memref_slice %arg5[%dma_start3A_8] : memref<25600xi32, #tpu.memory_space<vmem>> -> memref<56xi32, #tpu.memory_space<vmem>>
    %dma_start3A_10 = arith.constant 0 : i32
    %dma_start3A_11 = arith.constant 0 : i32
    %dma_start3A_12 = tpu.memref_slice %arg3[%dma_start3A_10, %dma_start3A_11] : memref<1000000x128xf32, #tpu.memory_space<hbm>> -> memref<1000000x128xf32, #tpu.memory_space<hbm>>
    %dma_start3A_13 = tpu.memref_slice %arg9[%dma_start3A_3] : memref<4x!tpu.dma_semaphore, #tpu.memory_space<semaphore_mem>> -> memref<1x!tpu.dma_semaphore, #tpu.memory_space<semaphore_mem>>
    %dma_start3A_14 = tpu.memref_squeeze %dma_start3A_13 : memref<1x!tpu.dma_semaphore, #tpu.memory_space<semaphore_mem>> -> memref<!tpu.dma_semaphore, #tpu.memory_space<semaphore_mem>>
    tpu.enqueue_indirect_dma source(%dma_start3A_12 : memref<1000000x128xf32, #tpu.memory_space<hbm>>) target(%dma_start3A_7 : memref<56x128xf32, #tpu.memory_space<vmem>>) offsets(%dma_start3A_9 : memref<56xi32, #tpu.memory_space<vmem>>) semaphore(%dma_start3A_14 : memref<!tpu.dma_semaphore, #tpu.memory_space<semaphore_mem>>)
    %dma_start3A_15 = arith.constant 0 : i32
    %dma_start3A_16 = arith.constant 0 : i32
    %dma_start3A_17 = arith.constant 0 : i32
    %dma_start3A_18 = arith.constant 0 : i32
    %dma_start3A_19 = tpu.memref_slice %arg7[%dma_start3A_15, %dma_start3A_17, %dma_start3A_18] : memref<4x72x128xf32, #tpu.memory_space<vmem>> -> memref<1x72x128xf32, #tpu.memory_space<vmem>>
    %dma_start3A_20 = tpu.memref_squeeze %dma_start3A_19 : memref<1x72x128xf32, #tpu.memory_space<vmem>> -> memref<72x128xf32, #tpu.memory_space<vmem>>
    %dma_start3A_21 = arith.constant 56 : i32
    %dma_start3A_22 = tpu.memref_slice %arg5[%dma_start3A_21] : memref<25600xi32, #tpu.memory_space<vmem>> -> memref<72xi32, #tpu.memory_space<vmem>>
    %dma_start3A_23 = arith.constant 0 : i32
    %dma_start3A_24 = arith.constant 0 : i32
    %dma_start3A_25 = tpu.memref_slice %arg3[%dma_start3A_23, %dma_start3A_24] : memref<1000000x128xf32, #tpu.memory_space<hbm>> -> memref<1000000x128xf32, #tpu.memory_space<hbm>>
    %dma_start3A_26 = tpu.memref_slice %arg11[%dma_start3A_16] : memref<4x!tpu.dma_semaphore, #tpu.memory_space<semaphore_mem>> -> memref<1x!tpu.dma_semaphore, #tpu.memory_space<semaphore_mem>>
    %dma_start3A_27 = tpu.memref_squeeze %dma_start3A_26 : memref<1x!tpu.dma_semaphore, #tpu.memory_space<semaphore_mem>> -> memref<!tpu.dma_semaphore, #tpu.memory_space<semaphore_mem>>
    tpu.enqueue_indirect_dma source(%dma_start3A_25 : memref<1000000x128xf32, #tpu.memory_space<hbm>>) target(%dma_start3A_20 : memref<72x128xf32, #tpu.memory_space<vmem>>) offsets(%dma_start3A_22 : memref<72xi32, #tpu.memory_space<vmem>>) semaphore(%dma_start3A_27 : memref<!tpu.dma_semaphore, #tpu.memory_space<semaphore_mem>>)
    %dma_start3A_28 = arith.constant 1 : i32
    %dma_start3A_29 = arith.constant 1 : i32
    %dma_start3A_30 = arith.constant 0 : i32
    %dma_start3A_31 = arith.constant 0 : i32
    %dma_start3A_32 = tpu.memref_slice %arg6[%dma_start3A_28, %dma_start3A_30, %dma_start3A_31] : memref<4x56x128xf32, #tpu.memory_space<vmem>> -> memref<1x56x128xf32, #tpu.memory_space<vmem>>
    %dma_start3A_33 = tpu.memref_squeeze %dma_start3A_32 : memref<1x56x128xf32, #tpu.memory_space<vmem>> -> memref<56x128xf32, #tpu.memory_space<vmem>>
    %dma_start3A_34 = arith.constant 128 : i32
    %dma_start3A_35 = tpu.memref_slice %arg5[%dma_start3A_34] : memref<25600xi32, #tpu.memory_space<vmem>> -> memref<56xi32, #tpu.memory_space<vmem>>
    %dma_start3A_36 = arith.constant 0 : i32
    %dma_start3A_37 = arith.constant 0 : i32
    %dma_start3A_38 = tpu.memref_slice %arg3[%dma_start3A_36, %dma_start3A_37] : memref<1000000x128xf32, #tpu.memory_space<hbm>> -> memref<1000000x128xf32, #tpu.memory_space<hbm>>
    %dma_start3A_39 = tpu.memref_slice %arg9[%dma_start3A_29] : memref<4x!tpu.dma_semaphore, #tpu.memory_space<semaphore_mem>> -> memref<1x!tpu.dma_semaphore, #tpu.memory_space<semaphore_mem>>
    %dma_start3A_40 = tpu.memref_squeeze %dma_start3A_39 : memref<1x!tpu.dma_semaphore, #tpu.memory_space<semaphore_mem>> -> memref<!tpu.dma_semaphore, #tpu.memory_space<semaphore_mem>>
    tpu.enqueue_indirect_dma source(%dma_start3A_38 : memref<1000000x128xf32, #tpu.memory_space<hbm>>) target(%dma_start3A_33 : memref<56x128xf32, #tpu.memory_space<vmem>>) offsets(%dma_start3A_35 : memref<56xi32, #tpu.memory_space<vmem>>) semaphore(%dma_start3A_40 : memref<!tpu.dma_semaphore, #tpu.memory_space<semaphore_mem>>)
    %dma_start3A_41 = arith.constant 1 : i32
    %dma_start3A_42 = arith.constant 1 : i32
    %dma_start3A_43 = arith.constant 0 : i32
    %dma_start3A_44 = arith.constant 0 : i32
    %dma_start3A_45 = tpu.memref_slice %arg7[%dma_start3A_41, %dma_start3A_43, %dma_start3A_44] : memref<4x72x128xf32, #tpu.memory_space<vmem>> -> memref<1x72x128xf32, #tpu.memory_space<vmem>>
    %dma_start3A_46 = tpu.memref_squeeze %dma_start3A_45 : memref<1x72x128xf32, #tpu.memory_space<vmem>> -> memref<72x128xf32, #tpu.memory_space<vmem>>
    %dma_start3A_47 = arith.constant 184 : i32
    %dma_start3A_48 = tpu.memref_slice %arg5[%dma_start3A_47] : memref<25600xi32, #tpu.memory_space<vmem>> -> memref<72xi32, #tpu.memory_space<vmem>>
    %dma_start3A_49 = arith.constant 0 : i32
    %dma_start3A_50 = arith.constant 0 : i32
    %dma_start3A_51 = tpu.memref_slice %arg3[%dma_start3A_49, %dma_start3A_50] : memref<1000000x128xf32, #tpu.memory_space<hbm>> -> memref<1000000x128xf32, #tpu.memory_space<hbm>>
    %dma_start3A_52 = tpu.memref_slice %arg11[%dma_start3A_42] : memref<4x!tpu.dma_semaphore, #tpu.memory_space<semaphore_mem>> -> memref<1x!tpu.dma_semaphore, #tpu.memory_space<semaphore_mem>>
    %dma_start3A_53 = tpu.memref_squeeze %dma_start3A_52 : memref<1x!tpu.dma_semaphore, #tpu.memory_space<semaphore_mem>> -> memref<!tpu.dma_semaphore, #tpu.memory_space<semaphore_mem>>
    tpu.enqueue_indirect_dma source(%dma_start3A_51 : memref<1000000x128xf32, #tpu.memory_space<hbm>>) target(%dma_start3A_46 : memref<72x128xf32, #tpu.memory_space<vmem>>) offsets(%dma_start3A_48 : memref<72xi32, #tpu.memory_space<vmem>>) semaphore(%dma_start3A_53 : memref<!tpu.dma_semaphore, #tpu.memory_space<semaphore_mem>>)
    %dma_start3A_54 = arith.constant 2 : i32
    %dma_start3A_55 = arith.constant 2 : i32
    %dma_start3A_56 = arith.constant 0 : i32
    %dma_start3A_57 = arith.constant 0 : i32
    %dma_start3A_58 = tpu.memref_slice %arg6[%dma_start3A_54, %dma_start3A_56, %dma_start3A_57] : memref<4x56x128xf32, #tpu.memory_space<vmem>> -> memref<1x56x128xf32, #tpu.memory_space<vmem>>
    %dma_start3A_59 = tpu.memref_squeeze %dma_start3A_58 : memref<1x56x128xf32, #tpu.memory_space<vmem>> -> memref<56x128xf32, #tpu.memory_space<vmem>>
    %dma_start3A_60 = arith.constant 256 : i32
    %dma_start3A_61 = tpu.memref_slice %arg5[%dma_start3A_60] : memref<25600xi32, #tpu.memory_space<vmem>> -> memref<56xi32, #tpu.memory_space<vmem>>
    %dma_start3A_62 = arith.constant 0 : i32
    %dma_start3A_63 = arith.constant 0 : i32
    %dma_start3A_64 = tpu.memref_slice %arg3[%dma_start3A_62, %dma_start3A_63] : memref<1000000x128xf32, #tpu.memory_space<hbm>> -> memref<1000000x128xf32, #tpu.memory_space<hbm>>
    %dma_start3A_65 = tpu.memref_slice %arg9[%dma_start3A_55] : memref<4x!tpu.dma_semaphore, #tpu.memory_space<semaphore_mem>> -> memref<1x!tpu.dma_semaphore, #tpu.memory_space<semaphore_mem>>
    %dma_start3A_66 = tpu.memref_squeeze %dma_start3A_65 : memref<1x!tpu.dma_semaphore, #tpu.memory_space<semaphore_mem>> -> memref<!tpu.dma_semaphore, #tpu.memory_space<semaphore_mem>>
    tpu.enqueue_indirect_dma source(%dma_start3A_64 : memref<1000000x128xf32, #tpu.memory_space<hbm>>) target(%dma_start3A_59 : memref<56x128xf32, #tpu.memory_space<vmem>>) offsets(%dma_start3A_61 : memref<56xi32, #tpu.memory_space<vmem>>) semaphore(%dma_start3A_66 : memref<!tpu.dma_semaphore, #tpu.memory_space<semaphore_mem>>)
    %dma_start3A_67 = arith.constant 2 : i32
    %dma_start3A_68 = arith.constant 2 : i32
    %dma_start3A_69 = arith.constant 0 : i32
    %dma_start3A_70 = arith.constant 0 : i32
    %dma_start3A_71 = tpu.memref_slice %arg7[%dma_start3A_67, %dma_start3A_69, %dma_start3A_70] : memref<4x72x128xf32, #tpu.memory_space<vmem>> -> memref<1x72x128xf32, #tpu.memory_space<vmem>>
    %dma_start3A_72 = tpu.memref_squeeze %dma_start3A_71 : memref<1x72x128xf32, #tpu.memory_space<vmem>> -> memref<72x128xf32, #tpu.memory_space<vmem>>
    %dma_start3A_73 = arith.constant 312 : i32
    %dma_start3A_74 = tpu.memref_slice %arg5[%dma_start3A_73] : memref<25600xi32, #tpu.memory_space<vmem>> -> memref<72xi32, #tpu.memory_space<vmem>>
    %dma_start3A_75 = arith.constant 0 : i32
    %dma_start3A_76 = arith.constant 0 : i32
    %dma_start3A_77 = tpu.memref_slice %arg3[%dma_start3A_75, %dma_start3A_76] : memref<1000000x128xf32, #tpu.memory_space<hbm>> -> memref<1000000x128xf32, #tpu.memory_space<hbm>>
    %dma_start3A_78 = tpu.memref_slice %arg11[%dma_start3A_68] : memref<4x!tpu.dma_semaphore, #tpu.memory_space<semaphore_mem>> -> memref<1x!tpu.dma_semaphore, #tpu.memory_space<semaphore_mem>>
    %dma_start3A_79 = tpu.memref_squeeze %dma_start3A_78 : memref<1x!tpu.dma_semaphore, #tpu.memory_space<semaphore_mem>> -> memref<!tpu.dma_semaphore, #tpu.memory_space<semaphore_mem>>
    tpu.enqueue_indirect_dma source(%dma_start3A_77 : memref<1000000x128xf32, #tpu.memory_space<hbm>>) target(%dma_start3A_72 : memref<72x128xf32, #tpu.memory_space<vmem>>) offsets(%dma_start3A_74 : memref<72xi32, #tpu.memory_space<vmem>>) semaphore(%dma_start3A_79 : memref<!tpu.dma_semaphore, #tpu.memory_space<semaphore_mem>>)
    %dma_wait3A = arith.constant 0 : i32
    %dma_wait3A_80 = arith.constant 0 : i32
    %dma_wait3A_81 = arith.constant 0 : i32
    %dma_wait3A_82 = arith.constant 0 : i32
    %dma_wait3A_83 = tpu.memref_slice %arg6[%dma_wait3A, %dma_wait3A_81, %dma_wait3A_82] : memref<4x56x128xf32, #tpu.memory_space<vmem>> -> memref<1x56x128xf32, #tpu.memory_space<vmem>>
    %dma_wait3A_84 = tpu.memref_squeeze %dma_wait3A_83 : memref<1x56x128xf32, #tpu.memory_space<vmem>> -> memref<56x128xf32, #tpu.memory_space<vmem>>
    %dma_wait3A_85 = arith.constant 0 : i32
    %dma_wait3A_86 = tpu.memref_slice %arg5[%dma_wait3A_85] : memref<25600xi32, #tpu.memory_space<vmem>> -> memref<56xi32, #tpu.memory_space<vmem>>
    %dma_wait3A_87 = arith.constant 0 : i32
    %dma_wait3A_88 = arith.constant 0 : i32
    %dma_wait3A_89 = tpu.memref_slice %arg3[%dma_wait3A_87, %dma_wait3A_88] : memref<1000000x128xf32, #tpu.memory_space<hbm>> -> memref<1000000x128xf32, #tpu.memory_space<hbm>>
    %dma_wait3A_90 = tpu.memref_slice %arg9[%dma_wait3A_80] : memref<4x!tpu.dma_semaphore, #tpu.memory_space<semaphore_mem>> -> memref<1x!tpu.dma_semaphore, #tpu.memory_space<semaphore_mem>>
    %dma_wait3A_91 = tpu.memref_squeeze %dma_wait3A_90 : memref<1x!tpu.dma_semaphore, #tpu.memory_space<semaphore_mem>> -> memref<!tpu.dma_semaphore, #tpu.memory_space<semaphore_mem>>
    tpu.wait_indirect_dma semaphore(%dma_wait3A_91 : memref<!tpu.dma_semaphore, #tpu.memory_space<semaphore_mem>>) src(%dma_wait3A_89 : memref<1000000x128xf32, #tpu.memory_space<hbm>>) dst(%dma_wait3A_84 : memref<56x128xf32, #tpu.memory_space<vmem>>)
    %add3A_92 = arith.constant 0 : i32
    %add3A_93 = arith.addi %mul3A_2, %add3A_92 : i32
    %dma_start3A_94 = arith.constant 0 : i32
    %dma_start3A_95 = arith.constant 0 : i32
    %dma_start3A_96 = arith.constant 0 : i32
    %dma_start3A_97 = arith.constant 0 : i32
    %dma_start3A_98 = tpu.memref_slice %arg6[%dma_start3A_94, %dma_start3A_96, %dma_start3A_97] : memref<4x56x128xf32, #tpu.memory_space<vmem>> -> memref<1x56x128xf32, #tpu.memory_space<vmem>>
    %dma_start3A_99 = tpu.memref_squeeze %dma_start3A_98 : memref<1x56x128xf32, #tpu.memory_space<vmem>> -> memref<56x128xf32, #tpu.memory_space<vmem>>
    %dma_start3A_100 = arith.constant 0 : i32
    %dma_start3A_101 = tpu.memref_slice %arg4[%add3A_93, %dma_start3A_100] : memref<819200x128xf32, #tpu.memory_space<hbm>> -> memref<56x128xf32, #tpu.memory_space<hbm>>
    %dma_start3A_102 = tpu.memref_slice %arg10[%dma_start3A_95] : memref<4x!tpu.dma_semaphore, #tpu.memory_space<semaphore_mem>> -> memref<1x!tpu.dma_semaphore, #tpu.memory_space<semaphore_mem>>
    %dma_start3A_103 = tpu.memref_squeeze %dma_start3A_102 : memref<1x!tpu.dma_semaphore, #tpu.memory_space<semaphore_mem>> -> memref<!tpu.dma_semaphore, #tpu.memory_space<semaphore_mem>>
    %dma_start3A_104 = arith.constant 0 : i32
    %dma_start3A_105 = tpu.memref_slice %arg4[%add3A_93, %dma_start3A_104] : memref<819200x128xf32, #tpu.memory_space<hbm>> -> memref<56x128xf32, #tpu.memory_space<hbm>>
    %dma_start3A_106 = arith.constant 0 : i32
    %dma_start3A_107 = arith.constant 0 : i32
    %dma_start3A_108 = tpu.memref_slice %arg6[%dma_start3A_94, %dma_start3A_106, %dma_start3A_107] : memref<4x56x128xf32, #tpu.memory_space<vmem>> -> memref<1x56x128xf32, #tpu.memory_space<vmem>>
    %dma_start3A_109 = tpu.memref_squeeze %dma_start3A_108 : memref<1x56x128xf32, #tpu.memory_space<vmem>> -> memref<56x128xf32, #tpu.memory_space<vmem>>
    tpu.enqueue_dma source(%dma_start3A_109 : memref<56x128xf32, #tpu.memory_space<vmem>>) target(%dma_start3A_105 : memref<56x128xf32, #tpu.memory_space<hbm>>) target_semaphore(%dma_start3A_103 : memref<!tpu.dma_semaphore, #tpu.memory_space<semaphore_mem>>)
    %dma_wait3A_110 = arith.constant 0 : i32
    %dma_wait3A_111 = arith.constant 0 : i32
    %dma_wait3A_112 = arith.constant 0 : i32
    %dma_wait3A_113 = arith.constant 0 : i32
    %dma_wait3A_114 = tpu.memref_slice %arg7[%dma_wait3A_110, %dma_wait3A_112, %dma_wait3A_113] : memref<4x72x128xf32, #tpu.memory_space<vmem>> -> memref<1x72x128xf32, #tpu.memory_space<vmem>>
    %dma_wait3A_115 = tpu.memref_squeeze %dma_wait3A_114 : memref<1x72x128xf32, #tpu.memory_space<vmem>> -> memref<72x128xf32, #tpu.memory_space<vmem>>
    %dma_wait3A_116 = arith.constant 56 : i32
    %dma_wait3A_117 = tpu.memref_slice %arg5[%dma_wait3A_116] : memref<25600xi32, #tpu.memory_space<vmem>> -> memref<72xi32, #tpu.memory_space<vmem>>
    %dma_wait3A_118 = arith.constant 0 : i32
    %dma_wait3A_119 = arith.constant 0 : i32
    %dma_wait3A_120 = tpu.memref_slice %arg3[%dma_wait3A_118, %dma_wait3A_119] : memref<1000000x128xf32, #tpu.memory_space<hbm>> -> memref<1000000x128xf32, #tpu.memory_space<hbm>>
    %dma_wait3A_121 = tpu.memref_slice %arg11[%dma_wait3A_111] : memref<4x!tpu.dma_semaphore, #tpu.memory_space<semaphore_mem>> -> memref<1x!tpu.dma_semaphore, #tpu.memory_space<semaphore_mem>>
    %dma_wait3A_122 = tpu.memref_squeeze %dma_wait3A_121 : memref<1x!tpu.dma_semaphore, #tpu.memory_space<semaphore_mem>> -> memref<!tpu.dma_semaphore, #tpu.memory_space<semaphore_mem>>
    tpu.wait_indirect_dma semaphore(%dma_wait3A_122 : memref<!tpu.dma_semaphore, #tpu.memory_space<semaphore_mem>>) src(%dma_wait3A_120 : memref<1000000x128xf32, #tpu.memory_space<hbm>>) dst(%dma_wait3A_115 : memref<72x128xf32, #tpu.memory_space<vmem>>)
    %mul3A_123 = arith.constant 4 : i32
    %mul3A_124 = arith.muli %arg1, %mul3A_123 : i32
    %add3A_125 = arith.constant 0 : i32
    %add3A_126 = arith.addi %mul3A_124, %add3A_125 : i32
    %dma_start3A_127 = arith.constant 0 : i32
    %dma_start3A_128 = arith.constant 0 : i32
    %dma_start3A_129 = arith.constant 0 : i32
    %dma_start3A_130 = arith.constant 0 : i32
    %dma_start3A_131 = tpu.memref_slice %arg7[%dma_start3A_127, %dma_start3A_129, %dma_start3A_130] : memref<4x72x128xf32, #tpu.memory_space<vmem>> -> memref<1x72x128xf32, #tpu.memory_space<vmem>>
    %dma_start3A_132 = tpu.memref_squeeze %dma_start3A_131 : memref<1x72x128xf32, #tpu.memory_space<vmem>> -> memref<72x128xf32, #tpu.memory_space<vmem>>
    %dma_start3A_133 = arith.constant 0 : i32
    %dma_start3A_134 = arith.constant 0 : i32
    %dma_start3A_135 = tpu.memref_slice %arg8[%add3A_126, %dma_start3A_133, %dma_start3A_134] : memref<64x72x128xf32, #tpu.memory_space<vmem_shared>> -> memref<1x72x128xf32, #tpu.memory_space<vmem_shared>>
    %dma_start3A_136 = tpu.memref_squeeze %dma_start3A_135 : memref<1x72x128xf32, #tpu.memory_space<vmem_shared>> -> memref<72x128xf32, #tpu.memory_space<vmem_shared>>
    %dma_start3A_137 = tpu.memref_slice %arg12[%dma_start3A_128] : memref<4x!tpu.dma_semaphore, #tpu.memory_space<semaphore_mem>> -> memref<1x!tpu.dma_semaphore, #tpu.memory_space<semaphore_mem>>
    %dma_start3A_138 = tpu.memref_squeeze %dma_start3A_137 : memref<1x!tpu.dma_semaphore, #tpu.memory_space<semaphore_mem>> -> memref<!tpu.dma_semaphore, #tpu.memory_space<semaphore_mem>>
    %dma_start3A_139 = arith.constant 0 : i32
    %dma_start3A_140 = arith.constant 0 : i32
    %dma_start3A_141 = tpu.memref_slice %arg8[%add3A_126, %dma_start3A_139, %dma_start3A_140] : memref<64x72x128xf32, #tpu.memory_space<vmem_shared>> -> memref<1x72x128xf32, #tpu.memory_space<vmem_shared>>
    %dma_start3A_142 = tpu.memref_squeeze %dma_start3A_141 : memref<1x72x128xf32, #tpu.memory_space<vmem_shared>> -> memref<72x128xf32, #tpu.memory_space<vmem_shared>>
    %dma_start3A_143 = arith.constant 0 : i32
    %dma_start3A_144 = arith.constant 0 : i32
    %dma_start3A_145 = tpu.memref_slice %arg7[%dma_start3A_127, %dma_start3A_143, %dma_start3A_144] : memref<4x72x128xf32, #tpu.memory_space<vmem>> -> memref<1x72x128xf32, #tpu.memory_space<vmem>>
    %dma_start3A_146 = tpu.memref_squeeze %dma_start3A_145 : memref<1x72x128xf32, #tpu.memory_space<vmem>> -> memref<72x128xf32, #tpu.memory_space<vmem>>
    tpu.enqueue_dma source(%dma_start3A_146 : memref<72x128xf32, #tpu.memory_space<vmem>>) target(%dma_start3A_142 : memref<72x128xf32, #tpu.memory_space<vmem_shared>>) target_semaphore(%dma_start3A_138 : memref<!tpu.dma_semaphore, #tpu.memory_space<semaphore_mem>>)
    %dma_start3A_147 = arith.constant 3 : i32
    %dma_start3A_148 = arith.constant 3 : i32
    %dma_start3A_149 = arith.constant 0 : i32
    %dma_start3A_150 = arith.constant 0 : i32
    %dma_start3A_151 = tpu.memref_slice %arg6[%dma_start3A_147, %dma_start3A_149, %dma_start3A_150] : memref<4x56x128xf32, #tpu.memory_space<vmem>> -> memref<1x56x128xf32, #tpu.memory_space<vmem>>
    %dma_start3A_152 = tpu.memref_squeeze %dma_start3A_151 : memref<1x56x128xf32, #tpu.memory_space<vmem>> -> memref<56x128xf32, #tpu.memory_space<vmem>>
    %dma_start3A_153 = arith.constant 384 : i32
    %dma_start3A_154 = tpu.memref_slice %arg5[%dma_start3A_153] : memref<25600xi32, #tpu.memory_space<vmem>> -> memref<56xi32, #tpu.memory_space<vmem>>
    %dma_start3A_155 = arith.constant 0 : i32
    %dma_start3A_156 = arith.constant 0 : i32
    %dma_start3A_157 = tpu.memref_slice %arg3[%dma_start3A_155, %dma_start3A_156] : memref<1000000x128xf32, #tpu.memory_space<hbm>> -> memref<1000000x128xf32, #tpu.memory_space<hbm>>
    %dma_start3A_158 = tpu.memref_slice %arg9[%dma_start3A_148] : memref<4x!tpu.dma_semaphore, #tpu.memory_space<semaphore_mem>> -> memref<1x!tpu.dma_semaphore, #tpu.memory_space<semaphore_mem>>
    %dma_start3A_159 = tpu.memref_squeeze %dma_start3A_158 : memref<1x!tpu.dma_semaphore, #tpu.memory_space<semaphore_mem>> -> memref<!tpu.dma_semaphore, #tpu.memory_space<semaphore_mem>>
    tpu.enqueue_indirect_dma source(%dma_start3A_157 : memref<1000000x128xf32, #tpu.memory_space<hbm>>) target(%dma_start3A_152 : memref<56x128xf32, #tpu.memory_space<vmem>>) offsets(%dma_start3A_154 : memref<56xi32, #tpu.memory_space<vmem>>) semaphore(%dma_start3A_159 : memref<!tpu.dma_semaphore, #tpu.memory_space<semaphore_mem>>)
    %dma_start3A_160 = arith.constant 3 : i32
    %dma_start3A_161 = arith.constant 3 : i32
    %dma_start3A_162 = arith.constant 0 : i32
    %dma_start3A_163 = arith.constant 0 : i32
    %dma_start3A_164 = tpu.memref_slice %arg7[%dma_start3A_160, %dma_start3A_162, %dma_start3A_163] : memref<4x72x128xf32, #tpu.memory_space<vmem>> -> memref<1x72x128xf32, #tpu.memory_space<vmem>>
    %dma_start3A_165 = tpu.memref_squeeze %dma_start3A_164 : memref<1x72x128xf32, #tpu.memory_space<vmem>> -> memref<72x128xf32, #tpu.memory_space<vmem>>
    %dma_start3A_166 = arith.constant 440 : i32
    %dma_start3A_167 = tpu.memref_slice %arg5[%dma_start3A_166] : memref<25600xi32, #tpu.memory_space<vmem>> -> memref<72xi32, #tpu.memory_space<vmem>>
    %dma_start3A_168 = arith.constant 0 : i32
    %dma_start3A_169 = arith.constant 0 : i32
    %dma_start3A_170 = tpu.memref_slice %arg3[%dma_start3A_168, %dma_start3A_169] : memref<1000000x128xf32, #tpu.memory_space<hbm>> -> memref<1000000x128xf32, #tpu.memory_space<hbm>>
    %dma_start3A_171 = tpu.memref_slice %arg11[%dma_start3A_161] : memref<4x!tpu.dma_semaphore, #tpu.memory_space<semaphore_mem>> -> memref<1x!tpu.dma_semaphore, #tpu.memory_space<semaphore_mem>>
    %dma_start3A_172 = tpu.memref_squeeze %dma_start3A_171 : memref<1x!tpu.dma_semaphore, #tpu.memory_space<semaphore_mem>> -> memref<!tpu.dma_semaphore, #tpu.memory_space<semaphore_mem>>
    tpu.enqueue_indirect_dma source(%dma_start3A_170 : memref<1000000x128xf32, #tpu.memory_space<hbm>>) target(%dma_start3A_165 : memref<72x128xf32, #tpu.memory_space<vmem>>) offsets(%dma_start3A_167 : memref<72xi32, #tpu.memory_space<vmem>>) semaphore(%dma_start3A_172 : memref<!tpu.dma_semaphore, #tpu.memory_space<semaphore_mem>>)
    %dma_wait3A_173 = arith.constant 1 : i32
    %dma_wait3A_174 = arith.constant 1 : i32
    %dma_wait3A_175 = arith.constant 0 : i32
    %dma_wait3A_176 = arith.constant 0 : i32
    %dma_wait3A_177 = tpu.memref_slice %arg6[%dma_wait3A_173, %dma_wait3A_175, %dma_wait3A_176] : memref<4x56x128xf32, #tpu.memory_space<vmem>> -> memref<1x56x128xf32, #tpu.memory_space<vmem>>
    %dma_wait3A_178 = tpu.memref_squeeze %dma_wait3A_177 : memref<1x56x128xf32, #tpu.memory_space<vmem>> -> memref<56x128xf32, #tpu.memory_space<vmem>>
    %dma_wait3A_179 = arith.constant 128 : i32
    %dma_wait3A_180 = tpu.memref_slice %arg5[%dma_wait3A_179] : memref<25600xi32, #tpu.memory_space<vmem>> -> memref<56xi32, #tpu.memory_space<vmem>>
    %dma_wait3A_181 = arith.constant 0 : i32
    %dma_wait3A_182 = arith.constant 0 : i32
    %dma_wait3A_183 = tpu.memref_slice %arg3[%dma_wait3A_181, %dma_wait3A_182] : memref<1000000x128xf32, #tpu.memory_space<hbm>> -> memref<1000000x128xf32, #tpu.memory_space<hbm>>
    %dma_wait3A_184 = tpu.memref_slice %arg9[%dma_wait3A_174] : memref<4x!tpu.dma_semaphore, #tpu.memory_space<semaphore_mem>> -> memref<1x!tpu.dma_semaphore, #tpu.memory_space<semaphore_mem>>
    %dma_wait3A_185 = tpu.memref_squeeze %dma_wait3A_184 : memref<1x!tpu.dma_semaphore, #tpu.memory_space<semaphore_mem>> -> memref<!tpu.dma_semaphore, #tpu.memory_space<semaphore_mem>>
    tpu.wait_indirect_dma semaphore(%dma_wait3A_185 : memref<!tpu.dma_semaphore, #tpu.memory_space<semaphore_mem>>) src(%dma_wait3A_183 : memref<1000000x128xf32, #tpu.memory_space<hbm>>) dst(%dma_wait3A_178 : memref<56x128xf32, #tpu.memory_space<vmem>>)
    %add3A_186 = arith.constant 128 : i32
    %add3A_187 = arith.addi %mul3A_2, %add3A_186 : i32
    %dma_start3A_188 = arith.constant 1 : i32
    %dma_start3A_189 = arith.constant 1 : i32
    %dma_start3A_190 = arith.constant 0 : i32
    %dma_start3A_191 = arith.constant 0 : i32
    %dma_start3A_192 = tpu.memref_slice %arg6[%dma_start3A_188, %dma_start3A_190, %dma_start3A_191] : memref<4x56x128xf32, #tpu.memory_space<vmem>> -> memref<1x56x128xf32, #tpu.memory_space<vmem>>
    %dma_start3A_193 = tpu.memref_squeeze %dma_start3A_192 : memref<1x56x128xf32, #tpu.memory_space<vmem>> -> memref<56x128xf32, #tpu.memory_space<vmem>>
    %dma_start3A_194 = arith.constant 0 : i32
    %dma_start3A_195 = tpu.memref_slice %arg4[%add3A_187, %dma_start3A_194] : memref<819200x128xf32, #tpu.memory_space<hbm>> -> memref<56x128xf32, #tpu.memory_space<hbm>>
    %dma_start3A_196 = tpu.memref_slice %arg10[%dma_start3A_189] : memref<4x!tpu.dma_semaphore, #tpu.memory_space<semaphore_mem>> -> memref<1x!tpu.dma_semaphore, #tpu.memory_space<semaphore_mem>>
    %dma_start3A_197 = tpu.memref_squeeze %dma_start3A_196 : memref<1x!tpu.dma_semaphore, #tpu.memory_space<semaphore_mem>> -> memref<!tpu.dma_semaphore, #tpu.memory_space<semaphore_mem>>
    %dma_start3A_198 = arith.constant 0 : i32
    %dma_start3A_199 = tpu.memref_slice %arg4[%add3A_187, %dma_start3A_198] : memref<819200x128xf32, #tpu.memory_space<hbm>> -> memref<56x128xf32, #tpu.memory_space<hbm>>
    %dma_start3A_200 = arith.constant 0 : i32
    %dma_start3A_201 = arith.constant 0 : i32
    %dma_start3A_202 = tpu.memref_slice %arg6[%dma_start3A_188, %dma_start3A_200, %dma_start3A_201] : memref<4x56x128xf32, #tpu.memory_space<vmem>> -> memref<1x56x128xf32, #tpu.memory_space<vmem>>
    %dma_start3A_203 = tpu.memref_squeeze %dma_start3A_202 : memref<1x56x128xf32, #tpu.memory_space<vmem>> -> memref<56x128xf32, #tpu.memory_space<vmem>>
    tpu.enqueue_dma source(%dma_start3A_203 : memref<56x128xf32, #tpu.memory_space<vmem>>) target(%dma_start3A_199 : memref<56x128xf32, #tpu.memory_space<hbm>>) target_semaphore(%dma_start3A_197 : memref<!tpu.dma_semaphore, #tpu.memory_space<semaphore_mem>>)
    %dma_wait3A_204 = arith.constant 1 : i32
    %dma_wait3A_205 = arith.constant 1 : i32
    %dma_wait3A_206 = arith.constant 0 : i32
    %dma_wait3A_207 = arith.constant 0 : i32
    %dma_wait3A_208 = tpu.memref_slice %arg7[%dma_wait3A_204, %dma_wait3A_206, %dma_wait3A_207] : memref<4x72x128xf32, #tpu.memory_space<vmem>> -> memref<1x72x128xf32, #tpu.memory_space<vmem>>
    %dma_wait3A_209 = tpu.memref_squeeze %dma_wait3A_208 : memref<1x72x128xf32, #tpu.memory_space<vmem>> -> memref<72x128xf32, #tpu.memory_space<vmem>>
    %dma_wait3A_210 = arith.constant 184 : i32
    %dma_wait3A_211 = tpu.memref_slice %arg5[%dma_wait3A_210] : memref<25600xi32, #tpu.memory_space<vmem>> -> memref<72xi32, #tpu.memory_space<vmem>>
    %dma_wait3A_212 = arith.constant 0 : i32
    %dma_wait3A_213 = arith.constant 0 : i32
    %dma_wait3A_214 = tpu.memref_slice %arg3[%dma_wait3A_212, %dma_wait3A_213] : memref<1000000x128xf32, #tpu.memory_space<hbm>> -> memref<1000000x128xf32, #tpu.memory_space<hbm>>
    %dma_wait3A_215 = tpu.memref_slice %arg11[%dma_wait3A_205] : memref<4x!tpu.dma_semaphore, #tpu.memory_space<semaphore_mem>> -> memref<1x!tpu.dma_semaphore, #tpu.memory_space<semaphore_mem>>
    %dma_wait3A_216 = tpu.memref_squeeze %dma_wait3A_215 : memref<1x!tpu.dma_semaphore, #tpu.memory_space<semaphore_mem>> -> memref<!tpu.dma_semaphore, #tpu.memory_space<semaphore_mem>>
    tpu.wait_indirect_dma semaphore(%dma_wait3A_216 : memref<!tpu.dma_semaphore, #tpu.memory_space<semaphore_mem>>) src(%dma_wait3A_214 : memref<1000000x128xf32, #tpu.memory_space<hbm>>) dst(%dma_wait3A_209 : memref<72x128xf32, #tpu.memory_space<vmem>>)
    %mul3A_217 = arith.constant 4 : i32
    %mul3A_218 = arith.muli %arg1, %mul3A_217 : i32
    %add3A_219 = arith.constant 1 : i32
    %add3A_220 = arith.addi %mul3A_218, %add3A_219 : i32
    %dma_start3A_221 = arith.constant 1 : i32
    %dma_start3A_222 = arith.constant 1 : i32
    %dma_start3A_223 = arith.constant 0 : i32
    %dma_start3A_224 = arith.constant 0 : i32
    %dma_start3A_225 = tpu.memref_slice %arg7[%dma_start3A_221, %dma_start3A_223, %dma_start3A_224] : memref<4x72x128xf32, #tpu.memory_space<vmem>> -> memref<1x72x128xf32, #tpu.memory_space<vmem>>
    %dma_start3A_226 = tpu.memref_squeeze %dma_start3A_225 : memref<1x72x128xf32, #tpu.memory_space<vmem>> -> memref<72x128xf32, #tpu.memory_space<vmem>>
    %dma_start3A_227 = arith.constant 0 : i32
    %dma_start3A_228 = arith.constant 0 : i32
    %dma_start3A_229 = tpu.memref_slice %arg8[%add3A_220, %dma_start3A_227, %dma_start3A_228] : memref<64x72x128xf32, #tpu.memory_space<vmem_shared>> -> memref<1x72x128xf32, #tpu.memory_space<vmem_shared>>
    %dma_start3A_230 = tpu.memref_squeeze %dma_start3A_229 : memref<1x72x128xf32, #tpu.memory_space<vmem_shared>> -> memref<72x128xf32, #tpu.memory_space<vmem_shared>>
    %dma_start3A_231 = tpu.memref_slice %arg12[%dma_start3A_222] : memref<4x!tpu.dma_semaphore, #tpu.memory_space<semaphore_mem>> -> memref<1x!tpu.dma_semaphore, #tpu.memory_space<semaphore_mem>>
    %dma_start3A_232 = tpu.memref_squeeze %dma_start3A_231 : memref<1x!tpu.dma_semaphore, #tpu.memory_space<semaphore_mem>> -> memref<!tpu.dma_semaphore, #tpu.memory_space<semaphore_mem>>
    %dma_start3A_233 = arith.constant 0 : i32
    %dma_start3A_234 = arith.constant 0 : i32
    %dma_start3A_235 = tpu.memref_slice %arg8[%add3A_220, %dma_start3A_233, %dma_start3A_234] : memref<64x72x128xf32, #tpu.memory_space<vmem_shared>> -> memref<1x72x128xf32, #tpu.memory_space<vmem_shared>>
    %dma_start3A_236 = tpu.memref_squeeze %dma_start3A_235 : memref<1x72x128xf32, #tpu.memory_space<vmem_shared>> -> memref<72x128xf32, #tpu.memory_space<vmem_shared>>
    %dma_start3A_237 = arith.constant 0 : i32
    %dma_start3A_238 = arith.constant 0 : i32
    %dma_start3A_239 = tpu.memref_slice %arg7[%dma_start3A_221, %dma_start3A_237, %dma_start3A_238] : memref<4x72x128xf32, #tpu.memory_space<vmem>> -> memref<1x72x128xf32, #tpu.memory_space<vmem>>
    %dma_start3A_240 = tpu.memref_squeeze %dma_start3A_239 : memref<1x72x128xf32, #tpu.memory_space<vmem>> -> memref<72x128xf32, #tpu.memory_space<vmem>>
    tpu.enqueue_dma source(%dma_start3A_240 : memref<72x128xf32, #tpu.memory_space<vmem>>) target(%dma_start3A_236 : memref<72x128xf32, #tpu.memory_space<vmem_shared>>) target_semaphore(%dma_start3A_232 : memref<!tpu.dma_semaphore, #tpu.memory_space<semaphore_mem>>)
    %mul3A_241 = arith.constant 4 : i32
    %mul3A_242 = arith.muli %arg1, %mul3A_241 : i32
    %add3A_243 = arith.constant 0 : i32
    %add3A_244 = arith.addi %mul3A_242, %add3A_243 : i32
    %dma_wait3A_245 = arith.constant 0 : i32
    %dma_wait3A_246 = arith.constant 0 : i32
    %dma_wait3A_247 = arith.constant 0 : i32
    %dma_wait3A_248 = arith.constant 0 : i32
    %dma_wait3A_249 = tpu.memref_slice %arg7[%dma_wait3A_245, %dma_wait3A_247, %dma_wait3A_248] : memref<4x72x128xf32, #tpu.memory_space<vmem>> -> memref<1x72x128xf32, #tpu.memory_space<vmem>>
    %dma_wait3A_250 = tpu.memref_squeeze %dma_wait3A_249 : memref<1x72x128xf32, #tpu.memory_space<vmem>> -> memref<72x128xf32, #tpu.memory_space<vmem>>
    %dma_wait3A_251 = arith.constant 0 : i32
    %dma_wait3A_252 = arith.constant 0 : i32
    %dma_wait3A_253 = tpu.memref_slice %arg8[%add3A_244, %dma_wait3A_251, %dma_wait3A_252] : memref<64x72x128xf32, #tpu.memory_space<vmem_shared>> -> memref<1x72x128xf32, #tpu.memory_space<vmem_shared>>
    %dma_wait3A_254 = tpu.memref_squeeze %dma_wait3A_253 : memref<1x72x128xf32, #tpu.memory_space<vmem_shared>> -> memref<72x128xf32, #tpu.memory_space<vmem_shared>>
    %dma_wait3A_255 = tpu.memref_slice %arg12[%dma_wait3A_246] : memref<4x!tpu.dma_semaphore, #tpu.memory_space<semaphore_mem>> -> memref<1x!tpu.dma_semaphore, #tpu.memory_space<semaphore_mem>>
    %dma_wait3A_256 = tpu.memref_squeeze %dma_wait3A_255 : memref<1x!tpu.dma_semaphore, #tpu.memory_space<semaphore_mem>> -> memref<!tpu.dma_semaphore, #tpu.memory_space<semaphore_mem>>
    %dma_wait3A_257 = arith.constant 0 : i32
    %dma_wait3A_258 = arith.constant 0 : i32
    %dma_wait3A_259 = tpu.memref_slice %arg8[%add3A_244, %dma_wait3A_257, %dma_wait3A_258] : memref<64x72x128xf32, #tpu.memory_space<vmem_shared>> -> memref<1x72x128xf32, #tpu.memory_space<vmem_shared>>
    %dma_wait3A_260 = tpu.memref_squeeze %dma_wait3A_259 : memref<1x72x128xf32, #tpu.memory_space<vmem_shared>> -> memref<72x128xf32, #tpu.memory_space<vmem_shared>>
    %dma_wait3A_261 = arith.constant 0 : i32
    %dma_wait3A_262 = arith.constant 0 : i32
    %dma_wait3A_263 = tpu.memref_slice %arg7[%dma_wait3A_245, %dma_wait3A_261, %dma_wait3A_262] : memref<4x72x128xf32, #tpu.memory_space<vmem>> -> memref<1x72x128xf32, #tpu.memory_space<vmem>>
    %dma_wait3A_264 = tpu.memref_squeeze %dma_wait3A_263 : memref<1x72x128xf32, #tpu.memory_space<vmem>> -> memref<72x128xf32, #tpu.memory_space<vmem>>
    tpu.wait_dma2 semaphore(%dma_wait3A_256 : memref<!tpu.dma_semaphore, #tpu.memory_space<semaphore_mem>>) src(%dma_wait3A_264 : memref<72x128xf32, #tpu.memory_space<vmem>>) dst(%dma_wait3A_260 : memref<72x128xf32, #tpu.memory_space<vmem_shared>>)
    %mul3A_265 = arith.constant 4 : i32
    %mul3A_266 = arith.muli %arg1, %mul3A_265 : i32
    %add3A_267 = arith.constant 0 : i32
    %add3A_268 = arith.addi %mul3A_266, %add3A_267 : i32
    %add3A_269 = arith.constant 0 : i32
    %add3A_270 = arith.addi %mul3A_2, %add3A_269 : i32
    %add3A_271 = arith.constant 56 : i32
    %add3A_272 = arith.addi %add3A_270, %add3A_271 : i32
    %dma_start3A_273 = arith.constant 0 : i32
    %dma_start3A_274 = tpu.memref_slice %arg13[%dma_start3A_273] : memref<4x!tpu.dma_semaphore, #tpu.memory_space<semaphore_mem>> -> memref<1x!tpu.dma_semaphore, #tpu.memory_space<semaphore_mem>>
    %dma_start3A_275 = tpu.memref_squeeze %dma_start3A_274 : memref<1x!tpu.dma_semaphore, #tpu.memory_space<semaphore_mem>> -> memref<!tpu.dma_semaphore, #tpu.memory_space<semaphore_mem>>
    %dma_start3A_276 = arith.constant 0 : i32
    %dma_start3A_277 = tpu.memref_slice %arg4[%add3A_272, %dma_start3A_276] : memref<819200x128xf32, #tpu.memory_space<hbm>> -> memref<72x128xf32, #tpu.memory_space<hbm>>
    %dma_start3A_278 = arith.constant 0 : i32
    %dma_start3A_279 = arith.constant 0 : i32
    %dma_start3A_280 = tpu.memref_slice %arg8[%add3A_268, %dma_start3A_278, %dma_start3A_279] : memref<64x72x128xf32, #tpu.memory_space<vmem_shared>> -> memref<1x72x128xf32, #tpu.memory_space<vmem_shared>>
    %dma_start3A_281 = tpu.memref_squeeze %dma_start3A_280 : memref<1x72x128xf32, #tpu.memory_space<vmem_shared>> -> memref<72x128xf32, #tpu.memory_space<vmem_shared>>
    tpu.enqueue_dma source(%dma_start3A_281 : memref<72x128xf32, #tpu.memory_space<vmem_shared>>) target(%dma_start3A_277 : memref<72x128xf32, #tpu.memory_space<hbm>>) target_semaphore(%dma_start3A_275 : memref<!tpu.dma_semaphore, #tpu.memory_space<semaphore_mem>>)
    %add3A_282 = arith.constant 0 : i32
    %add3A_283 = arith.addi %mul3A_2, %add3A_282 : i32
    %dma_wait3A_284 = arith.constant 0 : i32
    %dma_wait3A_285 = arith.constant 0 : i32
    %dma_wait3A_286 = arith.constant 0 : i32
    %dma_wait3A_287 = arith.constant 0 : i32
    %dma_wait3A_288 = tpu.memref_slice %arg6[%dma_wait3A_284, %dma_wait3A_286, %dma_wait3A_287] : memref<4x56x128xf32, #tpu.memory_space<vmem>> -> memref<1x56x128xf32, #tpu.memory_space<vmem>>
    %dma_wait3A_289 = tpu.memref_squeeze %dma_wait3A_288 : memref<1x56x128xf32, #tpu.memory_space<vmem>> -> memref<56x128xf32, #tpu.memory_space<vmem>>
    %dma_wait3A_290 = arith.constant 0 : i32
    %dma_wait3A_291 = tpu.memref_slice %arg4[%add3A_283, %dma_wait3A_290] : memref<819200x128xf32, #tpu.memory_space<hbm>> -> memref<56x128xf32, #tpu.memory_space<hbm>>
    %dma_wait3A_292 = tpu.memref_slice %arg10[%dma_wait3A_285] : memref<4x!tpu.dma_semaphore, #tpu.memory_space<semaphore_mem>> -> memref<1x!tpu.dma_semaphore, #tpu.memory_space<semaphore_mem>>
    %dma_wait3A_293 = tpu.memref_squeeze %dma_wait3A_292 : memref<1x!tpu.dma_semaphore, #tpu.memory_space<semaphore_mem>> -> memref<!tpu.dma_semaphore, #tpu.memory_space<semaphore_mem>>
    %dma_wait3A_294 = arith.constant 0 : i32
    %dma_wait3A_295 = tpu.memref_slice %arg4[%add3A_283, %dma_wait3A_294] : memref<819200x128xf32, #tpu.memory_space<hbm>> -> memref<56x128xf32, #tpu.memory_space<hbm>>
    %dma_wait3A_296 = arith.constant 0 : i32
    %dma_wait3A_297 = arith.constant 0 : i32
    %dma_wait3A_298 = tpu.memref_slice %arg6[%dma_wait3A_284, %dma_wait3A_296, %dma_wait3A_297] : memref<4x56x128xf32, #tpu.memory_space<vmem>> -> memref<1x56x128xf32, #tpu.memory_space<vmem>>
    %dma_wait3A_299 = tpu.memref_squeeze %dma_wait3A_298 : memref<1x56x128xf32, #tpu.memory_space<vmem>> -> memref<56x128xf32, #tpu.memory_space<vmem>>
    tpu.wait_dma2 semaphore(%dma_wait3A_293 : memref<!tpu.dma_semaphore, #tpu.memory_space<semaphore_mem>>) src(%dma_wait3A_299 : memref<56x128xf32, #tpu.memory_space<vmem>>) dst(%dma_wait3A_295 : memref<56x128xf32, #tpu.memory_space<hbm>>)
    %mul3A_300 = arith.constant 4 : i32
    %mul3A_301 = arith.muli %arg1, %mul3A_300 : i32
    %add3A_302 = arith.constant 0 : i32
    %add3A_303 = arith.addi %mul3A_301, %add3A_302 : i32
    %add3A_304 = arith.constant 0 : i32
    %add3A_305 = arith.addi %mul3A_2, %add3A_304 : i32
    %add3A_306 = arith.constant 56 : i32
    %add3A_307 = arith.addi %add3A_305, %add3A_306 : i32
    %dma_wait3A_308 = arith.constant 0 : i32
    %dma_wait3A_309 = tpu.memref_slice %arg13[%dma_wait3A_308] : memref<4x!tpu.dma_semaphore, #tpu.memory_space<semaphore_mem>> -> memref<1x!tpu.dma_semaphore, #tpu.memory_space<semaphore_mem>>
    %dma_wait3A_310 = tpu.memref_squeeze %dma_wait3A_309 : memref<1x!tpu.dma_semaphore, #tpu.memory_space<semaphore_mem>> -> memref<!tpu.dma_semaphore, #tpu.memory_space<semaphore_mem>>
    %dma_wait3A_311 = arith.constant 0 : i32
    %dma_wait3A_312 = tpu.memref_slice %arg4[%add3A_307, %dma_wait3A_311] : memref<819200x128xf32, #tpu.memory_space<hbm>> -> memref<72x128xf32, #tpu.memory_space<hbm>>
    %dma_wait3A_313 = arith.constant 0 : i32
    %dma_wait3A_314 = arith.constant 0 : i32
    %dma_wait3A_315 = tpu.memref_slice %arg8[%add3A_303, %dma_wait3A_313, %dma_wait3A_314] : memref<64x72x128xf32, #tpu.memory_space<vmem_shared>> -> memref<1x72x128xf32, #tpu.memory_space<vmem_shared>>
    %dma_wait3A_316 = tpu.memref_squeeze %dma_wait3A_315 : memref<1x72x128xf32, #tpu.memory_space<vmem_shared>> -> memref<72x128xf32, #tpu.memory_space<vmem_shared>>
    tpu.wait_dma2 semaphore(%dma_wait3A_310 : memref<!tpu.dma_semaphore, #tpu.memory_space<semaphore_mem>>) src(%dma_wait3A_316 : memref<72x128xf32, #tpu.memory_space<vmem_shared>>) dst(%dma_wait3A_312 : memref<72x128xf32, #tpu.memory_space<hbm>>)
    %dma_start3A_317 = arith.constant 0 : i32
    %dma_start3A_318 = arith.constant 0 : i32
    %dma_start3A_319 = arith.constant 0 : i32
    %dma_start3A_320 = arith.constant 0 : i32
    %dma_start3A_321 = tpu.memref_slice %arg6[%dma_start3A_317, %dma_start3A_319, %dma_start3A_320] : memref<4x56x128xf32, #tpu.memory_space<vmem>> -> memref<1x56x128xf32, #tpu.memory_space<vmem>>
    %dma_start3A_322 = tpu.memref_squeeze %dma_start3A_321 : memref<1x56x128xf32, #tpu.memory_space<vmem>> -> memref<56x128xf32, #tpu.memory_space<vmem>>
    %dma_start3A_323 = arith.constant 512 : i32
    %dma_start3A_324 = tpu.memref_slice %arg5[%dma_start3A_323] : memref<25600xi32, #tpu.memory_space<vmem>> -> memref<56xi32, #tpu.memory_space<vmem>>
    %dma_start3A_325 = arith.constant 0 : i32
    %dma_start3A_326 = arith.constant 0 : i32
    %dma_start3A_327 = tpu.memref_slice %arg3[%dma_start3A_325, %dma_start3A_326] : memref<1000000x128xf32, #tpu.memory_space<hbm>> -> memref<1000000x128xf32, #tpu.memory_space<hbm>>
    %dma_start3A_328 = tpu.memref_slice %arg9[%dma_start3A_318] : memref<4x!tpu.dma_semaphore, #tpu.memory_space<semaphore_mem>> -> memref<1x!tpu.dma_semaphore, #tpu.memory_space<semaphore_mem>>
    %dma_start3A_329 = tpu.memref_squeeze %dma_start3A_328 : memref<1x!tpu.dma_semaphore, #tpu.memory_space<semaphore_mem>> -> memref<!tpu.dma_semaphore, #tpu.memory_space<semaphore_mem>>
    tpu.enqueue_indirect_dma source(%dma_start3A_327 : memref<1000000x128xf32, #tpu.memory_space<hbm>>) target(%dma_start3A_322 : memref<56x128xf32, #tpu.memory_space<vmem>>) offsets(%dma_start3A_324 : memref<56xi32, #tpu.memory_space<vmem>>) semaphore(%dma_start3A_329 : memref<!tpu.dma_semaphore, #tpu.memory_space<semaphore_mem>>)
    %dma_start3A_330 = arith.constant 0 : i32
    %dma_start3A_331 = arith.constant 0 : i32
    %dma_start3A_332 = arith.constant 0 : i32
    %dma_start3A_333 = arith.constant 0 : i32
    %dma_start3A_334 = tpu.memref_slice %arg7[%dma_start3A_330, %dma_start3A_332, %dma_start3A_333] : memref<4x72x128xf32, #tpu.memory_space<vmem>> -> memref<1x72x128xf32, #tpu.memory_space<vmem>>
    %dma_start3A_335 = tpu.memref_squeeze %dma_start3A_334 : memref<1x72x128xf32, #tpu.memory_space<vmem>> -> memref<72x128xf32, #tpu.memory_space<vmem>>
    %dma_start3A_336 = arith.constant 568 : i32
    %dma_start3A_337 = tpu.memref_slice %arg5[%dma_start3A_336] : memref<25600xi32, #tpu.memory_space<vmem>> -> memref<72xi32, #tpu.memory_space<vmem>>
    %dma_start3A_338 = arith.constant 0 : i32
    %dma_start3A_339 = arith.constant 0 : i32
    %dma_start3A_340 = tpu.memref_slice %arg3[%dma_start3A_338, %dma_start3A_339] : memref<1000000x128xf32, #tpu.memory_space<hbm>> -> memref<1000000x128xf32, #tpu.memory_space<hbm>>
    %dma_start3A_341 = tpu.memref_slice %arg11[%dma_start3A_331] : memref<4x!tpu.dma_semaphore, #tpu.memory_space<semaphore_mem>> -> memref<1x!tpu.dma_semaphore, #tpu.memory_space<semaphore_mem>>
    %dma_start3A_342 = tpu.memref_squeeze %dma_start3A_341 : memref<1x!tpu.dma_semaphore, #tpu.memory_space<semaphore_mem>> -> memref<!tpu.dma_semaphore, #tpu.memory_space<semaphore_mem>>
    tpu.enqueue_indirect_dma source(%dma_start3A_340 : memref<1000000x128xf32, #tpu.memory_space<hbm>>) target(%dma_start3A_335 : memref<72x128xf32, #tpu.memory_space<vmem>>) offsets(%dma_start3A_337 : memref<72xi32, #tpu.memory_space<vmem>>) semaphore(%dma_start3A_342 : memref<!tpu.dma_semaphore, #tpu.memory_space<semaphore_mem>>)
    %dma_wait3A_343 = arith.constant 2 : i32
    %dma_wait3A_344 = arith.constant 2 : i32
    %dma_wait3A_345 = arith.constant 0 : i32
    %dma_wait3A_346 = arith.constant 0 : i32
    %dma_wait3A_347 = tpu.memref_slice %arg6[%dma_wait3A_343, %dma_wait3A_345, %dma_wait3A_346] : memref<4x56x128xf32, #tpu.memory_space<vmem>> -> memref<1x56x128xf32, #tpu.memory_space<vmem>>
    %dma_wait3A_348 = tpu.memref_squeeze %dma_wait3A_347 : memref<1x56x128xf32, #tpu.memory_space<vmem>> -> memref<56x128xf32, #tpu.memory_space<vmem>>
    %dma_wait3A_349 = arith.constant 256 : i32
    %dma_wait3A_350 = tpu.memref_slice %arg5[%dma_wait3A_349] : memref<25600xi32, #tpu.memory_space<vmem>> -> memref<56xi32, #tpu.memory_space<vmem>>
    %dma_wait3A_351 = arith.constant 0 : i32
    %dma_wait3A_352 = arith.constant 0 : i32
    %dma_wait3A_353 = tpu.memref_slice %arg3[%dma_wait3A_351, %dma_wait3A_352] : memref<1000000x128xf32, #tpu.memory_space<hbm>> -> memref<1000000x128xf32, #tpu.memory_space<hbm>>
    %dma_wait3A_354 = tpu.memref_slice %arg9[%dma_wait3A_344] : memref<4x!tpu.dma_semaphore, #tpu.memory_space<semaphore_mem>> -> memref<1x!tpu.dma_semaphore, #tpu.memory_space<semaphore_mem>>
    %dma_wait3A_355 = tpu.memref_squeeze %dma_wait3A_354 : memref<1x!tpu.dma_semaphore, #tpu.memory_space<semaphore_mem>> -> memref<!tpu.dma_semaphore, #tpu.memory_space<semaphore_mem>>
    tpu.wait_indirect_dma semaphore(%dma_wait3A_355 : memref<!tpu.dma_semaphore, #tpu.memory_space<semaphore_mem>>) src(%dma_wait3A_353 : memref<1000000x128xf32, #tpu.memory_space<hbm>>) dst(%dma_wait3A_348 : memref<56x128xf32, #tpu.memory_space<vmem>>)
    %add3A_356 = arith.constant 256 : i32
    %add3A_357 = arith.addi %mul3A_2, %add3A_356 : i32
    %dma_start3A_358 = arith.constant 2 : i32
    %dma_start3A_359 = arith.constant 2 : i32
    %dma_start3A_360 = arith.constant 0 : i32
    %dma_start3A_361 = arith.constant 0 : i32
    %dma_start3A_362 = tpu.memref_slice %arg6[%dma_start3A_358, %dma_start3A_360, %dma_start3A_361] : memref<4x56x128xf32, #tpu.memory_space<vmem>> -> memref<1x56x128xf32, #tpu.memory_space<vmem>>
    %dma_start3A_363 = tpu.memref_squeeze %dma_start3A_362 : memref<1x56x128xf32, #tpu.memory_space<vmem>> -> memref<56x128xf32, #tpu.memory_space<vmem>>
    %dma_start3A_364 = arith.constant 0 : i32
    %dma_start3A_365 = tpu.memref_slice %arg4[%add3A_357, %dma_start3A_364] : memref<819200x128xf32, #tpu.memory_space<hbm>> -> memref<56x128xf32, #tpu.memory_space<hbm>>
    %dma_start3A_366 = tpu.memref_slice %arg10[%dma_start3A_359] : memref<4x!tpu.dma_semaphore, #tpu.memory_space<semaphore_mem>> -> memref<1x!tpu.dma_semaphore, #tpu.memory_space<semaphore_mem>>
    %dma_start3A_367 = tpu.memref_squeeze %dma_start3A_366 : memref<1x!tpu.dma_semaphore, #tpu.memory_space<semaphore_mem>> -> memref<!tpu.dma_semaphore, #tpu.memory_space<semaphore_mem>>
    %dma_start3A_368 = arith.constant 0 : i32
    %dma_start3A_369 = tpu.memref_slice %arg4[%add3A_357, %dma_start3A_368] : memref<819200x128xf32, #tpu.memory_space<hbm>> -> memref<56x128xf32, #tpu.memory_space<hbm>>
    %dma_start3A_370 = arith.constant 0 : i32
    %dma_start3A_371 = arith.constant 0 : i32
    %dma_start3A_372 = tpu.memref_slice %arg6[%dma_start3A_358, %dma_start3A_370, %dma_start3A_371] : memref<4x56x128xf32, #tpu.memory_space<vmem>> -> memref<1x56x128xf32, #tpu.memory_space<vmem>>
    %dma_start3A_373 = tpu.memref_squeeze %dma_start3A_372 : memref<1x56x128xf32, #tpu.memory_space<vmem>> -> memref<56x128xf32, #tpu.memory_space<vmem>>
    tpu.enqueue_dma source(%dma_start3A_373 : memref<56x128xf32, #tpu.memory_space<vmem>>) target(%dma_start3A_369 : memref<56x128xf32, #tpu.memory_space<hbm>>) target_semaphore(%dma_start3A_367 : memref<!tpu.dma_semaphore, #tpu.memory_space<semaphore_mem>>)
    %dma_wait3A_374 = arith.constant 2 : i32
    %dma_wait3A_375 = arith.constant 2 : i32
    %dma_wait3A_376 = arith.constant 0 : i32
    %dma_wait3A_377 = arith.constant 0 : i32
    %dma_wait3A_378 = tpu.memref_slice %arg7[%dma_wait3A_374, %dma_wait3A_376, %dma_wait3A_377] : memref<4x72x128xf32, #tpu.memory_space<vmem>> -> memref<1x72x128xf32, #tpu.memory_space<vmem>>
    %dma_wait3A_379 = tpu.memref_squeeze %dma_wait3A_378 : memref<1x72x128xf32, #tpu.memory_space<vmem>> -> memref<72x128xf32, #tpu.memory_space<vmem>>
    %dma_wait3A_380 = arith.constant 312 : i32
    %dma_wait3A_381 = tpu.memref_slice %arg5[%dma_wait3A_380] : memref<25600xi32, #tpu.memory_space<vmem>> -> memref<72xi32, #tpu.memory_space<vmem>>
    %dma_wait3A_382 = arith.constant 0 : i32
    %dma_wait3A_383 = arith.constant 0 : i32
    %dma_wait3A_384 = tpu.memref_slice %arg3[%dma_wait3A_382, %dma_wait3A_383] : memref<1000000x128xf32, #tpu.memory_space<hbm>> -> memref<1000000x128xf32, #tpu.memory_space<hbm>>
    %dma_wait3A_385 = tpu.memref_slice %arg11[%dma_wait3A_375] : memref<4x!tpu.dma_semaphore, #tpu.memory_space<semaphore_mem>> -> memref<1x!tpu.dma_semaphore, #tpu.memory_space<semaphore_mem>>
    %dma_wait3A_386 = tpu.memref_squeeze %dma_wait3A_385 : memref<1x!tpu.dma_semaphore, #tpu.memory_space<semaphore_mem>> -> memref<!tpu.dma_semaphore, #tpu.memory_space<semaphore_mem>>
    tpu.wait_indirect_dma semaphore(%dma_wait3A_386 : memref<!tpu.dma_semaphore, #tpu.memory_space<semaphore_mem>>) src(%dma_wait3A_384 : memref<1000000x128xf32, #tpu.memory_space<hbm>>) dst(%dma_wait3A_379 : memref<72x128xf32, #tpu.memory_space<vmem>>)
    %mul3A_387 = arith.constant 4 : i32
    %mul3A_388 = arith.muli %arg1, %mul3A_387 : i32
    %add3A_389 = arith.constant 2 : i32
    %add3A_390 = arith.addi %mul3A_388, %add3A_389 : i32
    %dma_start3A_391 = arith.constant 2 : i32
    %dma_start3A_392 = arith.constant 2 : i32
    %dma_start3A_393 = arith.constant 0 : i32
    %dma_start3A_394 = arith.constant 0 : i32
    %dma_start3A_395 = tpu.memref_slice %arg7[%dma_start3A_391, %dma_start3A_393, %dma_start3A_394] : memref<4x72x128xf32, #tpu.memory_space<vmem>> -> memref<1x72x128xf32, #tpu.memory_space<vmem>>
    %dma_start3A_396 = tpu.memref_squeeze %dma_start3A_395 : memref<1x72x128xf32, #tpu.memory_space<vmem>> -> memref<72x128xf32, #tpu.memory_space<vmem>>
    %dma_start3A_397 = arith.constant 0 : i32
    %dma_start3A_398 = arith.constant 0 : i32
    %dma_start3A_399 = tpu.memref_slice %arg8[%add3A_390, %dma_start3A_397, %dma_start3A_398] : memref<64x72x128xf32, #tpu.memory_space<vmem_shared>> -> memref<1x72x128xf32, #tpu.memory_space<vmem_shared>>
    %dma_start3A_400 = tpu.memref_squeeze %dma_start3A_399 : memref<1x72x128xf32, #tpu.memory_space<vmem_shared>> -> memref<72x128xf32, #tpu.memory_space<vmem_shared>>
    %dma_start3A_401 = tpu.memref_slice %arg12[%dma_start3A_392] : memref<4x!tpu.dma_semaphore, #tpu.memory_space<semaphore_mem>> -> memref<1x!tpu.dma_semaphore, #tpu.memory_space<semaphore_mem>>
    %dma_start3A_402 = tpu.memref_squeeze %dma_start3A_401 : memref<1x!tpu.dma_semaphore, #tpu.memory_space<semaphore_mem>> -> memref<!tpu.dma_semaphore, #tpu.memory_space<semaphore_mem>>
    %dma_start3A_403 = arith.constant 0 : i32
    %dma_start3A_404 = arith.constant 0 : i32
    %dma_start3A_405 = tpu.memref_slice %arg8[%add3A_390, %dma_start3A_403, %dma_start3A_404] : memref<64x72x128xf32, #tpu.memory_space<vmem_shared>> -> memref<1x72x128xf32, #tpu.memory_space<vmem_shared>>
    %dma_start3A_406 = tpu.memref_squeeze %dma_start3A_405 : memref<1x72x128xf32, #tpu.memory_space<vmem_shared>> -> memref<72x128xf32, #tpu.memory_space<vmem_shared>>
    %dma_start3A_407 = arith.constant 0 : i32
    %dma_start3A_408 = arith.constant 0 : i32
    %dma_start3A_409 = tpu.memref_slice %arg7[%dma_start3A_391, %dma_start3A_407, %dma_start3A_408] : memref<4x72x128xf32, #tpu.memory_space<vmem>> -> memref<1x72x128xf32, #tpu.memory_space<vmem>>
    %dma_start3A_410 = tpu.memref_squeeze %dma_start3A_409 : memref<1x72x128xf32, #tpu.memory_space<vmem>> -> memref<72x128xf32, #tpu.memory_space<vmem>>
    tpu.enqueue_dma source(%dma_start3A_410 : memref<72x128xf32, #tpu.memory_space<vmem>>) target(%dma_start3A_406 : memref<72x128xf32, #tpu.memory_space<vmem_shared>>) target_semaphore(%dma_start3A_402 : memref<!tpu.dma_semaphore, #tpu.memory_space<semaphore_mem>>)
    %mul3A_411 = arith.constant 4 : i32
    %mul3A_412 = arith.muli %arg1, %mul3A_411 : i32
    %add3A_413 = arith.constant 1 : i32
    %add3A_414 = arith.addi %mul3A_412, %add3A_413 : i32
    %dma_wait3A_415 = arith.constant 1 : i32
    %dma_wait3A_416 = arith.constant 1 : i32
    %dma_wait3A_417 = arith.constant 0 : i32
    %dma_wait3A_418 = arith.constant 0 : i32
    %dma_wait3A_419 = tpu.memref_slice %arg7[%dma_wait3A_415, %dma_wait3A_417, %dma_wait3A_418] : memref<4x72x128xf32, #tpu.memory_space<vmem>> -> memref<1x72x128xf32, #tpu.memory_space<vmem>>
    %dma_wait3A_420 = tpu.memref_squeeze %dma_wait3A_419 : memref<1x72x128xf32, #tpu.memory_space<vmem>> -> memref<72x128xf32, #tpu.memory_space<vmem>>
    %dma_wait3A_421 = arith.constant 0 : i32
    %dma_wait3A_422 = arith.constant 0 : i32
    %dma_wait3A_423 = tpu.memref_slice %arg8[%add3A_414, %dma_wait3A_421, %dma_wait3A_422] : memref<64x72x128xf32, #tpu.memory_space<vmem_shared>> -> memref<1x72x128xf32, #tpu.memory_space<vmem_shared>>
    %dma_wait3A_424 = tpu.memref_squeeze %dma_wait3A_423 : memref<1x72x128xf32, #tpu.memory_space<vmem_shared>> -> memref<72x128xf32, #tpu.memory_space<vmem_shared>>
    %dma_wait3A_425 = tpu.memref_slice %arg12[%dma_wait3A_416] : memref<4x!tpu.dma_semaphore, #tpu.memory_space<semaphore_mem>> -> memref<1x!tpu.dma_semaphore, #tpu.memory_space<semaphore_mem>>
    %dma_wait3A_426 = tpu.memref_squeeze %dma_wait3A_425 : memref<1x!tpu.dma_semaphore, #tpu.memory_space<semaphore_mem>> -> memref<!tpu.dma_semaphore, #tpu.memory_space<semaphore_mem>>
    %dma_wait3A_427 = arith.constant 0 : i32
    %dma_wait3A_428 = arith.constant 0 : i32
    %dma_wait3A_429 = tpu.memref_slice %arg8[%add3A_414, %dma_wait3A_427, %dma_wait3A_428] : memref<64x72x128xf32, #tpu.memory_space<vmem_shared>> -> memref<1x72x128xf32, #tpu.memory_space<vmem_shared>>
    %dma_wait3A_430 = tpu.memref_squeeze %dma_wait3A_429 : memref<1x72x128xf32, #tpu.memory_space<vmem_shared>> -> memref<72x128xf32, #tpu.memory_space<vmem_shared>>
    %dma_wait3A_431 = arith.constant 0 : i32
    %dma_wait3A_432 = arith.constant 0 : i32
    %dma_wait3A_433 = tpu.memref_slice %arg7[%dma_wait3A_415, %dma_wait3A_431, %dma_wait3A_432] : memref<4x72x128xf32, #tpu.memory_space<vmem>> -> memref<1x72x128xf32, #tpu.memory_space<vmem>>
    %dma_wait3A_434 = tpu.memref_squeeze %dma_wait3A_433 : memref<1x72x128xf32, #tpu.memory_space<vmem>> -> memref<72x128xf32, #tpu.memory_space<vmem>>
    tpu.wait_dma2 semaphore(%dma_wait3A_426 : memref<!tpu.dma_semaphore, #tpu.memory_space<semaphore_mem>>) src(%dma_wait3A_434 : memref<72x128xf32, #tpu.memory_space<vmem>>) dst(%dma_wait3A_430 : memref<72x128xf32, #tpu.memory_space<vmem_shared>>)
    %mul3A_435 = arith.constant 4 : i32
    %mul3A_436 = arith.muli %arg1, %mul3A_435 : i32
    %add3A_437 = arith.constant 1 : i32
    %add3A_438 = arith.addi %mul3A_436, %add3A_437 : i32
    %add3A_439 = arith.constant 128 : i32
    %add3A_440 = arith.addi %mul3A_2, %add3A_439 : i32
    %add3A_441 = arith.constant 56 : i32
    %add3A_442 = arith.addi %add3A_440, %add3A_441 : i32
    %dma_start3A_443 = arith.constant 1 : i32
    %dma_start3A_444 = tpu.memref_slice %arg13[%dma_start3A_443] : memref<4x!tpu.dma_semaphore, #tpu.memory_space<semaphore_mem>> -> memref<1x!tpu.dma_semaphore, #tpu.memory_space<semaphore_mem>>
    %dma_start3A_445 = tpu.memref_squeeze %dma_start3A_444 : memref<1x!tpu.dma_semaphore, #tpu.memory_space<semaphore_mem>> -> memref<!tpu.dma_semaphore, #tpu.memory_space<semaphore_mem>>
    %dma_start3A_446 = arith.constant 0 : i32
    %dma_start3A_447 = tpu.memref_slice %arg4[%add3A_442, %dma_start3A_446] : memref<819200x128xf32, #tpu.memory_space<hbm>> -> memref<72x128xf32, #tpu.memory_space<hbm>>
    %dma_start3A_448 = arith.constant 0 : i32
    %dma_start3A_449 = arith.constant 0 : i32
    %dma_start3A_450 = tpu.memref_slice %arg8[%add3A_438, %dma_start3A_448, %dma_start3A_449] : memref<64x72x128xf32, #tpu.memory_space<vmem_shared>> -> memref<1x72x128xf32, #tpu.memory_space<vmem_shared>>
    %dma_start3A_451 = tpu.memref_squeeze %dma_start3A_450 : memref<1x72x128xf32, #tpu.memory_space<vmem_shared>> -> memref<72x128xf32, #tpu.memory_space<vmem_shared>>
    tpu.enqueue_dma source(%dma_start3A_451 : memref<72x128xf32, #tpu.memory_space<vmem_shared>>) target(%dma_start3A_447 : memref<72x128xf32, #tpu.memory_space<hbm>>) target_semaphore(%dma_start3A_445 : memref<!tpu.dma_semaphore, #tpu.memory_space<semaphore_mem>>)
    %add3A_452 = arith.constant 128 : i32
    %add3A_453 = arith.addi %mul3A_2, %add3A_452 : i32
    %dma_wait3A_454 = arith.constant 1 : i32
    %dma_wait3A_455 = arith.constant 1 : i32
    %dma_wait3A_456 = arith.constant 0 : i32
    %dma_wait3A_457 = arith.constant 0 : i32
    %dma_wait3A_458 = tpu.memref_slice %arg6[%dma_wait3A_454, %dma_wait3A_456, %dma_wait3A_457] : memref<4x56x128xf32, #tpu.memory_space<vmem>> -> memref<1x56x128xf32, #tpu.memory_space<vmem>>
    %dma_wait3A_459 = tpu.memref_squeeze %dma_wait3A_458 : memref<1x56x128xf32, #tpu.memory_space<vmem>> -> memref<56x128xf32, #tpu.memory_space<vmem>>
    %dma_wait3A_460 = arith.constant 0 : i32
    %dma_wait3A_461 = tpu.memref_slice %arg4[%add3A_453, %dma_wait3A_460] : memref<819200x128xf32, #tpu.memory_space<hbm>> -> memref<56x128xf32, #tpu.memory_space<hbm>>
    %dma_wait3A_462 = tpu.memref_slice %arg10[%dma_wait3A_455] : memref<4x!tpu.dma_semaphore, #tpu.memory_space<semaphore_mem>> -> memref<1x!tpu.dma_semaphore, #tpu.memory_space<semaphore_mem>>
    %dma_wait3A_463 = tpu.memref_squeeze %dma_wait3A_462 : memref<1x!tpu.dma_semaphore, #tpu.memory_space<semaphore_mem>> -> memref<!tpu.dma_semaphore, #tpu.memory_space<semaphore_mem>>
    %dma_wait3A_464 = arith.constant 0 : i32
    %dma_wait3A_465 = tpu.memref_slice %arg4[%add3A_453, %dma_wait3A_464] : memref<819200x128xf32, #tpu.memory_space<hbm>> -> memref<56x128xf32, #tpu.memory_space<hbm>>
    %dma_wait3A_466 = arith.constant 0 : i32
    %dma_wait3A_467 = arith.constant 0 : i32
    %dma_wait3A_468 = tpu.memref_slice %arg6[%dma_wait3A_454, %dma_wait3A_466, %dma_wait3A_467] : memref<4x56x128xf32, #tpu.memory_space<vmem>> -> memref<1x56x128xf32, #tpu.memory_space<vmem>>
    %dma_wait3A_469 = tpu.memref_squeeze %dma_wait3A_468 : memref<1x56x128xf32, #tpu.memory_space<vmem>> -> memref<56x128xf32, #tpu.memory_space<vmem>>
    tpu.wait_dma2 semaphore(%dma_wait3A_463 : memref<!tpu.dma_semaphore, #tpu.memory_space<semaphore_mem>>) src(%dma_wait3A_469 : memref<56x128xf32, #tpu.memory_space<vmem>>) dst(%dma_wait3A_465 : memref<56x128xf32, #tpu.memory_space<hbm>>)
    %mul3A_470 = arith.constant 4 : i32
    %mul3A_471 = arith.muli %arg1, %mul3A_470 : i32
    %add3A_472 = arith.constant 1 : i32
    %add3A_473 = arith.addi %mul3A_471, %add3A_472 : i32
    %add3A_474 = arith.constant 128 : i32
    %add3A_475 = arith.addi %mul3A_2, %add3A_474 : i32
    %add3A_476 = arith.constant 56 : i32
    %add3A_477 = arith.addi %add3A_475, %add3A_476 : i32
    %dma_wait3A_478 = arith.constant 1 : i32
    %dma_wait3A_479 = tpu.memref_slice %arg13[%dma_wait3A_478] : memref<4x!tpu.dma_semaphore, #tpu.memory_space<semaphore_mem>> -> memref<1x!tpu.dma_semaphore, #tpu.memory_space<semaphore_mem>>
    %dma_wait3A_480 = tpu.memref_squeeze %dma_wait3A_479 : memref<1x!tpu.dma_semaphore, #tpu.memory_space<semaphore_mem>> -> memref<!tpu.dma_semaphore, #tpu.memory_space<semaphore_mem>>
    %dma_wait3A_481 = arith.constant 0 : i32
    %dma_wait3A_482 = tpu.memref_slice %arg4[%add3A_477, %dma_wait3A_481] : memref<819200x128xf32, #tpu.memory_space<hbm>> -> memref<72x128xf32, #tpu.memory_space<hbm>>
    %dma_wait3A_483 = arith.constant 0 : i32
    %dma_wait3A_484 = arith.constant 0 : i32
    %dma_wait3A_485 = tpu.memref_slice %arg8[%add3A_473, %dma_wait3A_483, %dma_wait3A_484] : memref<64x72x128xf32, #tpu.memory_space<vmem_shared>> -> memref<1x72x128xf32, #tpu.memory_space<vmem_shared>>
    %dma_wait3A_486 = tpu.memref_squeeze %dma_wait3A_485 : memref<1x72x128xf32, #tpu.memory_space<vmem_shared>> -> memref<72x128xf32, #tpu.memory_space<vmem_shared>>
    tpu.wait_dma2 semaphore(%dma_wait3A_480 : memref<!tpu.dma_semaphore, #tpu.memory_space<semaphore_mem>>) src(%dma_wait3A_486 : memref<72x128xf32, #tpu.memory_space<vmem_shared>>) dst(%dma_wait3A_482 : memref<72x128xf32, #tpu.memory_space<hbm>>)
    %dma_start3A_487 = arith.constant 1 : i32
    %dma_start3A_488 = arith.constant 1 : i32
    %dma_start3A_489 = arith.constant 0 : i32
    %dma_start3A_490 = arith.constant 0 : i32
    %dma_start3A_491 = tpu.memref_slice %arg6[%dma_start3A_487, %dma_start3A_489, %dma_start3A_490] : memref<4x56x128xf32, #tpu.memory_space<vmem>> -> memref<1x56x128xf32, #tpu.memory_space<vmem>>
    %dma_start3A_492 = tpu.memref_squeeze %dma_start3A_491 : memref<1x56x128xf32, #tpu.memory_space<vmem>> -> memref<56x128xf32, #tpu.memory_space<vmem>>
    %dma_start3A_493 = arith.constant 640 : i32
    %dma_start3A_494 = tpu.memref_slice %arg5[%dma_start3A_493] : memref<25600xi32, #tpu.memory_space<vmem>> -> memref<56xi32, #tpu.memory_space<vmem>>
    %dma_start3A_495 = arith.constant 0 : i32
    %dma_start3A_496 = arith.constant 0 : i32
    %dma_start3A_497 = tpu.memref_slice %arg3[%dma_start3A_495, %dma_start3A_496] : memref<1000000x128xf32, #tpu.memory_space<hbm>> -> memref<1000000x128xf32, #tpu.memory_space<hbm>>
    %dma_start3A_498 = tpu.memref_slice %arg9[%dma_start3A_488] : memref<4x!tpu.dma_semaphore, #tpu.memory_space<semaphore_mem>> -> memref<1x!tpu.dma_semaphore, #tpu.memory_space<semaphore_mem>>
    %dma_start3A_499 = tpu.memref_squeeze %dma_start3A_498 : memref<1x!tpu.dma_semaphore, #tpu.memory_space<semaphore_mem>> -> memref<!tpu.dma_semaphore, #tpu.memory_space<semaphore_mem>>
    tpu.enqueue_indirect_dma source(%dma_start3A_497 : memref<1000000x128xf32, #tpu.memory_space<hbm>>) target(%dma_start3A_492 : memref<56x128xf32, #tpu.memory_space<vmem>>) offsets(%dma_start3A_494 : memref<56xi32, #tpu.memory_space<vmem>>) semaphore(%dma_start3A_499 : memref<!tpu.dma_semaphore, #tpu.memory_space<semaphore_mem>>)
    %dma_start3A_500 = arith.constant 1 : i32
    %dma_start3A_501 = arith.constant 1 : i32
    %dma_start3A_502 = arith.constant 0 : i32
    %dma_start3A_503 = arith.constant 0 : i32
    %dma_start3A_504 = tpu.memref_slice %arg7[%dma_start3A_500, %dma_start3A_502, %dma_start3A_503] : memref<4x72x128xf32, #tpu.memory_space<vmem>> -> memref<1x72x128xf32, #tpu.memory_space<vmem>>
    %dma_start3A_505 = tpu.memref_squeeze %dma_start3A_504 : memref<1x72x128xf32, #tpu.memory_space<vmem>> -> memref<72x128xf32, #tpu.memory_space<vmem>>
    %dma_start3A_506 = arith.constant 696 : i32
    %dma_start3A_507 = tpu.memref_slice %arg5[%dma_start3A_506] : memref<25600xi32, #tpu.memory_space<vmem>> -> memref<72xi32, #tpu.memory_space<vmem>>
    %dma_start3A_508 = arith.constant 0 : i32
    %dma_start3A_509 = arith.constant 0 : i32
    %dma_start3A_510 = tpu.memref_slice %arg3[%dma_start3A_508, %dma_start3A_509] : memref<1000000x128xf32, #tpu.memory_space<hbm>> -> memref<1000000x128xf32, #tpu.memory_space<hbm>>
    %dma_start3A_511 = tpu.memref_slice %arg11[%dma_start3A_501] : memref<4x!tpu.dma_semaphore, #tpu.memory_space<semaphore_mem>> -> memref<1x!tpu.dma_semaphore, #tpu.memory_space<semaphore_mem>>
    %dma_start3A_512 = tpu.memref_squeeze %dma_start3A_511 : memref<1x!tpu.dma_semaphore, #tpu.memory_space<semaphore_mem>> -> memref<!tpu.dma_semaphore, #tpu.memory_space<semaphore_mem>>
    tpu.enqueue_indirect_dma source(%dma_start3A_510 : memref<1000000x128xf32, #tpu.memory_space<hbm>>) target(%dma_start3A_505 : memref<72x128xf32, #tpu.memory_space<vmem>>) offsets(%dma_start3A_507 : memref<72xi32, #tpu.memory_space<vmem>>) semaphore(%dma_start3A_512 : memref<!tpu.dma_semaphore, #tpu.memory_space<semaphore_mem>>)
    %dma_wait3A_513 = arith.constant 3 : i32
    %dma_wait3A_514 = arith.constant 3 : i32
    %dma_wait3A_515 = arith.constant 0 : i32
    %dma_wait3A_516 = arith.constant 0 : i32
    %dma_wait3A_517 = tpu.memref_slice %arg6[%dma_wait3A_513, %dma_wait3A_515, %dma_wait3A_516] : memref<4x56x128xf32, #tpu.memory_space<vmem>> -> memref<1x56x128xf32, #tpu.memory_space<vmem>>
    %dma_wait3A_518 = tpu.memref_squeeze %dma_wait3A_517 : memref<1x56x128xf32, #tpu.memory_space<vmem>> -> memref<56x128xf32, #tpu.memory_space<vmem>>
    %dma_wait3A_519 = arith.constant 384 : i32
    %dma_wait3A_520 = tpu.memref_slice %arg5[%dma_wait3A_519] : memref<25600xi32, #tpu.memory_space<vmem>> -> memref<56xi32, #tpu.memory_space<vmem>>
    %dma_wait3A_521 = arith.constant 0 : i32
    %dma_wait3A_522 = arith.constant 0 : i32
    %dma_wait3A_523 = tpu.memref_slice %arg3[%dma_wait3A_521, %dma_wait3A_522] : memref<1000000x128xf32, #tpu.memory_space<hbm>> -> memref<1000000x128xf32, #tpu.memory_space<hbm>>
    %dma_wait3A_524 = tpu.memref_slice %arg9[%dma_wait3A_514] : memref<4x!tpu.dma_semaphore, #tpu.memory_space<semaphore_mem>> -> memref<1x!tpu.dma_semaphore, #tpu.memory_space<semaphore_mem>>
    %dma_wait3A_525 = tpu.memref_squeeze %dma_wait3A_524 : memref<1x!tpu.dma_semaphore, #tpu.memory_space<semaphore_mem>> -> memref<!tpu.dma_semaphore, #tpu.memory_space<semaphore_mem>>
    tpu.wait_indirect_dma semaphore(%dma_wait3A_525 : memref<!tpu.dma_semaphore, #tpu.memory_space<semaphore_mem>>) src(%dma_wait3A_523 : memref<1000000x128xf32, #tpu.memory_space<hbm>>) dst(%dma_wait3A_518 : memref<56x128xf32, #tpu.memory_space<vmem>>)
    %add3A_526 = arith.constant 384 : i32
    %add3A_527 = arith.addi %mul3A_2, %add3A_526 : i32
    %dma_start3A_528 = arith.constant 3 : i32
    %dma_start3A_529 = arith.constant 3 : i32
    %dma_start3A_530 = arith.constant 0 : i32
    %dma_start3A_531 = arith.constant 0 : i32
    %dma_start3A_532 = tpu.memref_slice %arg6[%dma_start3A_528, %dma_start3A_530, %dma_start3A_531] : memref<4x56x128xf32, #tpu.memory_space<vmem>> -> memref<1x56x128xf32, #tpu.memory_space<vmem>>
    %dma_start3A_533 = tpu.memref_squeeze %dma_start3A_532 : memref<1x56x128xf32, #tpu.memory_space<vmem>> -> memref<56x128xf32, #tpu.memory_space<vmem>>
    %dma_start3A_534 = arith.constant 0 : i32
    %dma_start3A_535 = tpu.memref_slice %arg4[%add3A_527, %dma_start3A_534] : memref<819200x128xf32, #tpu.memory_space<hbm>> -> memref<56x128xf32, #tpu.memory_space<hbm>>
    %dma_start3A_536 = tpu.memref_slice %arg10[%dma_start3A_529] : memref<4x!tpu.dma_semaphore, #tpu.memory_space<semaphore_mem>> -> memref<1x!tpu.dma_semaphore, #tpu.memory_space<semaphore_mem>>
    %dma_start3A_537 = tpu.memref_squeeze %dma_start3A_536 : memref<1x!tpu.dma_semaphore, #tpu.memory_space<semaphore_mem>> -> memref<!tpu.dma_semaphore, #tpu.memory_space<semaphore_mem>>
    %dma_start3A_538 = arith.constant 0 : i32
    %dma_start3A_539 = tpu.memref_slice %arg4[%add3A_527, %dma_start3A_538] : memref<819200x128xf32, #tpu.memory_space<hbm>> -> memref<56x128xf32, #tpu.memory_space<hbm>>
    %dma_start3A_540 = arith.constant 0 : i32
    %dma_start3A_541 = arith.constant 0 : i32
    %dma_start3A_542 = tpu.memref_slice %arg6[%dma_start3A_528, %dma_start3A_540, %dma_start3A_541] : memref<4x56x128xf32, #tpu.memory_space<vmem>> -> memref<1x56x128xf32, #tpu.memory_space<vmem>>
    %dma_start3A_543 = tpu.memref_squeeze %dma_start3A_542 : memref<1x56x128xf32, #tpu.memory_space<vmem>> -> memref<56x128xf32, #tpu.memory_space<vmem>>
    tpu.enqueue_dma source(%dma_start3A_543 : memref<56x128xf32, #tpu.memory_space<vmem>>) target(%dma_start3A_539 : memref<56x128xf32, #tpu.memory_space<hbm>>) target_semaphore(%dma_start3A_537 : memref<!tpu.dma_semaphore, #tpu.memory_space<semaphore_mem>>)
    %dma_wait3A_544 = arith.constant 3 : i32
    %dma_wait3A_545 = arith.constant 3 : i32
    %dma_wait3A_546 = arith.constant 0 : i32
    %dma_wait3A_547 = arith.constant 0 : i32
    %dma_wait3A_548 = tpu.memref_slice %arg7[%dma_wait3A_544, %dma_wait3A_546, %dma_wait3A_547] : memref<4x72x128xf32, #tpu.memory_space<vmem>> -> memref<1x72x128xf32, #tpu.memory_space<vmem>>
    %dma_wait3A_549 = tpu.memref_squeeze %dma_wait3A_548 : memref<1x72x128xf32, #tpu.memory_space<vmem>> -> memref<72x128xf32, #tpu.memory_space<vmem>>
    %dma_wait3A_550 = arith.constant 440 : i32
    %dma_wait3A_551 = tpu.memref_slice %arg5[%dma_wait3A_550] : memref<25600xi32, #tpu.memory_space<vmem>> -> memref<72xi32, #tpu.memory_space<vmem>>
    %dma_wait3A_552 = arith.constant 0 : i32
    %dma_wait3A_553 = arith.constant 0 : i32
    %dma_wait3A_554 = tpu.memref_slice %arg3[%dma_wait3A_552, %dma_wait3A_553] : memref<1000000x128xf32, #tpu.memory_space<hbm>> -> memref<1000000x128xf32, #tpu.memory_space<hbm>>
    %dma_wait3A_555 = tpu.memref_slice %arg11[%dma_wait3A_545] : memref<4x!tpu.dma_semaphore, #tpu.memory_space<semaphore_mem>> -> memref<1x!tpu.dma_semaphore, #tpu.memory_space<semaphore_mem>>
    %dma_wait3A_556 = tpu.memref_squeeze %dma_wait3A_555 : memref<1x!tpu.dma_semaphore, #tpu.memory_space<semaphore_mem>> -> memref<!tpu.dma_semaphore, #tpu.memory_space<semaphore_mem>>
    tpu.wait_indirect_dma semaphore(%dma_wait3A_556 : memref<!tpu.dma_semaphore, #tpu.memory_space<semaphore_mem>>) src(%dma_wait3A_554 : memref<1000000x128xf32, #tpu.memory_space<hbm>>) dst(%dma_wait3A_549 : memref<72x128xf32, #tpu.memory_space<vmem>>)
    %mul3A_557 = arith.constant 4 : i32
    %mul3A_558 = arith.muli %arg1, %mul3A_557 : i32
    %add3A_559 = arith.constant 3 : i32
    %add3A_560 = arith.addi %mul3A_558, %add3A_559 : i32
    %dma_start3A_561 = arith.constant 3 : i32
    %dma_start3A_562 = arith.constant 3 : i32
    %dma_start3A_563 = arith.constant 0 : i32
    %dma_start3A_564 = arith.constant 0 : i32
    %dma_start3A_565 = tpu.memref_slice %arg7[%dma_start3A_561, %dma_start3A_563, %dma_start3A_564] : memref<4x72x128xf32, #tpu.memory_space<vmem>> -> memref<1x72x128xf32, #tpu.memory_space<vmem>>
    %dma_start3A_566 = tpu.memref_squeeze %dma_start3A_565 : memref<1x72x128xf32, #tpu.memory_space<vmem>> -> memref<72x128xf32, #tpu.memory_space<vmem>>
    %dma_start3A_567 = arith.constant 0 : i32
    %dma_start3A_568 = arith.constant 0 : i32
    %dma_start3A_569 = tpu.memref_slice %arg8[%add3A_560, %dma_start3A_567, %dma_start3A_568] : memref<64x72x128xf32, #tpu.memory_space<vmem_shared>> -> memref<1x72x128xf32, #tpu.memory_space<vmem_shared>>
    %dma_start3A_570 = tpu.memref_squeeze %dma_start3A_569 : memref<1x72x128xf32, #tpu.memory_space<vmem_shared>> -> memref<72x128xf32, #tpu.memory_space<vmem_shared>>
    %dma_start3A_571 = tpu.memref_slice %arg12[%dma_start3A_562] : memref<4x!tpu.dma_semaphore, #tpu.memory_space<semaphore_mem>> -> memref<1x!tpu.dma_semaphore, #tpu.memory_space<semaphore_mem>>
    %dma_start3A_572 = tpu.memref_squeeze %dma_start3A_571 : memref<1x!tpu.dma_semaphore, #tpu.memory_space<semaphore_mem>> -> memref<!tpu.dma_semaphore, #tpu.memory_space<semaphore_mem>>
    %dma_start3A_573 = arith.constant 0 : i32
    %dma_start3A_574 = arith.constant 0 : i32
    %dma_start3A_575 = tpu.memref_slice %arg8[%add3A_560, %dma_start3A_573, %dma_start3A_574] : memref<64x72x128xf32, #tpu.memory_space<vmem_shared>> -> memref<1x72x128xf32, #tpu.memory_space<vmem_shared>>
    %dma_start3A_576 = tpu.memref_squeeze %dma_start3A_575 : memref<1x72x128xf32, #tpu.memory_space<vmem_shared>> -> memref<72x128xf32, #tpu.memory_space<vmem_shared>>
    %dma_start3A_577 = arith.constant 0 : i32
    %dma_start3A_578 = arith.constant 0 : i32
    %dma_start3A_579 = tpu.memref_slice %arg7[%dma_start3A_561, %dma_start3A_577, %dma_start3A_578] : memref<4x72x128xf32, #tpu.memory_space<vmem>> -> memref<1x72x128xf32, #tpu.memory_space<vmem>>
    %dma_start3A_580 = tpu.memref_squeeze %dma_start3A_579 : memref<1x72x128xf32, #tpu.memory_space<vmem>> -> memref<72x128xf32, #tpu.memory_space<vmem>>
    tpu.enqueue_dma source(%dma_start3A_580 : memref<72x128xf32, #tpu.memory_space<vmem>>) target(%dma_start3A_576 : memref<72x128xf32, #tpu.memory_space<vmem_shared>>) target_semaphore(%dma_start3A_572 : memref<!tpu.dma_semaphore, #tpu.memory_space<semaphore_mem>>)
    %mul3A_581 = arith.constant 4 : i32
    %mul3A_582 = arith.muli %arg1, %mul3A_581 : i32
    %add3A_583 = arith.constant 2 : i32
    %add3A_584 = arith.addi %mul3A_582, %add3A_583 : i32
    %dma_wait3A_585 = arith.constant 2 : i32
    %dma_wait3A_586 = arith.constant 2 : i32
    %dma_wait3A_587 = arith.constant 0 : i32
    %dma_wait3A_588 = arith.constant 0 : i32
    %dma_wait3A_589 = tpu.memref_slice %arg7[%dma_wait3A_585, %dma_wait3A_587, %dma_wait3A_588] : memref<4x72x128xf32, #tpu.memory_space<vmem>> -> memref<1x72x128xf32, #tpu.memory_space<vmem>>
    %dma_wait3A_590 = tpu.memref_squeeze %dma_wait3A_589 : memref<1x72x128xf32, #tpu.memory_space<vmem>> -> memref<72x128xf32, #tpu.memory_space<vmem>>
    %dma_wait3A_591 = arith.constant 0 : i32
    %dma_wait3A_592 = arith.constant 0 : i32
    %dma_wait3A_593 = tpu.memref_slice %arg8[%add3A_584, %dma_wait3A_591, %dma_wait3A_592] : memref<64x72x128xf32, #tpu.memory_space<vmem_shared>> -> memref<1x72x128xf32, #tpu.memory_space<vmem_shared>>
    %dma_wait3A_594 = tpu.memref_squeeze %dma_wait3A_593 : memref<1x72x128xf32, #tpu.memory_space<vmem_shared>> -> memref<72x128xf32, #tpu.memory_space<vmem_shared>>
    %dma_wait3A_595 = tpu.memref_slice %arg12[%dma_wait3A_586] : memref<4x!tpu.dma_semaphore, #tpu.memory_space<semaphore_mem>> -> memref<1x!tpu.dma_semaphore, #tpu.memory_space<semaphore_mem>>
    %dma_wait3A_596 = tpu.memref_squeeze %dma_wait3A_595 : memref<1x!tpu.dma_semaphore, #tpu.memory_space<semaphore_mem>> -> memref<!tpu.dma_semaphore, #tpu.memory_space<semaphore_mem>>
    %dma_wait3A_597 = arith.constant 0 : i32
    %dma_wait3A_598 = arith.constant 0 : i32
    %dma_wait3A_599 = tpu.memref_slice %arg8[%add3A_584, %dma_wait3A_597, %dma_wait3A_598] : memref<64x72x128xf32, #tpu.memory_space<vmem_shared>> -> memref<1x72x128xf32, #tpu.memory_space<vmem_shared>>
    %dma_wait3A_600 = tpu.memref_squeeze %dma_wait3A_599 : memref<1x72x128xf32, #tpu.memory_space<vmem_shared>> -> memref<72x128xf32, #tpu.memory_space<vmem_shared>>
    %dma_wait3A_601 = arith.constant 0 : i32
    %dma_wait3A_602 = arith.constant 0 : i32
    %dma_wait3A_603 = tpu.memref_slice %arg7[%dma_wait3A_585, %dma_wait3A_601, %dma_wait3A_602] : memref<4x72x128xf32, #tpu.memory_space<vmem>> -> memref<1x72x128xf32, #tpu.memory_space<vmem>>
    %dma_wait3A_604 = tpu.memref_squeeze %dma_wait3A_603 : memref<1x72x128xf32, #tpu.memory_space<vmem>> -> memref<72x128xf32, #tpu.memory_space<vmem>>
    tpu.wait_dma2 semaphore(%dma_wait3A_596 : memref<!tpu.dma_semaphore, #tpu.memory_space<semaphore_mem>>) src(%dma_wait3A_604 : memref<72x128xf32, #tpu.memory_space<vmem>>) dst(%dma_wait3A_600 : memref<72x128xf32, #tpu.memory_space<vmem_shared>>)
    %mul3A_605 = arith.constant 4 : i32
    %mul3A_606 = arith.muli %arg1, %mul3A_605 : i32
    %add3A_607 = arith.constant 2 : i32
    %add3A_608 = arith.addi %mul3A_606, %add3A_607 : i32
    %add3A_609 = arith.constant 256 : i32
    %add3A_610 = arith.addi %mul3A_2, %add3A_609 : i32
    %add3A_611 = arith.constant 56 : i32
    %add3A_612 = arith.addi %add3A_610, %add3A_611 : i32
    %dma_start3A_613 = arith.constant 2 : i32
    %dma_start3A_614 = tpu.memref_slice %arg13[%dma_start3A_613] : memref<4x!tpu.dma_semaphore, #tpu.memory_space<semaphore_mem>> -> memref<1x!tpu.dma_semaphore, #tpu.memory_space<semaphore_mem>>
    %dma_start3A_615 = tpu.memref_squeeze %dma_start3A_614 : memref<1x!tpu.dma_semaphore, #tpu.memory_space<semaphore_mem>> -> memref<!tpu.dma_semaphore, #tpu.memory_space<semaphore_mem>>
    %dma_start3A_616 = arith.constant 0 : i32
    %dma_start3A_617 = tpu.memref_slice %arg4[%add3A_612, %dma_start3A_616] : memref<819200x128xf32, #tpu.memory_space<hbm>> -> memref<72x128xf32, #tpu.memory_space<hbm>>
    %dma_start3A_618 = arith.constant 0 : i32
    %dma_start3A_619 = arith.constant 0 : i32
    %dma_start3A_620 = tpu.memref_slice %arg8[%add3A_608, %dma_start3A_618, %dma_start3A_619] : memref<64x72x128xf32, #tpu.memory_space<vmem_shared>> -> memref<1x72x128xf32, #tpu.memory_space<vmem_shared>>
    %dma_start3A_621 = tpu.memref_squeeze %dma_start3A_620 : memref<1x72x128xf32, #tpu.memory_space<vmem_shared>> -> memref<72x128xf32, #tpu.memory_space<vmem_shared>>
    tpu.enqueue_dma source(%dma_start3A_621 : memref<72x128xf32, #tpu.memory_space<vmem_shared>>) target(%dma_start3A_617 : memref<72x128xf32, #tpu.memory_space<hbm>>) target_semaphore(%dma_start3A_615 : memref<!tpu.dma_semaphore, #tpu.memory_space<semaphore_mem>>)
    %scan3A = arith.constant 0 : i32
    %scan3A_622 = arith.constant 1 : i32
    %scan3A_623 = arith.constant 48 : i32
    %scan3A_624 = arith.addi %scan3A_622, %scan3A_623 : i32
    %scan3A_625 = arith.constant 1 : i32
    scf.for %scan3A_1366 = %scan3A_622 to %scan3A_624 step %scan3A_625  : i32 {
      %mul3A_1367 = arith.constant 4 : i32
      %mul3A_1368 = arith.muli %scan3A_1366, %mul3A_1367 : i32
      %add3A_1369 = arith.constant 0 : i32
      %add3A_1370 = arith.addi %mul3A_1368, %add3A_1369 : i32
      %add3A_1371 = arith.constant 2 : i32
      %add3A_1372 = arith.addi %add3A_1370, %add3A_1371 : i32
      %sub3A = arith.constant 4 : i32
      %sub3A_1373 = arith.subi %add3A_1372, %sub3A : i32
      %mul3A_1374 = arith.constant 128 : i32
      %mul3A_1375 = arith.muli %sub3A_1373, %mul3A_1374 : i32
      %add3A_1376 = arith.addi %mul3A_2, %mul3A_1375 : i32
      %dma_wait3A_1377 = arith.constant 2 : i32
      %dma_wait3A_1378 = arith.constant 2 : i32
      %dma_wait3A_1379 = arith.constant 0 : i32
      %dma_wait3A_1380 = arith.constant 0 : i32
      %dma_wait3A_1381 = tpu.memref_slice %arg6[%dma_wait3A_1377, %dma_wait3A_1379, %dma_wait3A_1380] : memref<4x56x128xf32, #tpu.memory_space<vmem>> -> memref<1x56x128xf32, #tpu.memory_space<vmem>>
      %dma_wait3A_1382 = tpu.memref_squeeze %dma_wait3A_1381 : memref<1x56x128xf32, #tpu.memory_space<vmem>> -> memref<56x128xf32, #tpu.memory_space<vmem>>
      %dma_wait3A_1383 = arith.constant 0 : i32
      %dma_wait3A_1384 = tpu.memref_slice %arg4[%add3A_1376, %dma_wait3A_1383] : memref<819200x128xf32, #tpu.memory_space<hbm>> -> memref<56x128xf32, #tpu.memory_space<hbm>>
      %dma_wait3A_1385 = tpu.memref_slice %arg10[%dma_wait3A_1378] : memref<4x!tpu.dma_semaphore, #tpu.memory_space<semaphore_mem>> -> memref<1x!tpu.dma_semaphore, #tpu.memory_space<semaphore_mem>>
      %dma_wait3A_1386 = tpu.memref_squeeze %dma_wait3A_1385 : memref<1x!tpu.dma_semaphore, #tpu.memory_space<semaphore_mem>> -> memref<!tpu.dma_semaphore, #tpu.memory_space<semaphore_mem>>
      %dma_wait3A_1387 = arith.constant 0 : i32
      %dma_wait3A_1388 = tpu.memref_slice %arg4[%add3A_1376, %dma_wait3A_1387] : memref<819200x128xf32, #tpu.memory_space<hbm>> -> memref<56x128xf32, #tpu.memory_space<hbm>>
      %dma_wait3A_1389 = arith.constant 0 : i32
      %dma_wait3A_1390 = arith.constant 0 : i32
      %dma_wait3A_1391 = tpu.memref_slice %arg6[%dma_wait3A_1377, %dma_wait3A_1389, %dma_wait3A_1390] : memref<4x56x128xf32, #tpu.memory_space<vmem>> -> memref<1x56x128xf32, #tpu.memory_space<vmem>>
      %dma_wait3A_1392 = tpu.memref_squeeze %dma_wait3A_1391 : memref<1x56x128xf32, #tpu.memory_space<vmem>> -> memref<56x128xf32, #tpu.memory_space<vmem>>
      tpu.wait_dma2 semaphore(%dma_wait3A_1386 : memref<!tpu.dma_semaphore, #tpu.memory_space<semaphore_mem>>) src(%dma_wait3A_1392 : memref<56x128xf32, #tpu.memory_space<vmem>>) dst(%dma_wait3A_1388 : memref<56x128xf32, #tpu.memory_space<hbm>>)
      %add3A_1393 = arith.constant 2 : i32
      %add3A_1394 = arith.addi %add3A_1370, %add3A_1393 : i32
      %sub3A_1395 = arith.constant 4 : i32
      %sub3A_1396 = arith.subi %add3A_1394, %sub3A_1395 : i32
      %mul3A_1397 = arith.constant 4 : i32
      %mul3A_1398 = arith.muli %arg1, %mul3A_1397 : i32
      %add3A_1399 = arith.constant 2 : i32
      %add3A_1400 = arith.addi %mul3A_1398, %add3A_1399 : i32
      %mul3A_1401 = arith.constant 128 : i32
      %mul3A_1402 = arith.muli %sub3A_1396, %mul3A_1401 : i32
      %add3A_1403 = arith.addi %mul3A_2, %mul3A_1402 : i32
      %add3A_1404 = arith.constant 56 : i32
      %add3A_1405 = arith.addi %add3A_1403, %add3A_1404 : i32
      %dma_wait3A_1406 = arith.constant 2 : i32
      %dma_wait3A_1407 = tpu.memref_slice %arg13[%dma_wait3A_1406] : memref<4x!tpu.dma_semaphore, #tpu.memory_space<semaphore_mem>> -> memref<1x!tpu.dma_semaphore, #tpu.memory_space<semaphore_mem>>
      %dma_wait3A_1408 = tpu.memref_squeeze %dma_wait3A_1407 : memref<1x!tpu.dma_semaphore, #tpu.memory_space<semaphore_mem>> -> memref<!tpu.dma_semaphore, #tpu.memory_space<semaphore_mem>>
      %dma_wait3A_1409 = arith.constant 0 : i32
      %dma_wait3A_1410 = tpu.memref_slice %arg4[%add3A_1405, %dma_wait3A_1409] : memref<819200x128xf32, #tpu.memory_space<hbm>> -> memref<72x128xf32, #tpu.memory_space<hbm>>
      %dma_wait3A_1411 = arith.constant 0 : i32
      %dma_wait3A_1412 = arith.constant 0 : i32
      %dma_wait3A_1413 = tpu.memref_slice %arg8[%add3A_1400, %dma_wait3A_1411, %dma_wait3A_1412] : memref<64x72x128xf32, #tpu.memory_space<vmem_shared>> -> memref<1x72x128xf32, #tpu.memory_space<vmem_shared>>
      %dma_wait3A_1414 = tpu.memref_squeeze %dma_wait3A_1413 : memref<1x72x128xf32, #tpu.memory_space<vmem_shared>> -> memref<72x128xf32, #tpu.memory_space<vmem_shared>>
      tpu.wait_dma2 semaphore(%dma_wait3A_1408 : memref<!tpu.dma_semaphore, #tpu.memory_space<semaphore_mem>>) src(%dma_wait3A_1414 : memref<72x128xf32, #tpu.memory_space<vmem_shared>>) dst(%dma_wait3A_1410 : memref<72x128xf32, #tpu.memory_space<hbm>>)
      %add3A_1415 = arith.constant 2 : i32
      %add3A_1416 = arith.addi %add3A_1370, %add3A_1415 : i32
      %mul3A_1417 = arith.constant 128 : i32
      %mul3A_1418 = arith.muli %add3A_1416, %mul3A_1417 : i32
      %dma_start3A_1419 = arith.constant 2 : i32
      %dma_start3A_1420 = arith.constant 2 : i32
      %dma_start3A_1421 = arith.constant 0 : i32
      %dma_start3A_1422 = arith.constant 0 : i32
      %dma_start3A_1423 = tpu.memref_slice %arg6[%dma_start3A_1419, %dma_start3A_1421, %dma_start3A_1422] : memref<4x56x128xf32, #tpu.memory_space<vmem>> -> memref<1x56x128xf32, #tpu.memory_space<vmem>>
      %dma_start3A_1424 = tpu.memref_squeeze %dma_start3A_1423 : memref<1x56x128xf32, #tpu.memory_space<vmem>> -> memref<56x128xf32, #tpu.memory_space<vmem>>
      %dma_start3A_1425 = tpu.memref_slice %arg5[%mul3A_1418] : memref<25600xi32, #tpu.memory_space<vmem>> -> memref<56xi32, #tpu.memory_space<vmem>>
      %dma_start3A_1426 = arith.constant 0 : i32
      %dma_start3A_1427 = arith.constant 0 : i32
      %dma_start3A_1428 = tpu.memref_slice %arg3[%dma_start3A_1426, %dma_start3A_1427] : memref<1000000x128xf32, #tpu.memory_space<hbm>> -> memref<1000000x128xf32, #tpu.memory_space<hbm>>
      %dma_start3A_1429 = tpu.memref_slice %arg9[%dma_start3A_1420] : memref<4x!tpu.dma_semaphore, #tpu.memory_space<semaphore_mem>> -> memref<1x!tpu.dma_semaphore, #tpu.memory_space<semaphore_mem>>
      %dma_start3A_1430 = tpu.memref_squeeze %dma_start3A_1429 : memref<1x!tpu.dma_semaphore, #tpu.memory_space<semaphore_mem>> -> memref<!tpu.dma_semaphore, #tpu.memory_space<semaphore_mem>>
      tpu.enqueue_indirect_dma source(%dma_start3A_1428 : memref<1000000x128xf32, #tpu.memory_space<hbm>>) target(%dma_start3A_1424 : memref<56x128xf32, #tpu.memory_space<vmem>>) offsets(%dma_start3A_1425 : memref<56xi32, #tpu.memory_space<vmem>>) semaphore(%dma_start3A_1430 : memref<!tpu.dma_semaphore, #tpu.memory_space<semaphore_mem>>)
      %mul3A_1431 = arith.constant 128 : i32
      %mul3A_1432 = arith.muli %add3A_1416, %mul3A_1431 : i32
      %add3A_1433 = arith.constant 56 : i32
      %add3A_1434 = arith.addi %mul3A_1432, %add3A_1433 : i32
      %dma_start3A_1435 = arith.constant 2 : i32
      %dma_start3A_1436 = arith.constant 2 : i32
      %dma_start3A_1437 = arith.constant 0 : i32
      %dma_start3A_1438 = arith.constant 0 : i32
      %dma_start3A_1439 = tpu.memref_slice %arg7[%dma_start3A_1435, %dma_start3A_1437, %dma_start3A_1438] : memref<4x72x128xf32, #tpu.memory_space<vmem>> -> memref<1x72x128xf32, #tpu.memory_space<vmem>>
      %dma_start3A_1440 = tpu.memref_squeeze %dma_start3A_1439 : memref<1x72x128xf32, #tpu.memory_space<vmem>> -> memref<72x128xf32, #tpu.memory_space<vmem>>
      %dma_start3A_1441 = tpu.memref_slice %arg5[%add3A_1434] : memref<25600xi32, #tpu.memory_space<vmem>> -> memref<72xi32, #tpu.memory_space<vmem>>
      %dma_start3A_1442 = arith.constant 0 : i32
      %dma_start3A_1443 = arith.constant 0 : i32
      %dma_start3A_1444 = tpu.memref_slice %arg3[%dma_start3A_1442, %dma_start3A_1443] : memref<1000000x128xf32, #tpu.memory_space<hbm>> -> memref<1000000x128xf32, #tpu.memory_space<hbm>>
      %dma_start3A_1445 = tpu.memref_slice %arg11[%dma_start3A_1436] : memref<4x!tpu.dma_semaphore, #tpu.memory_space<semaphore_mem>> -> memref<1x!tpu.dma_semaphore, #tpu.memory_space<semaphore_mem>>
      %dma_start3A_1446 = tpu.memref_squeeze %dma_start3A_1445 : memref<1x!tpu.dma_semaphore, #tpu.memory_space<semaphore_mem>> -> memref<!tpu.dma_semaphore, #tpu.memory_space<semaphore_mem>>
      tpu.enqueue_indirect_dma source(%dma_start3A_1444 : memref<1000000x128xf32, #tpu.memory_space<hbm>>) target(%dma_start3A_1440 : memref<72x128xf32, #tpu.memory_space<vmem>>) offsets(%dma_start3A_1441 : memref<72xi32, #tpu.memory_space<vmem>>) semaphore(%dma_start3A_1446 : memref<!tpu.dma_semaphore, #tpu.memory_space<semaphore_mem>>)
      %mul3A_1447 = arith.constant 128 : i32
      %mul3A_1448 = arith.muli %add3A_1370, %mul3A_1447 : i32
      %dma_wait3A_1449 = arith.constant 0 : i32
      %dma_wait3A_1450 = arith.constant 0 : i32
      %dma_wait3A_1451 = arith.constant 0 : i32
      %dma_wait3A_1452 = arith.constant 0 : i32
      %dma_wait3A_1453 = tpu.memref_slice %arg6[%dma_wait3A_1449, %dma_wait3A_1451, %dma_wait3A_1452] : memref<4x56x128xf32, #tpu.memory_space<vmem>> -> memref<1x56x128xf32, #tpu.memory_space<vmem>>
      %dma_wait3A_1454 = tpu.memref_squeeze %dma_wait3A_1453 : memref<1x56x128xf32, #tpu.memory_space<vmem>> -> memref<56x128xf32, #tpu.memory_space<vmem>>
      %dma_wait3A_1455 = tpu.memref_slice %arg5[%mul3A_1448] : memref<25600xi32, #tpu.memory_space<vmem>> -> memref<56xi32, #tpu.memory_space<vmem>>
      %dma_wait3A_1456 = arith.constant 0 : i32
      %dma_wait3A_1457 = arith.constant 0 : i32
      %dma_wait3A_1458 = tpu.memref_slice %arg3[%dma_wait3A_1456, %dma_wait3A_1457] : memref<1000000x128xf32, #tpu.memory_space<hbm>> -> memref<1000000x128xf32, #tpu.memory_space<hbm>>
      %dma_wait3A_1459 = tpu.memref_slice %arg9[%dma_wait3A_1450] : memref<4x!tpu.dma_semaphore, #tpu.memory_space<semaphore_mem>> -> memref<1x!tpu.dma_semaphore, #tpu.memory_space<semaphore_mem>>
      %dma_wait3A_1460 = tpu.memref_squeeze %dma_wait3A_1459 : memref<1x!tpu.dma_semaphore, #tpu.memory_space<semaphore_mem>> -> memref<!tpu.dma_semaphore, #tpu.memory_space<semaphore_mem>>
      tpu.wait_indirect_dma semaphore(%dma_wait3A_1460 : memref<!tpu.dma_semaphore, #tpu.memory_space<semaphore_mem>>) src(%dma_wait3A_1458 : memref<1000000x128xf32, #tpu.memory_space<hbm>>) dst(%dma_wait3A_1454 : memref<56x128xf32, #tpu.memory_space<vmem>>)
      %mul3A_1461 = arith.constant 128 : i32
      %mul3A_1462 = arith.muli %add3A_1370, %mul3A_1461 : i32
      %add3A_1463 = arith.addi %mul3A_2, %mul3A_1462 : i32
      %dma_start3A_1464 = arith.constant 0 : i32
      %dma_start3A_1465 = arith.constant 0 : i32
      %dma_start3A_1466 = arith.constant 0 : i32
      %dma_start3A_1467 = arith.constant 0 : i32
      %dma_start3A_1468 = tpu.memref_slice %arg6[%dma_start3A_1464, %dma_start3A_1466, %dma_start3A_1467] : memref<4x56x128xf32, #tpu.memory_space<vmem>> -> memref<1x56x128xf32, #tpu.memory_space<vmem>>
      %dma_start3A_1469 = tpu.memref_squeeze %dma_start3A_1468 : memref<1x56x128xf32, #tpu.memory_space<vmem>> -> memref<56x128xf32, #tpu.memory_space<vmem>>
      %dma_start3A_1470 = arith.constant 0 : i32
      %dma_start3A_1471 = tpu.memref_slice %arg4[%add3A_1463, %dma_start3A_1470] : memref<819200x128xf32, #tpu.memory_space<hbm>> -> memref<56x128xf32, #tpu.memory_space<hbm>>
      %dma_start3A_1472 = tpu.memref_slice %arg10[%dma_start3A_1465] : memref<4x!tpu.dma_semaphore, #tpu.memory_space<semaphore_mem>> -> memref<1x!tpu.dma_semaphore, #tpu.memory_space<semaphore_mem>>
      %dma_start3A_1473 = tpu.memref_squeeze %dma_start3A_1472 : memref<1x!tpu.dma_semaphore, #tpu.memory_space<semaphore_mem>> -> memref<!tpu.dma_semaphore, #tpu.memory_space<semaphore_mem>>
      %dma_start3A_1474 = arith.constant 0 : i32
      %dma_start3A_1475 = tpu.memref_slice %arg4[%add3A_1463, %dma_start3A_1474] : memref<819200x128xf32, #tpu.memory_space<hbm>> -> memref<56x128xf32, #tpu.memory_space<hbm>>
      %dma_start3A_1476 = arith.constant 0 : i32
      %dma_start3A_1477 = arith.constant 0 : i32
      %dma_start3A_1478 = tpu.memref_slice %arg6[%dma_start3A_1464, %dma_start3A_1476, %dma_start3A_1477] : memref<4x56x128xf32, #tpu.memory_space<vmem>> -> memref<1x56x128xf32, #tpu.memory_space<vmem>>
      %dma_start3A_1479 = tpu.memref_squeeze %dma_start3A_1478 : memref<1x56x128xf32, #tpu.memory_space<vmem>> -> memref<56x128xf32, #tpu.memory_space<vmem>>
      tpu.enqueue_dma source(%dma_start3A_1479 : memref<56x128xf32, #tpu.memory_space<vmem>>) target(%dma_start3A_1475 : memref<56x128xf32, #tpu.memory_space<hbm>>) target_semaphore(%dma_start3A_1473 : memref<!tpu.dma_semaphore, #tpu.memory_space<semaphore_mem>>)
      %mul3A_1480 = arith.constant 128 : i32
      %mul3A_1481 = arith.muli %add3A_1370, %mul3A_1480 : i32
      %add3A_1482 = arith.constant 56 : i32
      %add3A_1483 = arith.addi %mul3A_1481, %add3A_1482 : i32
      %dma_wait3A_1484 = arith.constant 0 : i32
      %dma_wait3A_1485 = arith.constant 0 : i32
      %dma_wait3A_1486 = arith.constant 0 : i32
      %dma_wait3A_1487 = arith.constant 0 : i32
      %dma_wait3A_1488 = tpu.memref_slice %arg7[%dma_wait3A_1484, %dma_wait3A_1486, %dma_wait3A_1487] : memref<4x72x128xf32, #tpu.memory_space<vmem>> -> memref<1x72x128xf32, #tpu.memory_space<vmem>>
      %dma_wait3A_1489 = tpu.memref_squeeze %dma_wait3A_1488 : memref<1x72x128xf32, #tpu.memory_space<vmem>> -> memref<72x128xf32, #tpu.memory_space<vmem>>
      %dma_wait3A_1490 = tpu.memref_slice %arg5[%add3A_1483] : memref<25600xi32, #tpu.memory_space<vmem>> -> memref<72xi32, #tpu.memory_space<vmem>>
      %dma_wait3A_1491 = arith.constant 0 : i32
      %dma_wait3A_1492 = arith.constant 0 : i32
      %dma_wait3A_1493 = tpu.memref_slice %arg3[%dma_wait3A_1491, %dma_wait3A_1492] : memref<1000000x128xf32, #tpu.memory_space<hbm>> -> memref<1000000x128xf32, #tpu.memory_space<hbm>>
      %dma_wait3A_1494 = tpu.memref_slice %arg11[%dma_wait3A_1485] : memref<4x!tpu.dma_semaphore, #tpu.memory_space<semaphore_mem>> -> memref<1x!tpu.dma_semaphore, #tpu.memory_space<semaphore_mem>>
      %dma_wait3A_1495 = tpu.memref_squeeze %dma_wait3A_1494 : memref<1x!tpu.dma_semaphore, #tpu.memory_space<semaphore_mem>> -> memref<!tpu.dma_semaphore, #tpu.memory_space<semaphore_mem>>
      tpu.wait_indirect_dma semaphore(%dma_wait3A_1495 : memref<!tpu.dma_semaphore, #tpu.memory_space<semaphore_mem>>) src(%dma_wait3A_1493 : memref<1000000x128xf32, #tpu.memory_space<hbm>>) dst(%dma_wait3A_1489 : memref<72x128xf32, #tpu.memory_space<vmem>>)
      %mul3A_1496 = arith.constant 4 : i32
      %mul3A_1497 = arith.muli %arg1, %mul3A_1496 : i32
      %add3A_1498 = arith.constant 0 : i32
      %add3A_1499 = arith.addi %mul3A_1497, %add3A_1498 : i32
      %dma_start3A_1500 = arith.constant 0 : i32
      %dma_start3A_1501 = arith.constant 0 : i32
      %dma_start3A_1502 = arith.constant 0 : i32
      %dma_start3A_1503 = arith.constant 0 : i32
      %dma_start3A_1504 = tpu.memref_slice %arg7[%dma_start3A_1500, %dma_start3A_1502, %dma_start3A_1503] : memref<4x72x128xf32, #tpu.memory_space<vmem>> -> memref<1x72x128xf32, #tpu.memory_space<vmem>>
      %dma_start3A_1505 = tpu.memref_squeeze %dma_start3A_1504 : memref<1x72x128xf32, #tpu.memory_space<vmem>> -> memref<72x128xf32, #tpu.memory_space<vmem>>
      %dma_start3A_1506 = arith.constant 0 : i32
      %dma_start3A_1507 = arith.constant 0 : i32
      %dma_start3A_1508 = tpu.memref_slice %arg8[%add3A_1499, %dma_start3A_1506, %dma_start3A_1507] : memref<64x72x128xf32, #tpu.memory_space<vmem_shared>> -> memref<1x72x128xf32, #tpu.memory_space<vmem_shared>>
      %dma_start3A_1509 = tpu.memref_squeeze %dma_start3A_1508 : memref<1x72x128xf32, #tpu.memory_space<vmem_shared>> -> memref<72x128xf32, #tpu.memory_space<vmem_shared>>
      %dma_start3A_1510 = tpu.memref_slice %arg12[%dma_start3A_1501] : memref<4x!tpu.dma_semaphore, #tpu.memory_space<semaphore_mem>> -> memref<1x!tpu.dma_semaphore, #tpu.memory_space<semaphore_mem>>
      %dma_start3A_1511 = tpu.memref_squeeze %dma_start3A_1510 : memref<1x!tpu.dma_semaphore, #tpu.memory_space<semaphore_mem>> -> memref<!tpu.dma_semaphore, #tpu.memory_space<semaphore_mem>>
      %dma_start3A_1512 = arith.constant 0 : i32
      %dma_start3A_1513 = arith.constant 0 : i32
      %dma_start3A_1514 = tpu.memref_slice %arg8[%add3A_1499, %dma_start3A_1512, %dma_start3A_1513] : memref<64x72x128xf32, #tpu.memory_space<vmem_shared>> -> memref<1x72x128xf32, #tpu.memory_space<vmem_shared>>
      %dma_start3A_1515 = tpu.memref_squeeze %dma_start3A_1514 : memref<1x72x128xf32, #tpu.memory_space<vmem_shared>> -> memref<72x128xf32, #tpu.memory_space<vmem_shared>>
      %dma_start3A_1516 = arith.constant 0 : i32
      %dma_start3A_1517 = arith.constant 0 : i32
      %dma_start3A_1518 = tpu.memref_slice %arg7[%dma_start3A_1500, %dma_start3A_1516, %dma_start3A_1517] : memref<4x72x128xf32, #tpu.memory_space<vmem>> -> memref<1x72x128xf32, #tpu.memory_space<vmem>>
      %dma_start3A_1519 = tpu.memref_squeeze %dma_start3A_1518 : memref<1x72x128xf32, #tpu.memory_space<vmem>> -> memref<72x128xf32, #tpu.memory_space<vmem>>
      tpu.enqueue_dma source(%dma_start3A_1519 : memref<72x128xf32, #tpu.memory_space<vmem>>) target(%dma_start3A_1515 : memref<72x128xf32, #tpu.memory_space<vmem_shared>>) target_semaphore(%dma_start3A_1511 : memref<!tpu.dma_semaphore, #tpu.memory_space<semaphore_mem>>)
      %mul3A_1520 = arith.constant 4 : i32
      %mul3A_1521 = arith.muli %arg1, %mul3A_1520 : i32
      %add3A_1522 = arith.constant 3 : i32
      %add3A_1523 = arith.addi %mul3A_1521, %add3A_1522 : i32
      %dma_wait3A_1524 = arith.constant 3 : i32
      %dma_wait3A_1525 = arith.constant 3 : i32
      %dma_wait3A_1526 = arith.constant 0 : i32
      %dma_wait3A_1527 = arith.constant 0 : i32
      %dma_wait3A_1528 = tpu.memref_slice %arg7[%dma_wait3A_1524, %dma_wait3A_1526, %dma_wait3A_1527] : memref<4x72x128xf32, #tpu.memory_space<vmem>> -> memref<1x72x128xf32, #tpu.memory_space<vmem>>
      %dma_wait3A_1529 = tpu.memref_squeeze %dma_wait3A_1528 : memref<1x72x128xf32, #tpu.memory_space<vmem>> -> memref<72x128xf32, #tpu.memory_space<vmem>>
      %dma_wait3A_1530 = arith.constant 0 : i32
      %dma_wait3A_1531 = arith.constant 0 : i32
      %dma_wait3A_1532 = tpu.memref_slice %arg8[%add3A_1523, %dma_wait3A_1530, %dma_wait3A_1531] : memref<64x72x128xf32, #tpu.memory_space<vmem_shared>> -> memref<1x72x128xf32, #tpu.memory_space<vmem_shared>>
      %dma_wait3A_1533 = tpu.memref_squeeze %dma_wait3A_1532 : memref<1x72x128xf32, #tpu.memory_space<vmem_shared>> -> memref<72x128xf32, #tpu.memory_space<vmem_shared>>
      %dma_wait3A_1534 = tpu.memref_slice %arg12[%dma_wait3A_1525] : memref<4x!tpu.dma_semaphore, #tpu.memory_space<semaphore_mem>> -> memref<1x!tpu.dma_semaphore, #tpu.memory_space<semaphore_mem>>
      %dma_wait3A_1535 = tpu.memref_squeeze %dma_wait3A_1534 : memref<1x!tpu.dma_semaphore, #tpu.memory_space<semaphore_mem>> -> memref<!tpu.dma_semaphore, #tpu.memory_space<semaphore_mem>>
      %dma_wait3A_1536 = arith.constant 0 : i32
      %dma_wait3A_1537 = arith.constant 0 : i32
      %dma_wait3A_1538 = tpu.memref_slice %arg8[%add3A_1523, %dma_wait3A_1536, %dma_wait3A_1537] : memref<64x72x128xf32, #tpu.memory_space<vmem_shared>> -> memref<1x72x128xf32, #tpu.memory_space<vmem_shared>>
      %dma_wait3A_1539 = tpu.memref_squeeze %dma_wait3A_1538 : memref<1x72x128xf32, #tpu.memory_space<vmem_shared>> -> memref<72x128xf32, #tpu.memory_space<vmem_shared>>
      %dma_wait3A_1540 = arith.constant 0 : i32
      %dma_wait3A_1541 = arith.constant 0 : i32
      %dma_wait3A_1542 = tpu.memref_slice %arg7[%dma_wait3A_1524, %dma_wait3A_1540, %dma_wait3A_1541] : memref<4x72x128xf32, #tpu.memory_space<vmem>> -> memref<1x72x128xf32, #tpu.memory_space<vmem>>
      %dma_wait3A_1543 = tpu.memref_squeeze %dma_wait3A_1542 : memref<1x72x128xf32, #tpu.memory_space<vmem>> -> memref<72x128xf32, #tpu.memory_space<vmem>>
      tpu.wait_dma2 semaphore(%dma_wait3A_1535 : memref<!tpu.dma_semaphore, #tpu.memory_space<semaphore_mem>>) src(%dma_wait3A_1543 : memref<72x128xf32, #tpu.memory_space<vmem>>) dst(%dma_wait3A_1539 : memref<72x128xf32, #tpu.memory_space<vmem_shared>>)
      %sub3A_1544 = arith.constant 1 : i32
      %sub3A_1545 = arith.subi %add3A_1370, %sub3A_1544 : i32
      %mul3A_1546 = arith.constant 4 : i32
      %mul3A_1547 = arith.muli %arg1, %mul3A_1546 : i32
      %add3A_1548 = arith.constant 3 : i32
      %add3A_1549 = arith.addi %mul3A_1547, %add3A_1548 : i32
      %mul3A_1550 = arith.constant 128 : i32
      %mul3A_1551 = arith.muli %sub3A_1545, %mul3A_1550 : i32
      %add3A_1552 = arith.addi %mul3A_2, %mul3A_1551 : i32
      %add3A_1553 = arith.constant 56 : i32
      %add3A_1554 = arith.addi %add3A_1552, %add3A_1553 : i32
      %dma_start3A_1555 = arith.constant 3 : i32
      %dma_start3A_1556 = tpu.memref_slice %arg13[%dma_start3A_1555] : memref<4x!tpu.dma_semaphore, #tpu.memory_space<semaphore_mem>> -> memref<1x!tpu.dma_semaphore, #tpu.memory_space<semaphore_mem>>
      %dma_start3A_1557 = tpu.memref_squeeze %dma_start3A_1556 : memref<1x!tpu.dma_semaphore, #tpu.memory_space<semaphore_mem>> -> memref<!tpu.dma_semaphore, #tpu.memory_space<semaphore_mem>>
      %dma_start3A_1558 = arith.constant 0 : i32
      %dma_start3A_1559 = tpu.memref_slice %arg4[%add3A_1554, %dma_start3A_1558] : memref<819200x128xf32, #tpu.memory_space<hbm>> -> memref<72x128xf32, #tpu.memory_space<hbm>>
      %dma_start3A_1560 = arith.constant 0 : i32
      %dma_start3A_1561 = arith.constant 0 : i32
      %dma_start3A_1562 = tpu.memref_slice %arg8[%add3A_1549, %dma_start3A_1560, %dma_start3A_1561] : memref<64x72x128xf32, #tpu.memory_space<vmem_shared>> -> memref<1x72x128xf32, #tpu.memory_space<vmem_shared>>
      %dma_start3A_1563 = tpu.memref_squeeze %dma_start3A_1562 : memref<1x72x128xf32, #tpu.memory_space<vmem_shared>> -> memref<72x128xf32, #tpu.memory_space<vmem_shared>>
      tpu.enqueue_dma source(%dma_start3A_1563 : memref<72x128xf32, #tpu.memory_space<vmem_shared>>) target(%dma_start3A_1559 : memref<72x128xf32, #tpu.memory_space<hbm>>) target_semaphore(%dma_start3A_1557 : memref<!tpu.dma_semaphore, #tpu.memory_space<semaphore_mem>>)
      %mul3A_1564 = arith.constant 4 : i32
      %mul3A_1565 = arith.muli %scan3A_1366, %mul3A_1564 : i32
      %add3A_1566 = arith.constant 1 : i32
      %add3A_1567 = arith.addi %mul3A_1565, %add3A_1566 : i32
      %add3A_1568 = arith.constant 2 : i32
      %add3A_1569 = arith.addi %add3A_1567, %add3A_1568 : i32
      %sub3A_1570 = arith.constant 4 : i32
      %sub3A_1571 = arith.subi %add3A_1569, %sub3A_1570 : i32
      %mul3A_1572 = arith.constant 128 : i32
      %mul3A_1573 = arith.muli %sub3A_1571, %mul3A_1572 : i32
      %add3A_1574 = arith.addi %mul3A_2, %mul3A_1573 : i32
      %dma_wait3A_1575 = arith.constant 3 : i32
      %dma_wait3A_1576 = arith.constant 3 : i32
      %dma_wait3A_1577 = arith.constant 0 : i32
      %dma_wait3A_1578 = arith.constant 0 : i32
      %dma_wait3A_1579 = tpu.memref_slice %arg6[%dma_wait3A_1575, %dma_wait3A_1577, %dma_wait3A_1578] : memref<4x56x128xf32, #tpu.memory_space<vmem>> -> memref<1x56x128xf32, #tpu.memory_space<vmem>>
      %dma_wait3A_1580 = tpu.memref_squeeze %dma_wait3A_1579 : memref<1x56x128xf32, #tpu.memory_space<vmem>> -> memref<56x128xf32, #tpu.memory_space<vmem>>
      %dma_wait3A_1581 = arith.constant 0 : i32
      %dma_wait3A_1582 = tpu.memref_slice %arg4[%add3A_1574, %dma_wait3A_1581] : memref<819200x128xf32, #tpu.memory_space<hbm>> -> memref<56x128xf32, #tpu.memory_space<hbm>>
      %dma_wait3A_1583 = tpu.memref_slice %arg10[%dma_wait3A_1576] : memref<4x!tpu.dma_semaphore, #tpu.memory_space<semaphore_mem>> -> memref<1x!tpu.dma_semaphore, #tpu.memory_space<semaphore_mem>>
      %dma_wait3A_1584 = tpu.memref_squeeze %dma_wait3A_1583 : memref<1x!tpu.dma_semaphore, #tpu.memory_space<semaphore_mem>> -> memref<!tpu.dma_semaphore, #tpu.memory_space<semaphore_mem>>
      %dma_wait3A_1585 = arith.constant 0 : i32
      %dma_wait3A_1586 = tpu.memref_slice %arg4[%add3A_1574, %dma_wait3A_1585] : memref<819200x128xf32, #tpu.memory_space<hbm>> -> memref<56x128xf32, #tpu.memory_space<hbm>>
      %dma_wait3A_1587 = arith.constant 0 : i32
      %dma_wait3A_1588 = arith.constant 0 : i32
      %dma_wait3A_1589 = tpu.memref_slice %arg6[%dma_wait3A_1575, %dma_wait3A_1587, %dma_wait3A_1588] : memref<4x56x128xf32, #tpu.memory_space<vmem>> -> memref<1x56x128xf32, #tpu.memory_space<vmem>>
      %dma_wait3A_1590 = tpu.memref_squeeze %dma_wait3A_1589 : memref<1x56x128xf32, #tpu.memory_space<vmem>> -> memref<56x128xf32, #tpu.memory_space<vmem>>
      tpu.wait_dma2 semaphore(%dma_wait3A_1584 : memref<!tpu.dma_semaphore, #tpu.memory_space<semaphore_mem>>) src(%dma_wait3A_1590 : memref<56x128xf32, #tpu.memory_space<vmem>>) dst(%dma_wait3A_1586 : memref<56x128xf32, #tpu.memory_space<hbm>>)
      %add3A_1591 = arith.constant 2 : i32
      %add3A_1592 = arith.addi %add3A_1567, %add3A_1591 : i32
      %sub3A_1593 = arith.constant 4 : i32
      %sub3A_1594 = arith.subi %add3A_1592, %sub3A_1593 : i32
      %mul3A_1595 = arith.constant 4 : i32
      %mul3A_1596 = arith.muli %arg1, %mul3A_1595 : i32
      %add3A_1597 = arith.constant 3 : i32
      %add3A_1598 = arith.addi %mul3A_1596, %add3A_1597 : i32
      %mul3A_1599 = arith.constant 128 : i32
      %mul3A_1600 = arith.muli %sub3A_1594, %mul3A_1599 : i32
      %add3A_1601 = arith.addi %mul3A_2, %mul3A_1600 : i32
      %add3A_1602 = arith.constant 56 : i32
      %add3A_1603 = arith.addi %add3A_1601, %add3A_1602 : i32
      %dma_wait3A_1604 = arith.constant 3 : i32
      %dma_wait3A_1605 = tpu.memref_slice %arg13[%dma_wait3A_1604] : memref<4x!tpu.dma_semaphore, #tpu.memory_space<semaphore_mem>> -> memref<1x!tpu.dma_semaphore, #tpu.memory_space<semaphore_mem>>
      %dma_wait3A_1606 = tpu.memref_squeeze %dma_wait3A_1605 : memref<1x!tpu.dma_semaphore, #tpu.memory_space<semaphore_mem>> -> memref<!tpu.dma_semaphore, #tpu.memory_space<semaphore_mem>>
      %dma_wait3A_1607 = arith.constant 0 : i32
      %dma_wait3A_1608 = tpu.memref_slice %arg4[%add3A_1603, %dma_wait3A_1607] : memref<819200x128xf32, #tpu.memory_space<hbm>> -> memref<72x128xf32, #tpu.memory_space<hbm>>
      %dma_wait3A_1609 = arith.constant 0 : i32
      %dma_wait3A_1610 = arith.constant 0 : i32
      %dma_wait3A_1611 = tpu.memref_slice %arg8[%add3A_1598, %dma_wait3A_1609, %dma_wait3A_1610] : memref<64x72x128xf32, #tpu.memory_space<vmem_shared>> -> memref<1x72x128xf32, #tpu.memory_space<vmem_shared>>
      %dma_wait3A_1612 = tpu.memref_squeeze %dma_wait3A_1611 : memref<1x72x128xf32, #tpu.memory_space<vmem_shared>> -> memref<72x128xf32, #tpu.memory_space<vmem_shared>>
      tpu.wait_dma2 semaphore(%dma_wait3A_1606 : memref<!tpu.dma_semaphore, #tpu.memory_space<semaphore_mem>>) src(%dma_wait3A_1612 : memref<72x128xf32, #tpu.memory_space<vmem_shared>>) dst(%dma_wait3A_1608 : memref<72x128xf32, #tpu.memory_space<hbm>>)
      %add3A_1613 = arith.constant 2 : i32
      %add3A_1614 = arith.addi %add3A_1567, %add3A_1613 : i32
      %mul3A_1615 = arith.constant 128 : i32
      %mul3A_1616 = arith.muli %add3A_1614, %mul3A_1615 : i32
      %dma_start3A_1617 = arith.constant 3 : i32
      %dma_start3A_1618 = arith.constant 3 : i32
      %dma_start3A_1619 = arith.constant 0 : i32
      %dma_start3A_1620 = arith.constant 0 : i32
      %dma_start3A_1621 = tpu.memref_slice %arg6[%dma_start3A_1617, %dma_start3A_1619, %dma_start3A_1620] : memref<4x56x128xf32, #tpu.memory_space<vmem>> -> memref<1x56x128xf32, #tpu.memory_space<vmem>>
      %dma_start3A_1622 = tpu.memref_squeeze %dma_start3A_1621 : memref<1x56x128xf32, #tpu.memory_space<vmem>> -> memref<56x128xf32, #tpu.memory_space<vmem>>
      %dma_start3A_1623 = tpu.memref_slice %arg5[%mul3A_1616] : memref<25600xi32, #tpu.memory_space<vmem>> -> memref<56xi32, #tpu.memory_space<vmem>>
      %dma_start3A_1624 = arith.constant 0 : i32
      %dma_start3A_1625 = arith.constant 0 : i32
      %dma_start3A_1626 = tpu.memref_slice %arg3[%dma_start3A_1624, %dma_start3A_1625] : memref<1000000x128xf32, #tpu.memory_space<hbm>> -> memref<1000000x128xf32, #tpu.memory_space<hbm>>
      %dma_start3A_1627 = tpu.memref_slice %arg9[%dma_start3A_1618] : memref<4x!tpu.dma_semaphore, #tpu.memory_space<semaphore_mem>> -> memref<1x!tpu.dma_semaphore, #tpu.memory_space<semaphore_mem>>
      %dma_start3A_1628 = tpu.memref_squeeze %dma_start3A_1627 : memref<1x!tpu.dma_semaphore, #tpu.memory_space<semaphore_mem>> -> memref<!tpu.dma_semaphore, #tpu.memory_space<semaphore_mem>>
      tpu.enqueue_indirect_dma source(%dma_start3A_1626 : memref<1000000x128xf32, #tpu.memory_space<hbm>>) target(%dma_start3A_1622 : memref<56x128xf32, #tpu.memory_space<vmem>>) offsets(%dma_start3A_1623 : memref<56xi32, #tpu.memory_space<vmem>>) semaphore(%dma_start3A_1628 : memref<!tpu.dma_semaphore, #tpu.memory_space<semaphore_mem>>)
      %mul3A_1629 = arith.constant 128 : i32
      %mul3A_1630 = arith.muli %add3A_1614, %mul3A_1629 : i32
      %add3A_1631 = arith.constant 56 : i32
      %add3A_1632 = arith.addi %mul3A_1630, %add3A_1631 : i32
      %dma_start3A_1633 = arith.constant 3 : i32
      %dma_start3A_1634 = arith.constant 3 : i32
      %dma_start3A_1635 = arith.constant 0 : i32
      %dma_start3A_1636 = arith.constant 0 : i32
      %dma_start3A_1637 = tpu.memref_slice %arg7[%dma_start3A_1633, %dma_start3A_1635, %dma_start3A_1636] : memref<4x72x128xf32, #tpu.memory_space<vmem>> -> memref<1x72x128xf32, #tpu.memory_space<vmem>>
      %dma_start3A_1638 = tpu.memref_squeeze %dma_start3A_1637 : memref<1x72x128xf32, #tpu.memory_space<vmem>> -> memref<72x128xf32, #tpu.memory_space<vmem>>
      %dma_start3A_1639 = tpu.memref_slice %arg5[%add3A_1632] : memref<25600xi32, #tpu.memory_space<vmem>> -> memref<72xi32, #tpu.memory_space<vmem>>
      %dma_start3A_1640 = arith.constant 0 : i32
      %dma_start3A_1641 = arith.constant 0 : i32
      %dma_start3A_1642 = tpu.memref_slice %arg3[%dma_start3A_1640, %dma_start3A_1641] : memref<1000000x128xf32, #tpu.memory_space<hbm>> -> memref<1000000x128xf32, #tpu.memory_space<hbm>>
      %dma_start3A_1643 = tpu.memref_slice %arg11[%dma_start3A_1634] : memref<4x!tpu.dma_semaphore, #tpu.memory_space<semaphore_mem>> -> memref<1x!tpu.dma_semaphore, #tpu.memory_space<semaphore_mem>>
      %dma_start3A_1644 = tpu.memref_squeeze %dma_start3A_1643 : memref<1x!tpu.dma_semaphore, #tpu.memory_space<semaphore_mem>> -> memref<!tpu.dma_semaphore, #tpu.memory_space<semaphore_mem>>
      tpu.enqueue_indirect_dma source(%dma_start3A_1642 : memref<1000000x128xf32, #tpu.memory_space<hbm>>) target(%dma_start3A_1638 : memref<72x128xf32, #tpu.memory_space<vmem>>) offsets(%dma_start3A_1639 : memref<72xi32, #tpu.memory_space<vmem>>) semaphore(%dma_start3A_1644 : memref<!tpu.dma_semaphore, #tpu.memory_space<semaphore_mem>>)
      %mul3A_1645 = arith.constant 128 : i32
      %mul3A_1646 = arith.muli %add3A_1567, %mul3A_1645 : i32
      %dma_wait3A_1647 = arith.constant 1 : i32
      %dma_wait3A_1648 = arith.constant 1 : i32
      %dma_wait3A_1649 = arith.constant 0 : i32
      %dma_wait3A_1650 = arith.constant 0 : i32
      %dma_wait3A_1651 = tpu.memref_slice %arg6[%dma_wait3A_1647, %dma_wait3A_1649, %dma_wait3A_1650] : memref<4x56x128xf32, #tpu.memory_space<vmem>> -> memref<1x56x128xf32, #tpu.memory_space<vmem>>
      %dma_wait3A_1652 = tpu.memref_squeeze %dma_wait3A_1651 : memref<1x56x128xf32, #tpu.memory_space<vmem>> -> memref<56x128xf32, #tpu.memory_space<vmem>>
      %dma_wait3A_1653 = tpu.memref_slice %arg5[%mul3A_1646] : memref<25600xi32, #tpu.memory_space<vmem>> -> memref<56xi32, #tpu.memory_space<vmem>>
      %dma_wait3A_1654 = arith.constant 0 : i32
      %dma_wait3A_1655 = arith.constant 0 : i32
      %dma_wait3A_1656 = tpu.memref_slice %arg3[%dma_wait3A_1654, %dma_wait3A_1655] : memref<1000000x128xf32, #tpu.memory_space<hbm>> -> memref<1000000x128xf32, #tpu.memory_space<hbm>>
      %dma_wait3A_1657 = tpu.memref_slice %arg9[%dma_wait3A_1648] : memref<4x!tpu.dma_semaphore, #tpu.memory_space<semaphore_mem>> -> memref<1x!tpu.dma_semaphore, #tpu.memory_space<semaphore_mem>>
      %dma_wait3A_1658 = tpu.memref_squeeze %dma_wait3A_1657 : memref<1x!tpu.dma_semaphore, #tpu.memory_space<semaphore_mem>> -> memref<!tpu.dma_semaphore, #tpu.memory_space<semaphore_mem>>
      tpu.wait_indirect_dma semaphore(%dma_wait3A_1658 : memref<!tpu.dma_semaphore, #tpu.memory_space<semaphore_mem>>) src(%dma_wait3A_1656 : memref<1000000x128xf32, #tpu.memory_space<hbm>>) dst(%dma_wait3A_1652 : memref<56x128xf32, #tpu.memory_space<vmem>>)
      %mul3A_1659 = arith.constant 128 : i32
      %mul3A_1660 = arith.muli %add3A_1567, %mul3A_1659 : i32
      %add3A_1661 = arith.addi %mul3A_2, %mul3A_1660 : i32
      %dma_start3A_1662 = arith.constant 1 : i32
      %dma_start3A_1663 = arith.constant 1 : i32
      %dma_start3A_1664 = arith.constant 0 : i32
      %dma_start3A_1665 = arith.constant 0 : i32
      %dma_start3A_1666 = tpu.memref_slice %arg6[%dma_start3A_1662, %dma_start3A_1664, %dma_start3A_1665] : memref<4x56x128xf32, #tpu.memory_space<vmem>> -> memref<1x56x128xf32, #tpu.memory_space<vmem>>
      %dma_start3A_1667 = tpu.memref_squeeze %dma_start3A_1666 : memref<1x56x128xf32, #tpu.memory_space<vmem>> -> memref<56x128xf32, #tpu.memory_space<vmem>>
      %dma_start3A_1668 = arith.constant 0 : i32
      %dma_start3A_1669 = tpu.memref_slice %arg4[%add3A_1661, %dma_start3A_1668] : memref<819200x128xf32, #tpu.memory_space<hbm>> -> memref<56x128xf32, #tpu.memory_space<hbm>>
      %dma_start3A_1670 = tpu.memref_slice %arg10[%dma_start3A_1663] : memref<4x!tpu.dma_semaphore, #tpu.memory_space<semaphore_mem>> -> memref<1x!tpu.dma_semaphore, #tpu.memory_space<semaphore_mem>>
      %dma_start3A_1671 = tpu.memref_squeeze %dma_start3A_1670 : memref<1x!tpu.dma_semaphore, #tpu.memory_space<semaphore_mem>> -> memref<!tpu.dma_semaphore, #tpu.memory_space<semaphore_mem>>
      %dma_start3A_1672 = arith.constant 0 : i32
      %dma_start3A_1673 = tpu.memref_slice %arg4[%add3A_1661, %dma_start3A_1672] : memref<819200x128xf32, #tpu.memory_space<hbm>> -> memref<56x128xf32, #tpu.memory_space<hbm>>
      %dma_start3A_1674 = arith.constant 0 : i32
      %dma_start3A_1675 = arith.constant 0 : i32
      %dma_start3A_1676 = tpu.memref_slice %arg6[%dma_start3A_1662, %dma_start3A_1674, %dma_start3A_1675] : memref<4x56x128xf32, #tpu.memory_space<vmem>> -> memref<1x56x128xf32, #tpu.memory_space<vmem>>
      %dma_start3A_1677 = tpu.memref_squeeze %dma_start3A_1676 : memref<1x56x128xf32, #tpu.memory_space<vmem>> -> memref<56x128xf32, #tpu.memory_space<vmem>>
      tpu.enqueue_dma source(%dma_start3A_1677 : memref<56x128xf32, #tpu.memory_space<vmem>>) target(%dma_start3A_1673 : memref<56x128xf32, #tpu.memory_space<hbm>>) target_semaphore(%dma_start3A_1671 : memref<!tpu.dma_semaphore, #tpu.memory_space<semaphore_mem>>)
      %mul3A_1678 = arith.constant 128 : i32
      %mul3A_1679 = arith.muli %add3A_1567, %mul3A_1678 : i32
      %add3A_1680 = arith.constant 56 : i32
      %add3A_1681 = arith.addi %mul3A_1679, %add3A_1680 : i32
      %dma_wait3A_1682 = arith.constant 1 : i32
      %dma_wait3A_1683 = arith.constant 1 : i32
      %dma_wait3A_1684 = arith.constant 0 : i32
      %dma_wait3A_1685 = arith.constant 0 : i32
      %dma_wait3A_1686 = tpu.memref_slice %arg7[%dma_wait3A_1682, %dma_wait3A_1684, %dma_wait3A_1685] : memref<4x72x128xf32, #tpu.memory_space<vmem>> -> memref<1x72x128xf32, #tpu.memory_space<vmem>>
      %dma_wait3A_1687 = tpu.memref_squeeze %dma_wait3A_1686 : memref<1x72x128xf32, #tpu.memory_space<vmem>> -> memref<72x128xf32, #tpu.memory_space<vmem>>
      %dma_wait3A_1688 = tpu.memref_slice %arg5[%add3A_1681] : memref<25600xi32, #tpu.memory_space<vmem>> -> memref<72xi32, #tpu.memory_space<vmem>>
      %dma_wait3A_1689 = arith.constant 0 : i32
      %dma_wait3A_1690 = arith.constant 0 : i32
      %dma_wait3A_1691 = tpu.memref_slice %arg3[%dma_wait3A_1689, %dma_wait3A_1690] : memref<1000000x128xf32, #tpu.memory_space<hbm>> -> memref<1000000x128xf32, #tpu.memory_space<hbm>>
      %dma_wait3A_1692 = tpu.memref_slice %arg11[%dma_wait3A_1683] : memref<4x!tpu.dma_semaphore, #tpu.memory_space<semaphore_mem>> -> memref<1x!tpu.dma_semaphore, #tpu.memory_space<semaphore_mem>>
      %dma_wait3A_1693 = tpu.memref_squeeze %dma_wait3A_1692 : memref<1x!tpu.dma_semaphore, #tpu.memory_space<semaphore_mem>> -> memref<!tpu.dma_semaphore, #tpu.memory_space<semaphore_mem>>
      tpu.wait_indirect_dma semaphore(%dma_wait3A_1693 : memref<!tpu.dma_semaphore, #tpu.memory_space<semaphore_mem>>) src(%dma_wait3A_1691 : memref<1000000x128xf32, #tpu.memory_space<hbm>>) dst(%dma_wait3A_1687 : memref<72x128xf32, #tpu.memory_space<vmem>>)
      %mul3A_1694 = arith.constant 4 : i32
      %mul3A_1695 = arith.muli %arg1, %mul3A_1694 : i32
      %add3A_1696 = arith.constant 1 : i32
      %add3A_1697 = arith.addi %mul3A_1695, %add3A_1696 : i32
      %dma_start3A_1698 = arith.constant 1 : i32
      %dma_start3A_1699 = arith.constant 1 : i32
      %dma_start3A_1700 = arith.constant 0 : i32
      %dma_start3A_1701 = arith.constant 0 : i32
      %dma_start3A_1702 = tpu.memref_slice %arg7[%dma_start3A_1698, %dma_start3A_1700, %dma_start3A_1701] : memref<4x72x128xf32, #tpu.memory_space<vmem>> -> memref<1x72x128xf32, #tpu.memory_space<vmem>>
      %dma_start3A_1703 = tpu.memref_squeeze %dma_start3A_1702 : memref<1x72x128xf32, #tpu.memory_space<vmem>> -> memref<72x128xf32, #tpu.memory_space<vmem>>
      %dma_start3A_1704 = arith.constant 0 : i32
      %dma_start3A_1705 = arith.constant 0 : i32
      %dma_start3A_1706 = tpu.memref_slice %arg8[%add3A_1697, %dma_start3A_1704, %dma_start3A_1705] : memref<64x72x128xf32, #tpu.memory_space<vmem_shared>> -> memref<1x72x128xf32, #tpu.memory_space<vmem_shared>>
      %dma_start3A_1707 = tpu.memref_squeeze %dma_start3A_1706 : memref<1x72x128xf32, #tpu.memory_space<vmem_shared>> -> memref<72x128xf32, #tpu.memory_space<vmem_shared>>
      %dma_start3A_1708 = tpu.memref_slice %arg12[%dma_start3A_1699] : memref<4x!tpu.dma_semaphore, #tpu.memory_space<semaphore_mem>> -> memref<1x!tpu.dma_semaphore, #tpu.memory_space<semaphore_mem>>
      %dma_start3A_1709 = tpu.memref_squeeze %dma_start3A_1708 : memref<1x!tpu.dma_semaphore, #tpu.memory_space<semaphore_mem>> -> memref<!tpu.dma_semaphore, #tpu.memory_space<semaphore_mem>>
      %dma_start3A_1710 = arith.constant 0 : i32
      %dma_start3A_1711 = arith.constant 0 : i32
      %dma_start3A_1712 = tpu.memref_slice %arg8[%add3A_1697, %dma_start3A_1710, %dma_start3A_1711] : memref<64x72x128xf32, #tpu.memory_space<vmem_shared>> -> memref<1x72x128xf32, #tpu.memory_space<vmem_shared>>
      %dma_start3A_1713 = tpu.memref_squeeze %dma_start3A_1712 : memref<1x72x128xf32, #tpu.memory_space<vmem_shared>> -> memref<72x128xf32, #tpu.memory_space<vmem_shared>>
      %dma_start3A_1714 = arith.constant 0 : i32
      %dma_start3A_1715 = arith.constant 0 : i32
      %dma_start3A_1716 = tpu.memref_slice %arg7[%dma_start3A_1698, %dma_start3A_1714, %dma_start3A_1715] : memref<4x72x128xf32, #tpu.memory_space<vmem>> -> memref<1x72x128xf32, #tpu.memory_space<vmem>>
      %dma_start3A_1717 = tpu.memref_squeeze %dma_start3A_1716 : memref<1x72x128xf32, #tpu.memory_space<vmem>> -> memref<72x128xf32, #tpu.memory_space<vmem>>
      tpu.enqueue_dma source(%dma_start3A_1717 : memref<72x128xf32, #tpu.memory_space<vmem>>) target(%dma_start3A_1713 : memref<72x128xf32, #tpu.memory_space<vmem_shared>>) target_semaphore(%dma_start3A_1709 : memref<!tpu.dma_semaphore, #tpu.memory_space<semaphore_mem>>)
      %mul3A_1718 = arith.constant 4 : i32
      %mul3A_1719 = arith.muli %arg1, %mul3A_1718 : i32
      %add3A_1720 = arith.constant 0 : i32
      %add3A_1721 = arith.addi %mul3A_1719, %add3A_1720 : i32
      %dma_wait3A_1722 = arith.constant 0 : i32
      %dma_wait3A_1723 = arith.constant 0 : i32
      %dma_wait3A_1724 = arith.constant 0 : i32
      %dma_wait3A_1725 = arith.constant 0 : i32
      %dma_wait3A_1726 = tpu.memref_slice %arg7[%dma_wait3A_1722, %dma_wait3A_1724, %dma_wait3A_1725] : memref<4x72x128xf32, #tpu.memory_space<vmem>> -> memref<1x72x128xf32, #tpu.memory_space<vmem>>
      %dma_wait3A_1727 = tpu.memref_squeeze %dma_wait3A_1726 : memref<1x72x128xf32, #tpu.memory_space<vmem>> -> memref<72x128xf32, #tpu.memory_space<vmem>>
      %dma_wait3A_1728 = arith.constant 0 : i32
      %dma_wait3A_1729 = arith.constant 0 : i32
      %dma_wait3A_1730 = tpu.memref_slice %arg8[%add3A_1721, %dma_wait3A_1728, %dma_wait3A_1729] : memref<64x72x128xf32, #tpu.memory_space<vmem_shared>> -> memref<1x72x128xf32, #tpu.memory_space<vmem_shared>>
      %dma_wait3A_1731 = tpu.memref_squeeze %dma_wait3A_1730 : memref<1x72x128xf32, #tpu.memory_space<vmem_shared>> -> memref<72x128xf32, #tpu.memory_space<vmem_shared>>
      %dma_wait3A_1732 = tpu.memref_slice %arg12[%dma_wait3A_1723] : memref<4x!tpu.dma_semaphore, #tpu.memory_space<semaphore_mem>> -> memref<1x!tpu.dma_semaphore, #tpu.memory_space<semaphore_mem>>
      %dma_wait3A_1733 = tpu.memref_squeeze %dma_wait3A_1732 : memref<1x!tpu.dma_semaphore, #tpu.memory_space<semaphore_mem>> -> memref<!tpu.dma_semaphore, #tpu.memory_space<semaphore_mem>>
      %dma_wait3A_1734 = arith.constant 0 : i32
      %dma_wait3A_1735 = arith.constant 0 : i32
      %dma_wait3A_1736 = tpu.memref_slice %arg8[%add3A_1721, %dma_wait3A_1734, %dma_wait3A_1735] : memref<64x72x128xf32, #tpu.memory_space<vmem_shared>> -> memref<1x72x128xf32, #tpu.memory_space<vmem_shared>>
      %dma_wait3A_1737 = tpu.memref_squeeze %dma_wait3A_1736 : memref<1x72x128xf32, #tpu.memory_space<vmem_shared>> -> memref<72x128xf32, #tpu.memory_space<vmem_shared>>
      %dma_wait3A_1738 = arith.constant 0 : i32
      %dma_wait3A_1739 = arith.constant 0 : i32
      %dma_wait3A_1740 = tpu.memref_slice %arg7[%dma_wait3A_1722, %dma_wait3A_1738, %dma_wait3A_1739] : memref<4x72x128xf32, #tpu.memory_space<vmem>> -> memref<1x72x128xf32, #tpu.memory_space<vmem>>
      %dma_wait3A_1741 = tpu.memref_squeeze %dma_wait3A_1740 : memref<1x72x128xf32, #tpu.memory_space<vmem>> -> memref<72x128xf32, #tpu.memory_space<vmem>>
      tpu.wait_dma2 semaphore(%dma_wait3A_1733 : memref<!tpu.dma_semaphore, #tpu.memory_space<semaphore_mem>>) src(%dma_wait3A_1741 : memref<72x128xf32, #tpu.memory_space<vmem>>) dst(%dma_wait3A_1737 : memref<72x128xf32, #tpu.memory_space<vmem_shared>>)
      %sub3A_1742 = arith.constant 1 : i32
      %sub3A_1743 = arith.subi %add3A_1567, %sub3A_1742 : i32
      %mul3A_1744 = arith.constant 4 : i32
      %mul3A_1745 = arith.muli %arg1, %mul3A_1744 : i32
      %add3A_1746 = arith.constant 0 : i32
      %add3A_1747 = arith.addi %mul3A_1745, %add3A_1746 : i32
      %mul3A_1748 = arith.constant 128 : i32
      %mul3A_1749 = arith.muli %sub3A_1743, %mul3A_1748 : i32
      %add3A_1750 = arith.addi %mul3A_2, %mul3A_1749 : i32
      %add3A_1751 = arith.constant 56 : i32
      %add3A_1752 = arith.addi %add3A_1750, %add3A_1751 : i32
      %dma_start3A_1753 = arith.constant 0 : i32
      %dma_start3A_1754 = tpu.memref_slice %arg13[%dma_start3A_1753] : memref<4x!tpu.dma_semaphore, #tpu.memory_space<semaphore_mem>> -> memref<1x!tpu.dma_semaphore, #tpu.memory_space<semaphore_mem>>
      %dma_start3A_1755 = tpu.memref_squeeze %dma_start3A_1754 : memref<1x!tpu.dma_semaphore, #tpu.memory_space<semaphore_mem>> -> memref<!tpu.dma_semaphore, #tpu.memory_space<semaphore_mem>>
      %dma_start3A_1756 = arith.constant 0 : i32
      %dma_start3A_1757 = tpu.memref_slice %arg4[%add3A_1752, %dma_start3A_1756] : memref<819200x128xf32, #tpu.memory_space<hbm>> -> memref<72x128xf32, #tpu.memory_space<hbm>>
      %dma_start3A_1758 = arith.constant 0 : i32
      %dma_start3A_1759 = arith.constant 0 : i32
      %dma_start3A_1760 = tpu.memref_slice %arg8[%add3A_1747, %dma_start3A_1758, %dma_start3A_1759] : memref<64x72x128xf32, #tpu.memory_space<vmem_shared>> -> memref<1x72x128xf32, #tpu.memory_space<vmem_shared>>
      %dma_start3A_1761 = tpu.memref_squeeze %dma_start3A_1760 : memref<1x72x128xf32, #tpu.memory_space<vmem_shared>> -> memref<72x128xf32, #tpu.memory_space<vmem_shared>>
      tpu.enqueue_dma source(%dma_start3A_1761 : memref<72x128xf32, #tpu.memory_space<vmem_shared>>) target(%dma_start3A_1757 : memref<72x128xf32, #tpu.memory_space<hbm>>) target_semaphore(%dma_start3A_1755 : memref<!tpu.dma_semaphore, #tpu.memory_space<semaphore_mem>>)
      %mul3A_1762 = arith.constant 4 : i32
      %mul3A_1763 = arith.muli %scan3A_1366, %mul3A_1762 : i32
      %add3A_1764 = arith.constant 2 : i32
      %add3A_1765 = arith.addi %mul3A_1763, %add3A_1764 : i32
      %add3A_1766 = arith.constant 2 : i32
      %add3A_1767 = arith.addi %add3A_1765, %add3A_1766 : i32
      %sub3A_1768 = arith.constant 4 : i32
      %sub3A_1769 = arith.subi %add3A_1767, %sub3A_1768 : i32
      %mul3A_1770 = arith.constant 128 : i32
      %mul3A_1771 = arith.muli %sub3A_1769, %mul3A_1770 : i32
      %add3A_1772 = arith.addi %mul3A_2, %mul3A_1771 : i32
      %dma_wait3A_1773 = arith.constant 0 : i32
      %dma_wait3A_1774 = arith.constant 0 : i32
      %dma_wait3A_1775 = arith.constant 0 : i32
      %dma_wait3A_1776 = arith.constant 0 : i32
      %dma_wait3A_1777 = tpu.memref_slice %arg6[%dma_wait3A_1773, %dma_wait3A_1775, %dma_wait3A_1776] : memref<4x56x128xf32, #tpu.memory_space<vmem>> -> memref<1x56x128xf32, #tpu.memory_space<vmem>>
      %dma_wait3A_1778 = tpu.memref_squeeze %dma_wait3A_1777 : memref<1x56x128xf32, #tpu.memory_space<vmem>> -> memref<56x128xf32, #tpu.memory_space<vmem>>
      %dma_wait3A_1779 = arith.constant 0 : i32
      %dma_wait3A_1780 = tpu.memref_slice %arg4[%add3A_1772, %dma_wait3A_1779] : memref<819200x128xf32, #tpu.memory_space<hbm>> -> memref<56x128xf32, #tpu.memory_space<hbm>>
      %dma_wait3A_1781 = tpu.memref_slice %arg10[%dma_wait3A_1774] : memref<4x!tpu.dma_semaphore, #tpu.memory_space<semaphore_mem>> -> memref<1x!tpu.dma_semaphore, #tpu.memory_space<semaphore_mem>>
      %dma_wait3A_1782 = tpu.memref_squeeze %dma_wait3A_1781 : memref<1x!tpu.dma_semaphore, #tpu.memory_space<semaphore_mem>> -> memref<!tpu.dma_semaphore, #tpu.memory_space<semaphore_mem>>
      %dma_wait3A_1783 = arith.constant 0 : i32
      %dma_wait3A_1784 = tpu.memref_slice %arg4[%add3A_1772, %dma_wait3A_1783] : memref<819200x128xf32, #tpu.memory_space<hbm>> -> memref<56x128xf32, #tpu.memory_space<hbm>>
      %dma_wait3A_1785 = arith.constant 0 : i32
      %dma_wait3A_1786 = arith.constant 0 : i32
      %dma_wait3A_1787 = tpu.memref_slice %arg6[%dma_wait3A_1773, %dma_wait3A_1785, %dma_wait3A_1786] : memref<4x56x128xf32, #tpu.memory_space<vmem>> -> memref<1x56x128xf32, #tpu.memory_space<vmem>>
      %dma_wait3A_1788 = tpu.memref_squeeze %dma_wait3A_1787 : memref<1x56x128xf32, #tpu.memory_space<vmem>> -> memref<56x128xf32, #tpu.memory_space<vmem>>
      tpu.wait_dma2 semaphore(%dma_wait3A_1782 : memref<!tpu.dma_semaphore, #tpu.memory_space<semaphore_mem>>) src(%dma_wait3A_1788 : memref<56x128xf32, #tpu.memory_space<vmem>>) dst(%dma_wait3A_1784 : memref<56x128xf32, #tpu.memory_space<hbm>>)
      %add3A_1789 = arith.constant 2 : i32
      %add3A_1790 = arith.addi %add3A_1765, %add3A_1789 : i32
      %sub3A_1791 = arith.constant 4 : i32
      %sub3A_1792 = arith.subi %add3A_1790, %sub3A_1791 : i32
      %mul3A_1793 = arith.constant 4 : i32
      %mul3A_1794 = arith.muli %arg1, %mul3A_1793 : i32
      %add3A_1795 = arith.constant 0 : i32
      %add3A_1796 = arith.addi %mul3A_1794, %add3A_1795 : i32
      %mul3A_1797 = arith.constant 128 : i32
      %mul3A_1798 = arith.muli %sub3A_1792, %mul3A_1797 : i32
      %add3A_1799 = arith.addi %mul3A_2, %mul3A_1798 : i32
      %add3A_1800 = arith.constant 56 : i32
      %add3A_1801 = arith.addi %add3A_1799, %add3A_1800 : i32
      %dma_wait3A_1802 = arith.constant 0 : i32
      %dma_wait3A_1803 = tpu.memref_slice %arg13[%dma_wait3A_1802] : memref<4x!tpu.dma_semaphore, #tpu.memory_space<semaphore_mem>> -> memref<1x!tpu.dma_semaphore, #tpu.memory_space<semaphore_mem>>
      %dma_wait3A_1804 = tpu.memref_squeeze %dma_wait3A_1803 : memref<1x!tpu.dma_semaphore, #tpu.memory_space<semaphore_mem>> -> memref<!tpu.dma_semaphore, #tpu.memory_space<semaphore_mem>>
      %dma_wait3A_1805 = arith.constant 0 : i32
      %dma_wait3A_1806 = tpu.memref_slice %arg4[%add3A_1801, %dma_wait3A_1805] : memref<819200x128xf32, #tpu.memory_space<hbm>> -> memref<72x128xf32, #tpu.memory_space<hbm>>
      %dma_wait3A_1807 = arith.constant 0 : i32
      %dma_wait3A_1808 = arith.constant 0 : i32
      %dma_wait3A_1809 = tpu.memref_slice %arg8[%add3A_1796, %dma_wait3A_1807, %dma_wait3A_1808] : memref<64x72x128xf32, #tpu.memory_space<vmem_shared>> -> memref<1x72x128xf32, #tpu.memory_space<vmem_shared>>
      %dma_wait3A_1810 = tpu.memref_squeeze %dma_wait3A_1809 : memref<1x72x128xf32, #tpu.memory_space<vmem_shared>> -> memref<72x128xf32, #tpu.memory_space<vmem_shared>>
      tpu.wait_dma2 semaphore(%dma_wait3A_1804 : memref<!tpu.dma_semaphore, #tpu.memory_space<semaphore_mem>>) src(%dma_wait3A_1810 : memref<72x128xf32, #tpu.memory_space<vmem_shared>>) dst(%dma_wait3A_1806 : memref<72x128xf32, #tpu.memory_space<hbm>>)
      %add3A_1811 = arith.constant 2 : i32
      %add3A_1812 = arith.addi %add3A_1765, %add3A_1811 : i32
      %mul3A_1813 = arith.constant 128 : i32
      %mul3A_1814 = arith.muli %add3A_1812, %mul3A_1813 : i32
      %dma_start3A_1815 = arith.constant 0 : i32
      %dma_start3A_1816 = arith.constant 0 : i32
      %dma_start3A_1817 = arith.constant 0 : i32
      %dma_start3A_1818 = arith.constant 0 : i32
      %dma_start3A_1819 = tpu.memref_slice %arg6[%dma_start3A_1815, %dma_start3A_1817, %dma_start3A_1818] : memref<4x56x128xf32, #tpu.memory_space<vmem>> -> memref<1x56x128xf32, #tpu.memory_space<vmem>>
      %dma_start3A_1820 = tpu.memref_squeeze %dma_start3A_1819 : memref<1x56x128xf32, #tpu.memory_space<vmem>> -> memref<56x128xf32, #tpu.memory_space<vmem>>
      %dma_start3A_1821 = tpu.memref_slice %arg5[%mul3A_1814] : memref<25600xi32, #tpu.memory_space<vmem>> -> memref<56xi32, #tpu.memory_space<vmem>>
      %dma_start3A_1822 = arith.constant 0 : i32
      %dma_start3A_1823 = arith.constant 0 : i32
      %dma_start3A_1824 = tpu.memref_slice %arg3[%dma_start3A_1822, %dma_start3A_1823] : memref<1000000x128xf32, #tpu.memory_space<hbm>> -> memref<1000000x128xf32, #tpu.memory_space<hbm>>
      %dma_start3A_1825 = tpu.memref_slice %arg9[%dma_start3A_1816] : memref<4x!tpu.dma_semaphore, #tpu.memory_space<semaphore_mem>> -> memref<1x!tpu.dma_semaphore, #tpu.memory_space<semaphore_mem>>
      %dma_start3A_1826 = tpu.memref_squeeze %dma_start3A_1825 : memref<1x!tpu.dma_semaphore, #tpu.memory_space<semaphore_mem>> -> memref<!tpu.dma_semaphore, #tpu.memory_space<semaphore_mem>>
      tpu.enqueue_indirect_dma source(%dma_start3A_1824 : memref<1000000x128xf32, #tpu.memory_space<hbm>>) target(%dma_start3A_1820 : memref<56x128xf32, #tpu.memory_space<vmem>>) offsets(%dma_start3A_1821 : memref<56xi32, #tpu.memory_space<vmem>>) semaphore(%dma_start3A_1826 : memref<!tpu.dma_semaphore, #tpu.memory_space<semaphore_mem>>)
      %mul3A_1827 = arith.constant 128 : i32
      %mul3A_1828 = arith.muli %add3A_1812, %mul3A_1827 : i32
      %add3A_1829 = arith.constant 56 : i32
      %add3A_1830 = arith.addi %mul3A_1828, %add3A_1829 : i32
      %dma_start3A_1831 = arith.constant 0 : i32
      %dma_start3A_1832 = arith.constant 0 : i32
      %dma_start3A_1833 = arith.constant 0 : i32
      %dma_start3A_1834 = arith.constant 0 : i32
      %dma_start3A_1835 = tpu.memref_slice %arg7[%dma_start3A_1831, %dma_start3A_1833, %dma_start3A_1834] : memref<4x72x128xf32, #tpu.memory_space<vmem>> -> memref<1x72x128xf32, #tpu.memory_space<vmem>>
      %dma_start3A_1836 = tpu.memref_squeeze %dma_start3A_1835 : memref<1x72x128xf32, #tpu.memory_space<vmem>> -> memref<72x128xf32, #tpu.memory_space<vmem>>
      %dma_start3A_1837 = tpu.memref_slice %arg5[%add3A_1830] : memref<25600xi32, #tpu.memory_space<vmem>> -> memref<72xi32, #tpu.memory_space<vmem>>
      %dma_start3A_1838 = arith.constant 0 : i32
      %dma_start3A_1839 = arith.constant 0 : i32
      %dma_start3A_1840 = tpu.memref_slice %arg3[%dma_start3A_1838, %dma_start3A_1839] : memref<1000000x128xf32, #tpu.memory_space<hbm>> -> memref<1000000x128xf32, #tpu.memory_space<hbm>>
      %dma_start3A_1841 = tpu.memref_slice %arg11[%dma_start3A_1832] : memref<4x!tpu.dma_semaphore, #tpu.memory_space<semaphore_mem>> -> memref<1x!tpu.dma_semaphore, #tpu.memory_space<semaphore_mem>>
      %dma_start3A_1842 = tpu.memref_squeeze %dma_start3A_1841 : memref<1x!tpu.dma_semaphore, #tpu.memory_space<semaphore_mem>> -> memref<!tpu.dma_semaphore, #tpu.memory_space<semaphore_mem>>
      tpu.enqueue_indirect_dma source(%dma_start3A_1840 : memref<1000000x128xf32, #tpu.memory_space<hbm>>) target(%dma_start3A_1836 : memref<72x128xf32, #tpu.memory_space<vmem>>) offsets(%dma_start3A_1837 : memref<72xi32, #tpu.memory_space<vmem>>) semaphore(%dma_start3A_1842 : memref<!tpu.dma_semaphore, #tpu.memory_space<semaphore_mem>>)
      %mul3A_1843 = arith.constant 128 : i32
      %mul3A_1844 = arith.muli %add3A_1765, %mul3A_1843 : i32
      %dma_wait3A_1845 = arith.constant 2 : i32
      %dma_wait3A_1846 = arith.constant 2 : i32
      %dma_wait3A_1847 = arith.constant 0 : i32
      %dma_wait3A_1848 = arith.constant 0 : i32
      %dma_wait3A_1849 = tpu.memref_slice %arg6[%dma_wait3A_1845, %dma_wait3A_1847, %dma_wait3A_1848] : memref<4x56x128xf32, #tpu.memory_space<vmem>> -> memref<1x56x128xf32, #tpu.memory_space<vmem>>
      %dma_wait3A_1850 = tpu.memref_squeeze %dma_wait3A_1849 : memref<1x56x128xf32, #tpu.memory_space<vmem>> -> memref<56x128xf32, #tpu.memory_space<vmem>>
      %dma_wait3A_1851 = tpu.memref_slice %arg5[%mul3A_1844] : memref<25600xi32, #tpu.memory_space<vmem>> -> memref<56xi32, #tpu.memory_space<vmem>>
      %dma_wait3A_1852 = arith.constant 0 : i32
      %dma_wait3A_1853 = arith.constant 0 : i32
      %dma_wait3A_1854 = tpu.memref_slice %arg3[%dma_wait3A_1852, %dma_wait3A_1853] : memref<1000000x128xf32, #tpu.memory_space<hbm>> -> memref<1000000x128xf32, #tpu.memory_space<hbm>>
      %dma_wait3A_1855 = tpu.memref_slice %arg9[%dma_wait3A_1846] : memref<4x!tpu.dma_semaphore, #tpu.memory_space<semaphore_mem>> -> memref<1x!tpu.dma_semaphore, #tpu.memory_space<semaphore_mem>>
      %dma_wait3A_1856 = tpu.memref_squeeze %dma_wait3A_1855 : memref<1x!tpu.dma_semaphore, #tpu.memory_space<semaphore_mem>> -> memref<!tpu.dma_semaphore, #tpu.memory_space<semaphore_mem>>
      tpu.wait_indirect_dma semaphore(%dma_wait3A_1856 : memref<!tpu.dma_semaphore, #tpu.memory_space<semaphore_mem>>) src(%dma_wait3A_1854 : memref<1000000x128xf32, #tpu.memory_space<hbm>>) dst(%dma_wait3A_1850 : memref<56x128xf32, #tpu.memory_space<vmem>>)
      %mul3A_1857 = arith.constant 128 : i32
      %mul3A_1858 = arith.muli %add3A_1765, %mul3A_1857 : i32
      %add3A_1859 = arith.addi %mul3A_2, %mul3A_1858 : i32
      %dma_start3A_1860 = arith.constant 2 : i32
      %dma_start3A_1861 = arith.constant 2 : i32
      %dma_start3A_1862 = arith.constant 0 : i32
      %dma_start3A_1863 = arith.constant 0 : i32
      %dma_start3A_1864 = tpu.memref_slice %arg6[%dma_start3A_1860, %dma_start3A_1862, %dma_start3A_1863] : memref<4x56x128xf32, #tpu.memory_space<vmem>> -> memref<1x56x128xf32, #tpu.memory_space<vmem>>
      %dma_start3A_1865 = tpu.memref_squeeze %dma_start3A_1864 : memref<1x56x128xf32, #tpu.memory_space<vmem>> -> memref<56x128xf32, #tpu.memory_space<vmem>>
      %dma_start3A_1866 = arith.constant 0 : i32
      %dma_start3A_1867 = tpu.memref_slice %arg4[%add3A_1859, %dma_start3A_1866] : memref<819200x128xf32, #tpu.memory_space<hbm>> -> memref<56x128xf32, #tpu.memory_space<hbm>>
      %dma_start3A_1868 = tpu.memref_slice %arg10[%dma_start3A_1861] : memref<4x!tpu.dma_semaphore, #tpu.memory_space<semaphore_mem>> -> memref<1x!tpu.dma_semaphore, #tpu.memory_space<semaphore_mem>>
      %dma_start3A_1869 = tpu.memref_squeeze %dma_start3A_1868 : memref<1x!tpu.dma_semaphore, #tpu.memory_space<semaphore_mem>> -> memref<!tpu.dma_semaphore, #tpu.memory_space<semaphore_mem>>
      %dma_start3A_1870 = arith.constant 0 : i32
      %dma_start3A_1871 = tpu.memref_slice %arg4[%add3A_1859, %dma_start3A_1870] : memref<819200x128xf32, #tpu.memory_space<hbm>> -> memref<56x128xf32, #tpu.memory_space<hbm>>
      %dma_start3A_1872 = arith.constant 0 : i32
      %dma_start3A_1873 = arith.constant 0 : i32
      %dma_start3A_1874 = tpu.memref_slice %arg6[%dma_start3A_1860, %dma_start3A_1872, %dma_start3A_1873] : memref<4x56x128xf32, #tpu.memory_space<vmem>> -> memref<1x56x128xf32, #tpu.memory_space<vmem>>
      %dma_start3A_1875 = tpu.memref_squeeze %dma_start3A_1874 : memref<1x56x128xf32, #tpu.memory_space<vmem>> -> memref<56x128xf32, #tpu.memory_space<vmem>>
      tpu.enqueue_dma source(%dma_start3A_1875 : memref<56x128xf32, #tpu.memory_space<vmem>>) target(%dma_start3A_1871 : memref<56x128xf32, #tpu.memory_space<hbm>>) target_semaphore(%dma_start3A_1869 : memref<!tpu.dma_semaphore, #tpu.memory_space<semaphore_mem>>)
      %mul3A_1876 = arith.constant 128 : i32
      %mul3A_1877 = arith.muli %add3A_1765, %mul3A_1876 : i32
      %add3A_1878 = arith.constant 56 : i32
      %add3A_1879 = arith.addi %mul3A_1877, %add3A_1878 : i32
      %dma_wait3A_1880 = arith.constant 2 : i32
      %dma_wait3A_1881 = arith.constant 2 : i32
      %dma_wait3A_1882 = arith.constant 0 : i32
      %dma_wait3A_1883 = arith.constant 0 : i32
      %dma_wait3A_1884 = tpu.memref_slice %arg7[%dma_wait3A_1880, %dma_wait3A_1882, %dma_wait3A_1883] : memref<4x72x128xf32, #tpu.memory_space<vmem>> -> memref<1x72x128xf32, #tpu.memory_space<vmem>>
      %dma_wait3A_1885 = tpu.memref_squeeze %dma_wait3A_1884 : memref<1x72x128xf32, #tpu.memory_space<vmem>> -> memref<72x128xf32, #tpu.memory_space<vmem>>
      %dma_wait3A_1886 = tpu.memref_slice %arg5[%add3A_1879] : memref<25600xi32, #tpu.memory_space<vmem>> -> memref<72xi32, #tpu.memory_space<vmem>>
      %dma_wait3A_1887 = arith.constant 0 : i32
      %dma_wait3A_1888 = arith.constant 0 : i32
      %dma_wait3A_1889 = tpu.memref_slice %arg3[%dma_wait3A_1887, %dma_wait3A_1888] : memref<1000000x128xf32, #tpu.memory_space<hbm>> -> memref<1000000x128xf32, #tpu.memory_space<hbm>>
      %dma_wait3A_1890 = tpu.memref_slice %arg11[%dma_wait3A_1881] : memref<4x!tpu.dma_semaphore, #tpu.memory_space<semaphore_mem>> -> memref<1x!tpu.dma_semaphore, #tpu.memory_space<semaphore_mem>>
      %dma_wait3A_1891 = tpu.memref_squeeze %dma_wait3A_1890 : memref<1x!tpu.dma_semaphore, #tpu.memory_space<semaphore_mem>> -> memref<!tpu.dma_semaphore, #tpu.memory_space<semaphore_mem>>
      tpu.wait_indirect_dma semaphore(%dma_wait3A_1891 : memref<!tpu.dma_semaphore, #tpu.memory_space<semaphore_mem>>) src(%dma_wait3A_1889 : memref<1000000x128xf32, #tpu.memory_space<hbm>>) dst(%dma_wait3A_1885 : memref<72x128xf32, #tpu.memory_space<vmem>>)
      %mul3A_1892 = arith.constant 4 : i32
      %mul3A_1893 = arith.muli %arg1, %mul3A_1892 : i32
      %add3A_1894 = arith.constant 2 : i32
      %add3A_1895 = arith.addi %mul3A_1893, %add3A_1894 : i32
      %dma_start3A_1896 = arith.constant 2 : i32
      %dma_start3A_1897 = arith.constant 2 : i32
      %dma_start3A_1898 = arith.constant 0 : i32
      %dma_start3A_1899 = arith.constant 0 : i32
      %dma_start3A_1900 = tpu.memref_slice %arg7[%dma_start3A_1896, %dma_start3A_1898, %dma_start3A_1899] : memref<4x72x128xf32, #tpu.memory_space<vmem>> -> memref<1x72x128xf32, #tpu.memory_space<vmem>>
      %dma_start3A_1901 = tpu.memref_squeeze %dma_start3A_1900 : memref<1x72x128xf32, #tpu.memory_space<vmem>> -> memref<72x128xf32, #tpu.memory_space<vmem>>
      %dma_start3A_1902 = arith.constant 0 : i32
      %dma_start3A_1903 = arith.constant 0 : i32
      %dma_start3A_1904 = tpu.memref_slice %arg8[%add3A_1895, %dma_start3A_1902, %dma_start3A_1903] : memref<64x72x128xf32, #tpu.memory_space<vmem_shared>> -> memref<1x72x128xf32, #tpu.memory_space<vmem_shared>>
      %dma_start3A_1905 = tpu.memref_squeeze %dma_start3A_1904 : memref<1x72x128xf32, #tpu.memory_space<vmem_shared>> -> memref<72x128xf32, #tpu.memory_space<vmem_shared>>
      %dma_start3A_1906 = tpu.memref_slice %arg12[%dma_start3A_1897] : memref<4x!tpu.dma_semaphore, #tpu.memory_space<semaphore_mem>> -> memref<1x!tpu.dma_semaphore, #tpu.memory_space<semaphore_mem>>
      %dma_start3A_1907 = tpu.memref_squeeze %dma_start3A_1906 : memref<1x!tpu.dma_semaphore, #tpu.memory_space<semaphore_mem>> -> memref<!tpu.dma_semaphore, #tpu.memory_space<semaphore_mem>>
      %dma_start3A_1908 = arith.constant 0 : i32
      %dma_start3A_1909 = arith.constant 0 : i32
      %dma_start3A_1910 = tpu.memref_slice %arg8[%add3A_1895, %dma_start3A_1908, %dma_start3A_1909] : memref<64x72x128xf32, #tpu.memory_space<vmem_shared>> -> memref<1x72x128xf32, #tpu.memory_space<vmem_shared>>
      %dma_start3A_1911 = tpu.memref_squeeze %dma_start3A_1910 : memref<1x72x128xf32, #tpu.memory_space<vmem_shared>> -> memref<72x128xf32, #tpu.memory_space<vmem_shared>>
      %dma_start3A_1912 = arith.constant 0 : i32
      %dma_start3A_1913 = arith.constant 0 : i32
      %dma_start3A_1914 = tpu.memref_slice %arg7[%dma_start3A_1896, %dma_start3A_1912, %dma_start3A_1913] : memref<4x72x128xf32, #tpu.memory_space<vmem>> -> memref<1x72x128xf32, #tpu.memory_space<vmem>>
      %dma_start3A_1915 = tpu.memref_squeeze %dma_start3A_1914 : memref<1x72x128xf32, #tpu.memory_space<vmem>> -> memref<72x128xf32, #tpu.memory_space<vmem>>
      tpu.enqueue_dma source(%dma_start3A_1915 : memref<72x128xf32, #tpu.memory_space<vmem>>) target(%dma_start3A_1911 : memref<72x128xf32, #tpu.memory_space<vmem_shared>>) target_semaphore(%dma_start3A_1907 : memref<!tpu.dma_semaphore, #tpu.memory_space<semaphore_mem>>)
      %mul3A_1916 = arith.constant 4 : i32
      %mul3A_1917 = arith.muli %arg1, %mul3A_1916 : i32
      %add3A_1918 = arith.constant 1 : i32
      %add3A_1919 = arith.addi %mul3A_1917, %add3A_1918 : i32
      %dma_wait3A_1920 = arith.constant 1 : i32
      %dma_wait3A_1921 = arith.constant 1 : i32
      %dma_wait3A_1922 = arith.constant 0 : i32
      %dma_wait3A_1923 = arith.constant 0 : i32
      %dma_wait3A_1924 = tpu.memref_slice %arg7[%dma_wait3A_1920, %dma_wait3A_1922, %dma_wait3A_1923] : memref<4x72x128xf32, #tpu.memory_space<vmem>> -> memref<1x72x128xf32, #tpu.memory_space<vmem>>
      %dma_wait3A_1925 = tpu.memref_squeeze %dma_wait3A_1924 : memref<1x72x128xf32, #tpu.memory_space<vmem>> -> memref<72x128xf32, #tpu.memory_space<vmem>>
      %dma_wait3A_1926 = arith.constant 0 : i32
      %dma_wait3A_1927 = arith.constant 0 : i32
      %dma_wait3A_1928 = tpu.memref_slice %arg8[%add3A_1919, %dma_wait3A_1926, %dma_wait3A_1927] : memref<64x72x128xf32, #tpu.memory_space<vmem_shared>> -> memref<1x72x128xf32, #tpu.memory_space<vmem_shared>>
      %dma_wait3A_1929 = tpu.memref_squeeze %dma_wait3A_1928 : memref<1x72x128xf32, #tpu.memory_space<vmem_shared>> -> memref<72x128xf32, #tpu.memory_space<vmem_shared>>
      %dma_wait3A_1930 = tpu.memref_slice %arg12[%dma_wait3A_1921] : memref<4x!tpu.dma_semaphore, #tpu.memory_space<semaphore_mem>> -> memref<1x!tpu.dma_semaphore, #tpu.memory_space<semaphore_mem>>
      %dma_wait3A_1931 = tpu.memref_squeeze %dma_wait3A_1930 : memref<1x!tpu.dma_semaphore, #tpu.memory_space<semaphore_mem>> -> memref<!tpu.dma_semaphore, #tpu.memory_space<semaphore_mem>>
      %dma_wait3A_1932 = arith.constant 0 : i32
      %dma_wait3A_1933 = arith.constant 0 : i32
      %dma_wait3A_1934 = tpu.memref_slice %arg8[%add3A_1919, %dma_wait3A_1932, %dma_wait3A_1933] : memref<64x72x128xf32, #tpu.memory_space<vmem_shared>> -> memref<1x72x128xf32, #tpu.memory_space<vmem_shared>>
      %dma_wait3A_1935 = tpu.memref_squeeze %dma_wait3A_1934 : memref<1x72x128xf32, #tpu.memory_space<vmem_shared>> -> memref<72x128xf32, #tpu.memory_space<vmem_shared>>
      %dma_wait3A_1936 = arith.constant 0 : i32
      %dma_wait3A_1937 = arith.constant 0 : i32
      %dma_wait3A_1938 = tpu.memref_slice %arg7[%dma_wait3A_1920, %dma_wait3A_1936, %dma_wait3A_1937] : memref<4x72x128xf32, #tpu.memory_space<vmem>> -> memref<1x72x128xf32, #tpu.memory_space<vmem>>
      %dma_wait3A_1939 = tpu.memref_squeeze %dma_wait3A_1938 : memref<1x72x128xf32, #tpu.memory_space<vmem>> -> memref<72x128xf32, #tpu.memory_space<vmem>>
      tpu.wait_dma2 semaphore(%dma_wait3A_1931 : memref<!tpu.dma_semaphore, #tpu.memory_space<semaphore_mem>>) src(%dma_wait3A_1939 : memref<72x128xf32, #tpu.memory_space<vmem>>) dst(%dma_wait3A_1935 : memref<72x128xf32, #tpu.memory_space<vmem_shared>>)
      %sub3A_1940 = arith.constant 1 : i32
      %sub3A_1941 = arith.subi %add3A_1765, %sub3A_1940 : i32
      %mul3A_1942 = arith.constant 4 : i32
      %mul3A_1943 = arith.muli %arg1, %mul3A_1942 : i32
      %add3A_1944 = arith.constant 1 : i32
      %add3A_1945 = arith.addi %mul3A_1943, %add3A_1944 : i32
      %mul3A_1946 = arith.constant 128 : i32
      %mul3A_1947 = arith.muli %sub3A_1941, %mul3A_1946 : i32
      %add3A_1948 = arith.addi %mul3A_2, %mul3A_1947 : i32
      %add3A_1949 = arith.constant 56 : i32
      %add3A_1950 = arith.addi %add3A_1948, %add3A_1949 : i32
      %dma_start3A_1951 = arith.constant 1 : i32
      %dma_start3A_1952 = tpu.memref_slice %arg13[%dma_start3A_1951] : memref<4x!tpu.dma_semaphore, #tpu.memory_space<semaphore_mem>> -> memref<1x!tpu.dma_semaphore, #tpu.memory_space<semaphore_mem>>
      %dma_start3A_1953 = tpu.memref_squeeze %dma_start3A_1952 : memref<1x!tpu.dma_semaphore, #tpu.memory_space<semaphore_mem>> -> memref<!tpu.dma_semaphore, #tpu.memory_space<semaphore_mem>>
      %dma_start3A_1954 = arith.constant 0 : i32
      %dma_start3A_1955 = tpu.memref_slice %arg4[%add3A_1950, %dma_start3A_1954] : memref<819200x128xf32, #tpu.memory_space<hbm>> -> memref<72x128xf32, #tpu.memory_space<hbm>>
      %dma_start3A_1956 = arith.constant 0 : i32
      %dma_start3A_1957 = arith.constant 0 : i32
      %dma_start3A_1958 = tpu.memref_slice %arg8[%add3A_1945, %dma_start3A_1956, %dma_start3A_1957] : memref<64x72x128xf32, #tpu.memory_space<vmem_shared>> -> memref<1x72x128xf32, #tpu.memory_space<vmem_shared>>
      %dma_start3A_1959 = tpu.memref_squeeze %dma_start3A_1958 : memref<1x72x128xf32, #tpu.memory_space<vmem_shared>> -> memref<72x128xf32, #tpu.memory_space<vmem_shared>>
      tpu.enqueue_dma source(%dma_start3A_1959 : memref<72x128xf32, #tpu.memory_space<vmem_shared>>) target(%dma_start3A_1955 : memref<72x128xf32, #tpu.memory_space<hbm>>) target_semaphore(%dma_start3A_1953 : memref<!tpu.dma_semaphore, #tpu.memory_space<semaphore_mem>>)
      %mul3A_1960 = arith.constant 4 : i32
      %mul3A_1961 = arith.muli %scan3A_1366, %mul3A_1960 : i32
      %add3A_1962 = arith.constant 3 : i32
      %add3A_1963 = arith.addi %mul3A_1961, %add3A_1962 : i32
      %add3A_1964 = arith.constant 2 : i32
      %add3A_1965 = arith.addi %add3A_1963, %add3A_1964 : i32
      %sub3A_1966 = arith.constant 4 : i32
      %sub3A_1967 = arith.subi %add3A_1965, %sub3A_1966 : i32
      %mul3A_1968 = arith.constant 128 : i32
      %mul3A_1969 = arith.muli %sub3A_1967, %mul3A_1968 : i32
      %add3A_1970 = arith.addi %mul3A_2, %mul3A_1969 : i32
      %dma_wait3A_1971 = arith.constant 1 : i32
      %dma_wait3A_1972 = arith.constant 1 : i32
      %dma_wait3A_1973 = arith.constant 0 : i32
      %dma_wait3A_1974 = arith.constant 0 : i32
      %dma_wait3A_1975 = tpu.memref_slice %arg6[%dma_wait3A_1971, %dma_wait3A_1973, %dma_wait3A_1974] : memref<4x56x128xf32, #tpu.memory_space<vmem>> -> memref<1x56x128xf32, #tpu.memory_space<vmem>>
      %dma_wait3A_1976 = tpu.memref_squeeze %dma_wait3A_1975 : memref<1x56x128xf32, #tpu.memory_space<vmem>> -> memref<56x128xf32, #tpu.memory_space<vmem>>
      %dma_wait3A_1977 = arith.constant 0 : i32
      %dma_wait3A_1978 = tpu.memref_slice %arg4[%add3A_1970, %dma_wait3A_1977] : memref<819200x128xf32, #tpu.memory_space<hbm>> -> memref<56x128xf32, #tpu.memory_space<hbm>>
      %dma_wait3A_1979 = tpu.memref_slice %arg10[%dma_wait3A_1972] : memref<4x!tpu.dma_semaphore, #tpu.memory_space<semaphore_mem>> -> memref<1x!tpu.dma_semaphore, #tpu.memory_space<semaphore_mem>>
      %dma_wait3A_1980 = tpu.memref_squeeze %dma_wait3A_1979 : memref<1x!tpu.dma_semaphore, #tpu.memory_space<semaphore_mem>> -> memref<!tpu.dma_semaphore, #tpu.memory_space<semaphore_mem>>
      %dma_wait3A_1981 = arith.constant 0 : i32
      %dma_wait3A_1982 = tpu.memref_slice %arg4[%add3A_1970, %dma_wait3A_1981] : memref<819200x128xf32, #tpu.memory_space<hbm>> -> memref<56x128xf32, #tpu.memory_space<hbm>>
      %dma_wait3A_1983 = arith.constant 0 : i32
      %dma_wait3A_1984 = arith.constant 0 : i32
      %dma_wait3A_1985 = tpu.memref_slice %arg6[%dma_wait3A_1971, %dma_wait3A_1983, %dma_wait3A_1984] : memref<4x56x128xf32, #tpu.memory_space<vmem>> -> memref<1x56x128xf32, #tpu.memory_space<vmem>>
      %dma_wait3A_1986 = tpu.memref_squeeze %dma_wait3A_1985 : memref<1x56x128xf32, #tpu.memory_space<vmem>> -> memref<56x128xf32, #tpu.memory_space<vmem>>
      tpu.wait_dma2 semaphore(%dma_wait3A_1980 : memref<!tpu.dma_semaphore, #tpu.memory_space<semaphore_mem>>) src(%dma_wait3A_1986 : memref<56x128xf32, #tpu.memory_space<vmem>>) dst(%dma_wait3A_1982 : memref<56x128xf32, #tpu.memory_space<hbm>>)
      %add3A_1987 = arith.constant 2 : i32
      %add3A_1988 = arith.addi %add3A_1963, %add3A_1987 : i32
      %sub3A_1989 = arith.constant 4 : i32
      %sub3A_1990 = arith.subi %add3A_1988, %sub3A_1989 : i32
      %mul3A_1991 = arith.constant 4 : i32
      %mul3A_1992 = arith.muli %arg1, %mul3A_1991 : i32
      %add3A_1993 = arith.constant 1 : i32
      %add3A_1994 = arith.addi %mul3A_1992, %add3A_1993 : i32
      %mul3A_1995 = arith.constant 128 : i32
      %mul3A_1996 = arith.muli %sub3A_1990, %mul3A_1995 : i32
      %add3A_1997 = arith.addi %mul3A_2, %mul3A_1996 : i32
      %add3A_1998 = arith.constant 56 : i32
      %add3A_1999 = arith.addi %add3A_1997, %add3A_1998 : i32
      %dma_wait3A_2000 = arith.constant 1 : i32
      %dma_wait3A_2001 = tpu.memref_slice %arg13[%dma_wait3A_2000] : memref<4x!tpu.dma_semaphore, #tpu.memory_space<semaphore_mem>> -> memref<1x!tpu.dma_semaphore, #tpu.memory_space<semaphore_mem>>
      %dma_wait3A_2002 = tpu.memref_squeeze %dma_wait3A_2001 : memref<1x!tpu.dma_semaphore, #tpu.memory_space<semaphore_mem>> -> memref<!tpu.dma_semaphore, #tpu.memory_space<semaphore_mem>>
      %dma_wait3A_2003 = arith.constant 0 : i32
      %dma_wait3A_2004 = tpu.memref_slice %arg4[%add3A_1999, %dma_wait3A_2003] : memref<819200x128xf32, #tpu.memory_space<hbm>> -> memref<72x128xf32, #tpu.memory_space<hbm>>
      %dma_wait3A_2005 = arith.constant 0 : i32
      %dma_wait3A_2006 = arith.constant 0 : i32
      %dma_wait3A_2007 = tpu.memref_slice %arg8[%add3A_1994, %dma_wait3A_2005, %dma_wait3A_2006] : memref<64x72x128xf32, #tpu.memory_space<vmem_shared>> -> memref<1x72x128xf32, #tpu.memory_space<vmem_shared>>
      %dma_wait3A_2008 = tpu.memref_squeeze %dma_wait3A_2007 : memref<1x72x128xf32, #tpu.memory_space<vmem_shared>> -> memref<72x128xf32, #tpu.memory_space<vmem_shared>>
      tpu.wait_dma2 semaphore(%dma_wait3A_2002 : memref<!tpu.dma_semaphore, #tpu.memory_space<semaphore_mem>>) src(%dma_wait3A_2008 : memref<72x128xf32, #tpu.memory_space<vmem_shared>>) dst(%dma_wait3A_2004 : memref<72x128xf32, #tpu.memory_space<hbm>>)
      %add3A_2009 = arith.constant 2 : i32
      %add3A_2010 = arith.addi %add3A_1963, %add3A_2009 : i32
      %mul3A_2011 = arith.constant 128 : i32
      %mul3A_2012 = arith.muli %add3A_2010, %mul3A_2011 : i32
      %dma_start3A_2013 = arith.constant 1 : i32
      %dma_start3A_2014 = arith.constant 1 : i32
      %dma_start3A_2015 = arith.constant 0 : i32
      %dma_start3A_2016 = arith.constant 0 : i32
      %dma_start3A_2017 = tpu.memref_slice %arg6[%dma_start3A_2013, %dma_start3A_2015, %dma_start3A_2016] : memref<4x56x128xf32, #tpu.memory_space<vmem>> -> memref<1x56x128xf32, #tpu.memory_space<vmem>>
      %dma_start3A_2018 = tpu.memref_squeeze %dma_start3A_2017 : memref<1x56x128xf32, #tpu.memory_space<vmem>> -> memref<56x128xf32, #tpu.memory_space<vmem>>
      %dma_start3A_2019 = tpu.memref_slice %arg5[%mul3A_2012] : memref<25600xi32, #tpu.memory_space<vmem>> -> memref<56xi32, #tpu.memory_space<vmem>>
      %dma_start3A_2020 = arith.constant 0 : i32
      %dma_start3A_2021 = arith.constant 0 : i32
      %dma_start3A_2022 = tpu.memref_slice %arg3[%dma_start3A_2020, %dma_start3A_2021] : memref<1000000x128xf32, #tpu.memory_space<hbm>> -> memref<1000000x128xf32, #tpu.memory_space<hbm>>
      %dma_start3A_2023 = tpu.memref_slice %arg9[%dma_start3A_2014] : memref<4x!tpu.dma_semaphore, #tpu.memory_space<semaphore_mem>> -> memref<1x!tpu.dma_semaphore, #tpu.memory_space<semaphore_mem>>
      %dma_start3A_2024 = tpu.memref_squeeze %dma_start3A_2023 : memref<1x!tpu.dma_semaphore, #tpu.memory_space<semaphore_mem>> -> memref<!tpu.dma_semaphore, #tpu.memory_space<semaphore_mem>>
      tpu.enqueue_indirect_dma source(%dma_start3A_2022 : memref<1000000x128xf32, #tpu.memory_space<hbm>>) target(%dma_start3A_2018 : memref<56x128xf32, #tpu.memory_space<vmem>>) offsets(%dma_start3A_2019 : memref<56xi32, #tpu.memory_space<vmem>>) semaphore(%dma_start3A_2024 : memref<!tpu.dma_semaphore, #tpu.memory_space<semaphore_mem>>)
      %mul3A_2025 = arith.constant 128 : i32
      %mul3A_2026 = arith.muli %add3A_2010, %mul3A_2025 : i32
      %add3A_2027 = arith.constant 56 : i32
      %add3A_2028 = arith.addi %mul3A_2026, %add3A_2027 : i32
      %dma_start3A_2029 = arith.constant 1 : i32
      %dma_start3A_2030 = arith.constant 1 : i32
      %dma_start3A_2031 = arith.constant 0 : i32
      %dma_start3A_2032 = arith.constant 0 : i32
      %dma_start3A_2033 = tpu.memref_slice %arg7[%dma_start3A_2029, %dma_start3A_2031, %dma_start3A_2032] : memref<4x72x128xf32, #tpu.memory_space<vmem>> -> memref<1x72x128xf32, #tpu.memory_space<vmem>>
      %dma_start3A_2034 = tpu.memref_squeeze %dma_start3A_2033 : memref<1x72x128xf32, #tpu.memory_space<vmem>> -> memref<72x128xf32, #tpu.memory_space<vmem>>
      %dma_start3A_2035 = tpu.memref_slice %arg5[%add3A_2028] : memref<25600xi32, #tpu.memory_space<vmem>> -> memref<72xi32, #tpu.memory_space<vmem>>
      %dma_start3A_2036 = arith.constant 0 : i32
      %dma_start3A_2037 = arith.constant 0 : i32
      %dma_start3A_2038 = tpu.memref_slice %arg3[%dma_start3A_2036, %dma_start3A_2037] : memref<1000000x128xf32, #tpu.memory_space<hbm>> -> memref<1000000x128xf32, #tpu.memory_space<hbm>>
      %dma_start3A_2039 = tpu.memref_slice %arg11[%dma_start3A_2030] : memref<4x!tpu.dma_semaphore, #tpu.memory_space<semaphore_mem>> -> memref<1x!tpu.dma_semaphore, #tpu.memory_space<semaphore_mem>>
      %dma_start3A_2040 = tpu.memref_squeeze %dma_start3A_2039 : memref<1x!tpu.dma_semaphore, #tpu.memory_space<semaphore_mem>> -> memref<!tpu.dma_semaphore, #tpu.memory_space<semaphore_mem>>
      tpu.enqueue_indirect_dma source(%dma_start3A_2038 : memref<1000000x128xf32, #tpu.memory_space<hbm>>) target(%dma_start3A_2034 : memref<72x128xf32, #tpu.memory_space<vmem>>) offsets(%dma_start3A_2035 : memref<72xi32, #tpu.memory_space<vmem>>) semaphore(%dma_start3A_2040 : memref<!tpu.dma_semaphore, #tpu.memory_space<semaphore_mem>>)
      %mul3A_2041 = arith.constant 128 : i32
      %mul3A_2042 = arith.muli %add3A_1963, %mul3A_2041 : i32
      %dma_wait3A_2043 = arith.constant 3 : i32
      %dma_wait3A_2044 = arith.constant 3 : i32
      %dma_wait3A_2045 = arith.constant 0 : i32
      %dma_wait3A_2046 = arith.constant 0 : i32
      %dma_wait3A_2047 = tpu.memref_slice %arg6[%dma_wait3A_2043, %dma_wait3A_2045, %dma_wait3A_2046] : memref<4x56x128xf32, #tpu.memory_space<vmem>> -> memref<1x56x128xf32, #tpu.memory_space<vmem>>
      %dma_wait3A_2048 = tpu.memref_squeeze %dma_wait3A_2047 : memref<1x56x128xf32, #tpu.memory_space<vmem>> -> memref<56x128xf32, #tpu.memory_space<vmem>>
      %dma_wait3A_2049 = tpu.memref_slice %arg5[%mul3A_2042] : memref<25600xi32, #tpu.memory_space<vmem>> -> memref<56xi32, #tpu.memory_space<vmem>>
      %dma_wait3A_2050 = arith.constant 0 : i32
      %dma_wait3A_2051 = arith.constant 0 : i32
      %dma_wait3A_2052 = tpu.memref_slice %arg3[%dma_wait3A_2050, %dma_wait3A_2051] : memref<1000000x128xf32, #tpu.memory_space<hbm>> -> memref<1000000x128xf32, #tpu.memory_space<hbm>>
      %dma_wait3A_2053 = tpu.memref_slice %arg9[%dma_wait3A_2044] : memref<4x!tpu.dma_semaphore, #tpu.memory_space<semaphore_mem>> -> memref<1x!tpu.dma_semaphore, #tpu.memory_space<semaphore_mem>>
      %dma_wait3A_2054 = tpu.memref_squeeze %dma_wait3A_2053 : memref<1x!tpu.dma_semaphore, #tpu.memory_space<semaphore_mem>> -> memref<!tpu.dma_semaphore, #tpu.memory_space<semaphore_mem>>
      tpu.wait_indirect_dma semaphore(%dma_wait3A_2054 : memref<!tpu.dma_semaphore, #tpu.memory_space<semaphore_mem>>) src(%dma_wait3A_2052 : memref<1000000x128xf32, #tpu.memory_space<hbm>>) dst(%dma_wait3A_2048 : memref<56x128xf32, #tpu.memory_space<vmem>>)
      %mul3A_2055 = arith.constant 128 : i32
      %mul3A_2056 = arith.muli %add3A_1963, %mul3A_2055 : i32
      %add3A_2057 = arith.addi %mul3A_2, %mul3A_2056 : i32
      %dma_start3A_2058 = arith.constant 3 : i32
      %dma_start3A_2059 = arith.constant 3 : i32
      %dma_start3A_2060 = arith.constant 0 : i32
      %dma_start3A_2061 = arith.constant 0 : i32
      %dma_start3A_2062 = tpu.memref_slice %arg6[%dma_start3A_2058, %dma_start3A_2060, %dma_start3A_2061] : memref<4x56x128xf32, #tpu.memory_space<vmem>> -> memref<1x56x128xf32, #tpu.memory_space<vmem>>
      %dma_start3A_2063 = tpu.memref_squeeze %dma_start3A_2062 : memref<1x56x128xf32, #tpu.memory_space<vmem>> -> memref<56x128xf32, #tpu.memory_space<vmem>>
      %dma_start3A_2064 = arith.constant 0 : i32
      %dma_start3A_2065 = tpu.memref_slice %arg4[%add3A_2057, %dma_start3A_2064] : memref<819200x128xf32, #tpu.memory_space<hbm>> -> memref<56x128xf32, #tpu.memory_space<hbm>>
      %dma_start3A_2066 = tpu.memref_slice %arg10[%dma_start3A_2059] : memref<4x!tpu.dma_semaphore, #tpu.memory_space<semaphore_mem>> -> memref<1x!tpu.dma_semaphore, #tpu.memory_space<semaphore_mem>>
      %dma_start3A_2067 = tpu.memref_squeeze %dma_start3A_2066 : memref<1x!tpu.dma_semaphore, #tpu.memory_space<semaphore_mem>> -> memref<!tpu.dma_semaphore, #tpu.memory_space<semaphore_mem>>
      %dma_start3A_2068 = arith.constant 0 : i32
      %dma_start3A_2069 = tpu.memref_slice %arg4[%add3A_2057, %dma_start3A_2068] : memref<819200x128xf32, #tpu.memory_space<hbm>> -> memref<56x128xf32, #tpu.memory_space<hbm>>
      %dma_start3A_2070 = arith.constant 0 : i32
      %dma_start3A_2071 = arith.constant 0 : i32
      %dma_start3A_2072 = tpu.memref_slice %arg6[%dma_start3A_2058, %dma_start3A_2070, %dma_start3A_2071] : memref<4x56x128xf32, #tpu.memory_space<vmem>> -> memref<1x56x128xf32, #tpu.memory_space<vmem>>
      %dma_start3A_2073 = tpu.memref_squeeze %dma_start3A_2072 : memref<1x56x128xf32, #tpu.memory_space<vmem>> -> memref<56x128xf32, #tpu.memory_space<vmem>>
      tpu.enqueue_dma source(%dma_start3A_2073 : memref<56x128xf32, #tpu.memory_space<vmem>>) target(%dma_start3A_2069 : memref<56x128xf32, #tpu.memory_space<hbm>>) target_semaphore(%dma_start3A_2067 : memref<!tpu.dma_semaphore, #tpu.memory_space<semaphore_mem>>)
      %mul3A_2074 = arith.constant 128 : i32
      %mul3A_2075 = arith.muli %add3A_1963, %mul3A_2074 : i32
      %add3A_2076 = arith.constant 56 : i32
      %add3A_2077 = arith.addi %mul3A_2075, %add3A_2076 : i32
      %dma_wait3A_2078 = arith.constant 3 : i32
      %dma_wait3A_2079 = arith.constant 3 : i32
      %dma_wait3A_2080 = arith.constant 0 : i32
      %dma_wait3A_2081 = arith.constant 0 : i32
      %dma_wait3A_2082 = tpu.memref_slice %arg7[%dma_wait3A_2078, %dma_wait3A_2080, %dma_wait3A_2081] : memref<4x72x128xf32, #tpu.memory_space<vmem>> -> memref<1x72x128xf32, #tpu.memory_space<vmem>>
      %dma_wait3A_2083 = tpu.memref_squeeze %dma_wait3A_2082 : memref<1x72x128xf32, #tpu.memory_space<vmem>> -> memref<72x128xf32, #tpu.memory_space<vmem>>
      %dma_wait3A_2084 = tpu.memref_slice %arg5[%add3A_2077] : memref<25600xi32, #tpu.memory_space<vmem>> -> memref<72xi32, #tpu.memory_space<vmem>>
      %dma_wait3A_2085 = arith.constant 0 : i32
      %dma_wait3A_2086 = arith.constant 0 : i32
      %dma_wait3A_2087 = tpu.memref_slice %arg3[%dma_wait3A_2085, %dma_wait3A_2086] : memref<1000000x128xf32, #tpu.memory_space<hbm>> -> memref<1000000x128xf32, #tpu.memory_space<hbm>>
      %dma_wait3A_2088 = tpu.memref_slice %arg11[%dma_wait3A_2079] : memref<4x!tpu.dma_semaphore, #tpu.memory_space<semaphore_mem>> -> memref<1x!tpu.dma_semaphore, #tpu.memory_space<semaphore_mem>>
      %dma_wait3A_2089 = tpu.memref_squeeze %dma_wait3A_2088 : memref<1x!tpu.dma_semaphore, #tpu.memory_space<semaphore_mem>> -> memref<!tpu.dma_semaphore, #tpu.memory_space<semaphore_mem>>
      tpu.wait_indirect_dma semaphore(%dma_wait3A_2089 : memref<!tpu.dma_semaphore, #tpu.memory_space<semaphore_mem>>) src(%dma_wait3A_2087 : memref<1000000x128xf32, #tpu.memory_space<hbm>>) dst(%dma_wait3A_2083 : memref<72x128xf32, #tpu.memory_space<vmem>>)
      %mul3A_2090 = arith.constant 4 : i32
      %mul3A_2091 = arith.muli %arg1, %mul3A_2090 : i32
      %add3A_2092 = arith.constant 3 : i32
      %add3A_2093 = arith.addi %mul3A_2091, %add3A_2092 : i32
      %dma_start3A_2094 = arith.constant 3 : i32
      %dma_start3A_2095 = arith.constant 3 : i32
      %dma_start3A_2096 = arith.constant 0 : i32
      %dma_start3A_2097 = arith.constant 0 : i32
      %dma_start3A_2098 = tpu.memref_slice %arg7[%dma_start3A_2094, %dma_start3A_2096, %dma_start3A_2097] : memref<4x72x128xf32, #tpu.memory_space<vmem>> -> memref<1x72x128xf32, #tpu.memory_space<vmem>>
      %dma_start3A_2099 = tpu.memref_squeeze %dma_start3A_2098 : memref<1x72x128xf32, #tpu.memory_space<vmem>> -> memref<72x128xf32, #tpu.memory_space<vmem>>
      %dma_start3A_2100 = arith.constant 0 : i32
      %dma_start3A_2101 = arith.constant 0 : i32
      %dma_start3A_2102 = tpu.memref_slice %arg8[%add3A_2093, %dma_start3A_2100, %dma_start3A_2101] : memref<64x72x128xf32, #tpu.memory_space<vmem_shared>> -> memref<1x72x128xf32, #tpu.memory_space<vmem_shared>>
      %dma_start3A_2103 = tpu.memref_squeeze %dma_start3A_2102 : memref<1x72x128xf32, #tpu.memory_space<vmem_shared>> -> memref<72x128xf32, #tpu.memory_space<vmem_shared>>
      %dma_start3A_2104 = tpu.memref_slice %arg12[%dma_start3A_2095] : memref<4x!tpu.dma_semaphore, #tpu.memory_space<semaphore_mem>> -> memref<1x!tpu.dma_semaphore, #tpu.memory_space<semaphore_mem>>
      %dma_start3A_2105 = tpu.memref_squeeze %dma_start3A_2104 : memref<1x!tpu.dma_semaphore, #tpu.memory_space<semaphore_mem>> -> memref<!tpu.dma_semaphore, #tpu.memory_space<semaphore_mem>>
      %dma_start3A_2106 = arith.constant 0 : i32
      %dma_start3A_2107 = arith.constant 0 : i32
      %dma_start3A_2108 = tpu.memref_slice %arg8[%add3A_2093, %dma_start3A_2106, %dma_start3A_2107] : memref<64x72x128xf32, #tpu.memory_space<vmem_shared>> -> memref<1x72x128xf32, #tpu.memory_space<vmem_shared>>
      %dma_start3A_2109 = tpu.memref_squeeze %dma_start3A_2108 : memref<1x72x128xf32, #tpu.memory_space<vmem_shared>> -> memref<72x128xf32, #tpu.memory_space<vmem_shared>>
      %dma_start3A_2110 = arith.constant 0 : i32
      %dma_start3A_2111 = arith.constant 0 : i32
      %dma_start3A_2112 = tpu.memref_slice %arg7[%dma_start3A_2094, %dma_start3A_2110, %dma_start3A_2111] : memref<4x72x128xf32, #tpu.memory_space<vmem>> -> memref<1x72x128xf32, #tpu.memory_space<vmem>>
      %dma_start3A_2113 = tpu.memref_squeeze %dma_start3A_2112 : memref<1x72x128xf32, #tpu.memory_space<vmem>> -> memref<72x128xf32, #tpu.memory_space<vmem>>
      tpu.enqueue_dma source(%dma_start3A_2113 : memref<72x128xf32, #tpu.memory_space<vmem>>) target(%dma_start3A_2109 : memref<72x128xf32, #tpu.memory_space<vmem_shared>>) target_semaphore(%dma_start3A_2105 : memref<!tpu.dma_semaphore, #tpu.memory_space<semaphore_mem>>)
      %mul3A_2114 = arith.constant 4 : i32
      %mul3A_2115 = arith.muli %arg1, %mul3A_2114 : i32
      %add3A_2116 = arith.constant 2 : i32
      %add3A_2117 = arith.addi %mul3A_2115, %add3A_2116 : i32
      %dma_wait3A_2118 = arith.constant 2 : i32
      %dma_wait3A_2119 = arith.constant 2 : i32
      %dma_wait3A_2120 = arith.constant 0 : i32
      %dma_wait3A_2121 = arith.constant 0 : i32
      %dma_wait3A_2122 = tpu.memref_slice %arg7[%dma_wait3A_2118, %dma_wait3A_2120, %dma_wait3A_2121] : memref<4x72x128xf32, #tpu.memory_space<vmem>> -> memref<1x72x128xf32, #tpu.memory_space<vmem>>
      %dma_wait3A_2123 = tpu.memref_squeeze %dma_wait3A_2122 : memref<1x72x128xf32, #tpu.memory_space<vmem>> -> memref<72x128xf32, #tpu.memory_space<vmem>>
      %dma_wait3A_2124 = arith.constant 0 : i32
      %dma_wait3A_2125 = arith.constant 0 : i32
      %dma_wait3A_2126 = tpu.memref_slice %arg8[%add3A_2117, %dma_wait3A_2124, %dma_wait3A_2125] : memref<64x72x128xf32, #tpu.memory_space<vmem_shared>> -> memref<1x72x128xf32, #tpu.memory_space<vmem_shared>>
      %dma_wait3A_2127 = tpu.memref_squeeze %dma_wait3A_2126 : memref<1x72x128xf32, #tpu.memory_space<vmem_shared>> -> memref<72x128xf32, #tpu.memory_space<vmem_shared>>
      %dma_wait3A_2128 = tpu.memref_slice %arg12[%dma_wait3A_2119] : memref<4x!tpu.dma_semaphore, #tpu.memory_space<semaphore_mem>> -> memref<1x!tpu.dma_semaphore, #tpu.memory_space<semaphore_mem>>
      %dma_wait3A_2129 = tpu.memref_squeeze %dma_wait3A_2128 : memref<1x!tpu.dma_semaphore, #tpu.memory_space<semaphore_mem>> -> memref<!tpu.dma_semaphore, #tpu.memory_space<semaphore_mem>>
      %dma_wait3A_2130 = arith.constant 0 : i32
      %dma_wait3A_2131 = arith.constant 0 : i32
      %dma_wait3A_2132 = tpu.memref_slice %arg8[%add3A_2117, %dma_wait3A_2130, %dma_wait3A_2131] : memref<64x72x128xf32, #tpu.memory_space<vmem_shared>> -> memref<1x72x128xf32, #tpu.memory_space<vmem_shared>>
      %dma_wait3A_2133 = tpu.memref_squeeze %dma_wait3A_2132 : memref<1x72x128xf32, #tpu.memory_space<vmem_shared>> -> memref<72x128xf32, #tpu.memory_space<vmem_shared>>
      %dma_wait3A_2134 = arith.constant 0 : i32
      %dma_wait3A_2135 = arith.constant 0 : i32
      %dma_wait3A_2136 = tpu.memref_slice %arg7[%dma_wait3A_2118, %dma_wait3A_2134, %dma_wait3A_2135] : memref<4x72x128xf32, #tpu.memory_space<vmem>> -> memref<1x72x128xf32, #tpu.memory_space<vmem>>
      %dma_wait3A_2137 = tpu.memref_squeeze %dma_wait3A_2136 : memref<1x72x128xf32, #tpu.memory_space<vmem>> -> memref<72x128xf32, #tpu.memory_space<vmem>>
      tpu.wait_dma2 semaphore(%dma_wait3A_2129 : memref<!tpu.dma_semaphore, #tpu.memory_space<semaphore_mem>>) src(%dma_wait3A_2137 : memref<72x128xf32, #tpu.memory_space<vmem>>) dst(%dma_wait3A_2133 : memref<72x128xf32, #tpu.memory_space<vmem_shared>>)
      %sub3A_2138 = arith.constant 1 : i32
      %sub3A_2139 = arith.subi %add3A_1963, %sub3A_2138 : i32
      %mul3A_2140 = arith.constant 4 : i32
      %mul3A_2141 = arith.muli %arg1, %mul3A_2140 : i32
      %add3A_2142 = arith.constant 2 : i32
      %add3A_2143 = arith.addi %mul3A_2141, %add3A_2142 : i32
      %mul3A_2144 = arith.constant 128 : i32
      %mul3A_2145 = arith.muli %sub3A_2139, %mul3A_2144 : i32
      %add3A_2146 = arith.addi %mul3A_2, %mul3A_2145 : i32
      %add3A_2147 = arith.constant 56 : i32
      %add3A_2148 = arith.addi %add3A_2146, %add3A_2147 : i32
      %dma_start3A_2149 = arith.constant 2 : i32
      %dma_start3A_2150 = tpu.memref_slice %arg13[%dma_start3A_2149] : memref<4x!tpu.dma_semaphore, #tpu.memory_space<semaphore_mem>> -> memref<1x!tpu.dma_semaphore, #tpu.memory_space<semaphore_mem>>
      %dma_start3A_2151 = tpu.memref_squeeze %dma_start3A_2150 : memref<1x!tpu.dma_semaphore, #tpu.memory_space<semaphore_mem>> -> memref<!tpu.dma_semaphore, #tpu.memory_space<semaphore_mem>>
      %dma_start3A_2152 = arith.constant 0 : i32
      %dma_start3A_2153 = tpu.memref_slice %arg4[%add3A_2148, %dma_start3A_2152] : memref<819200x128xf32, #tpu.memory_space<hbm>> -> memref<72x128xf32, #tpu.memory_space<hbm>>
      %dma_start3A_2154 = arith.constant 0 : i32
      %dma_start3A_2155 = arith.constant 0 : i32
      %dma_start3A_2156 = tpu.memref_slice %arg8[%add3A_2143, %dma_start3A_2154, %dma_start3A_2155] : memref<64x72x128xf32, #tpu.memory_space<vmem_shared>> -> memref<1x72x128xf32, #tpu.memory_space<vmem_shared>>
      %dma_start3A_2157 = tpu.memref_squeeze %dma_start3A_2156 : memref<1x72x128xf32, #tpu.memory_space<vmem_shared>> -> memref<72x128xf32, #tpu.memory_space<vmem_shared>>
      tpu.enqueue_dma source(%dma_start3A_2157 : memref<72x128xf32, #tpu.memory_space<vmem_shared>>) target(%dma_start3A_2153 : memref<72x128xf32, #tpu.memory_space<hbm>>) target_semaphore(%dma_start3A_2151 : memref<!tpu.dma_semaphore, #tpu.memory_space<semaphore_mem>>)
    }
    %scan3A_626 = arith.constant 48 : i32
    %add3A_627 = arith.constant 24832 : i32
    %add3A_628 = arith.addi %mul3A_2, %add3A_627 : i32
    %dma_wait3A_629 = arith.constant 2 : i32
    %dma_wait3A_630 = arith.constant 2 : i32
    %dma_wait3A_631 = arith.constant 0 : i32
    %dma_wait3A_632 = arith.constant 0 : i32
    %dma_wait3A_633 = tpu.memref_slice %arg6[%dma_wait3A_629, %dma_wait3A_631, %dma_wait3A_632] : memref<4x56x128xf32, #tpu.memory_space<vmem>> -> memref<1x56x128xf32, #tpu.memory_space<vmem>>
    %dma_wait3A_634 = tpu.memref_squeeze %dma_wait3A_633 : memref<1x56x128xf32, #tpu.memory_space<vmem>> -> memref<56x128xf32, #tpu.memory_space<vmem>>
    %dma_wait3A_635 = arith.constant 0 : i32
    %dma_wait3A_636 = tpu.memref_slice %arg4[%add3A_628, %dma_wait3A_635] : memref<819200x128xf32, #tpu.memory_space<hbm>> -> memref<56x128xf32, #tpu.memory_space<hbm>>
    %dma_wait3A_637 = tpu.memref_slice %arg10[%dma_wait3A_630] : memref<4x!tpu.dma_semaphore, #tpu.memory_space<semaphore_mem>> -> memref<1x!tpu.dma_semaphore, #tpu.memory_space<semaphore_mem>>
    %dma_wait3A_638 = tpu.memref_squeeze %dma_wait3A_637 : memref<1x!tpu.dma_semaphore, #tpu.memory_space<semaphore_mem>> -> memref<!tpu.dma_semaphore, #tpu.memory_space<semaphore_mem>>
    %dma_wait3A_639 = arith.constant 0 : i32
    %dma_wait3A_640 = tpu.memref_slice %arg4[%add3A_628, %dma_wait3A_639] : memref<819200x128xf32, #tpu.memory_space<hbm>> -> memref<56x128xf32, #tpu.memory_space<hbm>>
    %dma_wait3A_641 = arith.constant 0 : i32
    %dma_wait3A_642 = arith.constant 0 : i32
    %dma_wait3A_643 = tpu.memref_slice %arg6[%dma_wait3A_629, %dma_wait3A_641, %dma_wait3A_642] : memref<4x56x128xf32, #tpu.memory_space<vmem>> -> memref<1x56x128xf32, #tpu.memory_space<vmem>>
    %dma_wait3A_644 = tpu.memref_squeeze %dma_wait3A_643 : memref<1x56x128xf32, #tpu.memory_space<vmem>> -> memref<56x128xf32, #tpu.memory_space<vmem>>
    tpu.wait_dma2 semaphore(%dma_wait3A_638 : memref<!tpu.dma_semaphore, #tpu.memory_space<semaphore_mem>>) src(%dma_wait3A_644 : memref<56x128xf32, #tpu.memory_space<vmem>>) dst(%dma_wait3A_640 : memref<56x128xf32, #tpu.memory_space<hbm>>)
    %mul3A_645 = arith.constant 4 : i32
    %mul3A_646 = arith.muli %arg1, %mul3A_645 : i32
    %add3A_647 = arith.constant 2 : i32
    %add3A_648 = arith.addi %mul3A_646, %add3A_647 : i32
    %add3A_649 = arith.constant 24832 : i32
    %add3A_650 = arith.addi %mul3A_2, %add3A_649 : i32
    %add3A_651 = arith.constant 56 : i32
    %add3A_652 = arith.addi %add3A_650, %add3A_651 : i32
    %dma_wait3A_653 = arith.constant 2 : i32
    %dma_wait3A_654 = tpu.memref_slice %arg13[%dma_wait3A_653] : memref<4x!tpu.dma_semaphore, #tpu.memory_space<semaphore_mem>> -> memref<1x!tpu.dma_semaphore, #tpu.memory_space<semaphore_mem>>
    %dma_wait3A_655 = tpu.memref_squeeze %dma_wait3A_654 : memref<1x!tpu.dma_semaphore, #tpu.memory_space<semaphore_mem>> -> memref<!tpu.dma_semaphore, #tpu.memory_space<semaphore_mem>>
    %dma_wait3A_656 = arith.constant 0 : i32
    %dma_wait3A_657 = tpu.memref_slice %arg4[%add3A_652, %dma_wait3A_656] : memref<819200x128xf32, #tpu.memory_space<hbm>> -> memref<72x128xf32, #tpu.memory_space<hbm>>
    %dma_wait3A_658 = arith.constant 0 : i32
    %dma_wait3A_659 = arith.constant 0 : i32
    %dma_wait3A_660 = tpu.memref_slice %arg8[%add3A_648, %dma_wait3A_658, %dma_wait3A_659] : memref<64x72x128xf32, #tpu.memory_space<vmem_shared>> -> memref<1x72x128xf32, #tpu.memory_space<vmem_shared>>
    %dma_wait3A_661 = tpu.memref_squeeze %dma_wait3A_660 : memref<1x72x128xf32, #tpu.memory_space<vmem_shared>> -> memref<72x128xf32, #tpu.memory_space<vmem_shared>>
    tpu.wait_dma2 semaphore(%dma_wait3A_655 : memref<!tpu.dma_semaphore, #tpu.memory_space<semaphore_mem>>) src(%dma_wait3A_661 : memref<72x128xf32, #tpu.memory_space<vmem_shared>>) dst(%dma_wait3A_657 : memref<72x128xf32, #tpu.memory_space<hbm>>)
    %dma_start3A_662 = arith.constant 2 : i32
    %dma_start3A_663 = arith.constant 2 : i32
    %dma_start3A_664 = arith.constant 0 : i32
    %dma_start3A_665 = arith.constant 0 : i32
    %dma_start3A_666 = tpu.memref_slice %arg6[%dma_start3A_662, %dma_start3A_664, %dma_start3A_665] : memref<4x56x128xf32, #tpu.memory_space<vmem>> -> memref<1x56x128xf32, #tpu.memory_space<vmem>>
    %dma_start3A_667 = tpu.memref_squeeze %dma_start3A_666 : memref<1x56x128xf32, #tpu.memory_space<vmem>> -> memref<56x128xf32, #tpu.memory_space<vmem>>
    %dma_start3A_668 = arith.constant 25344 : i32
    %dma_start3A_669 = tpu.memref_slice %arg5[%dma_start3A_668] : memref<25600xi32, #tpu.memory_space<vmem>> -> memref<56xi32, #tpu.memory_space<vmem>>
    %dma_start3A_670 = arith.constant 0 : i32
    %dma_start3A_671 = arith.constant 0 : i32
    %dma_start3A_672 = tpu.memref_slice %arg3[%dma_start3A_670, %dma_start3A_671] : memref<1000000x128xf32, #tpu.memory_space<hbm>> -> memref<1000000x128xf32, #tpu.memory_space<hbm>>
    %dma_start3A_673 = tpu.memref_slice %arg9[%dma_start3A_663] : memref<4x!tpu.dma_semaphore, #tpu.memory_space<semaphore_mem>> -> memref<1x!tpu.dma_semaphore, #tpu.memory_space<semaphore_mem>>
    %dma_start3A_674 = tpu.memref_squeeze %dma_start3A_673 : memref<1x!tpu.dma_semaphore, #tpu.memory_space<semaphore_mem>> -> memref<!tpu.dma_semaphore, #tpu.memory_space<semaphore_mem>>
    tpu.enqueue_indirect_dma source(%dma_start3A_672 : memref<1000000x128xf32, #tpu.memory_space<hbm>>) target(%dma_start3A_667 : memref<56x128xf32, #tpu.memory_space<vmem>>) offsets(%dma_start3A_669 : memref<56xi32, #tpu.memory_space<vmem>>) semaphore(%dma_start3A_674 : memref<!tpu.dma_semaphore, #tpu.memory_space<semaphore_mem>>)
    %dma_start3A_675 = arith.constant 2 : i32
    %dma_start3A_676 = arith.constant 2 : i32
    %dma_start3A_677 = arith.constant 0 : i32
    %dma_start3A_678 = arith.constant 0 : i32
    %dma_start3A_679 = tpu.memref_slice %arg7[%dma_start3A_675, %dma_start3A_677, %dma_start3A_678] : memref<4x72x128xf32, #tpu.memory_space<vmem>> -> memref<1x72x128xf32, #tpu.memory_space<vmem>>
    %dma_start3A_680 = tpu.memref_squeeze %dma_start3A_679 : memref<1x72x128xf32, #tpu.memory_space<vmem>> -> memref<72x128xf32, #tpu.memory_space<vmem>>
    %dma_start3A_681 = arith.constant 25400 : i32
    %dma_start3A_682 = tpu.memref_slice %arg5[%dma_start3A_681] : memref<25600xi32, #tpu.memory_space<vmem>> -> memref<72xi32, #tpu.memory_space<vmem>>
    %dma_start3A_683 = arith.constant 0 : i32
    %dma_start3A_684 = arith.constant 0 : i32
    %dma_start3A_685 = tpu.memref_slice %arg3[%dma_start3A_683, %dma_start3A_684] : memref<1000000x128xf32, #tpu.memory_space<hbm>> -> memref<1000000x128xf32, #tpu.memory_space<hbm>>
    %dma_start3A_686 = tpu.memref_slice %arg11[%dma_start3A_676] : memref<4x!tpu.dma_semaphore, #tpu.memory_space<semaphore_mem>> -> memref<1x!tpu.dma_semaphore, #tpu.memory_space<semaphore_mem>>
    %dma_start3A_687 = tpu.memref_squeeze %dma_start3A_686 : memref<1x!tpu.dma_semaphore, #tpu.memory_space<semaphore_mem>> -> memref<!tpu.dma_semaphore, #tpu.memory_space<semaphore_mem>>
    tpu.enqueue_indirect_dma source(%dma_start3A_685 : memref<1000000x128xf32, #tpu.memory_space<hbm>>) target(%dma_start3A_680 : memref<72x128xf32, #tpu.memory_space<vmem>>) offsets(%dma_start3A_682 : memref<72xi32, #tpu.memory_space<vmem>>) semaphore(%dma_start3A_687 : memref<!tpu.dma_semaphore, #tpu.memory_space<semaphore_mem>>)
    %dma_wait3A_688 = arith.constant 0 : i32
    %dma_wait3A_689 = arith.constant 0 : i32
    %dma_wait3A_690 = arith.constant 0 : i32
    %dma_wait3A_691 = arith.constant 0 : i32
    %dma_wait3A_692 = tpu.memref_slice %arg6[%dma_wait3A_688, %dma_wait3A_690, %dma_wait3A_691] : memref<4x56x128xf32, #tpu.memory_space<vmem>> -> memref<1x56x128xf32, #tpu.memory_space<vmem>>
    %dma_wait3A_693 = tpu.memref_squeeze %dma_wait3A_692 : memref<1x56x128xf32, #tpu.memory_space<vmem>> -> memref<56x128xf32, #tpu.memory_space<vmem>>
    %dma_wait3A_694 = arith.constant 25088 : i32
    %dma_wait3A_695 = tpu.memref_slice %arg5[%dma_wait3A_694] : memref<25600xi32, #tpu.memory_space<vmem>> -> memref<56xi32, #tpu.memory_space<vmem>>
    %dma_wait3A_696 = arith.constant 0 : i32
    %dma_wait3A_697 = arith.constant 0 : i32
    %dma_wait3A_698 = tpu.memref_slice %arg3[%dma_wait3A_696, %dma_wait3A_697] : memref<1000000x128xf32, #tpu.memory_space<hbm>> -> memref<1000000x128xf32, #tpu.memory_space<hbm>>
    %dma_wait3A_699 = tpu.memref_slice %arg9[%dma_wait3A_689] : memref<4x!tpu.dma_semaphore, #tpu.memory_space<semaphore_mem>> -> memref<1x!tpu.dma_semaphore, #tpu.memory_space<semaphore_mem>>
    %dma_wait3A_700 = tpu.memref_squeeze %dma_wait3A_699 : memref<1x!tpu.dma_semaphore, #tpu.memory_space<semaphore_mem>> -> memref<!tpu.dma_semaphore, #tpu.memory_space<semaphore_mem>>
    tpu.wait_indirect_dma semaphore(%dma_wait3A_700 : memref<!tpu.dma_semaphore, #tpu.memory_space<semaphore_mem>>) src(%dma_wait3A_698 : memref<1000000x128xf32, #tpu.memory_space<hbm>>) dst(%dma_wait3A_693 : memref<56x128xf32, #tpu.memory_space<vmem>>)
    %add3A_701 = arith.constant 25088 : i32
    %add3A_702 = arith.addi %mul3A_2, %add3A_701 : i32
    %dma_start3A_703 = arith.constant 0 : i32
    %dma_start3A_704 = arith.constant 0 : i32
    %dma_start3A_705 = arith.constant 0 : i32
    %dma_start3A_706 = arith.constant 0 : i32
    %dma_start3A_707 = tpu.memref_slice %arg6[%dma_start3A_703, %dma_start3A_705, %dma_start3A_706] : memref<4x56x128xf32, #tpu.memory_space<vmem>> -> memref<1x56x128xf32, #tpu.memory_space<vmem>>
    %dma_start3A_708 = tpu.memref_squeeze %dma_start3A_707 : memref<1x56x128xf32, #tpu.memory_space<vmem>> -> memref<56x128xf32, #tpu.memory_space<vmem>>
    %dma_start3A_709 = arith.constant 0 : i32
    %dma_start3A_710 = tpu.memref_slice %arg4[%add3A_702, %dma_start3A_709] : memref<819200x128xf32, #tpu.memory_space<hbm>> -> memref<56x128xf32, #tpu.memory_space<hbm>>
    %dma_start3A_711 = tpu.memref_slice %arg10[%dma_start3A_704] : memref<4x!tpu.dma_semaphore, #tpu.memory_space<semaphore_mem>> -> memref<1x!tpu.dma_semaphore, #tpu.memory_space<semaphore_mem>>
    %dma_start3A_712 = tpu.memref_squeeze %dma_start3A_711 : memref<1x!tpu.dma_semaphore, #tpu.memory_space<semaphore_mem>> -> memref<!tpu.dma_semaphore, #tpu.memory_space<semaphore_mem>>
    %dma_start3A_713 = arith.constant 0 : i32
    %dma_start3A_714 = tpu.memref_slice %arg4[%add3A_702, %dma_start3A_713] : memref<819200x128xf32, #tpu.memory_space<hbm>> -> memref<56x128xf32, #tpu.memory_space<hbm>>
    %dma_start3A_715 = arith.constant 0 : i32
    %dma_start3A_716 = arith.constant 0 : i32
    %dma_start3A_717 = tpu.memref_slice %arg6[%dma_start3A_703, %dma_start3A_715, %dma_start3A_716] : memref<4x56x128xf32, #tpu.memory_space<vmem>> -> memref<1x56x128xf32, #tpu.memory_space<vmem>>
    %dma_start3A_718 = tpu.memref_squeeze %dma_start3A_717 : memref<1x56x128xf32, #tpu.memory_space<vmem>> -> memref<56x128xf32, #tpu.memory_space<vmem>>
    tpu.enqueue_dma source(%dma_start3A_718 : memref<56x128xf32, #tpu.memory_space<vmem>>) target(%dma_start3A_714 : memref<56x128xf32, #tpu.memory_space<hbm>>) target_semaphore(%dma_start3A_712 : memref<!tpu.dma_semaphore, #tpu.memory_space<semaphore_mem>>)
    %dma_wait3A_719 = arith.constant 0 : i32
    %dma_wait3A_720 = arith.constant 0 : i32
    %dma_wait3A_721 = arith.constant 0 : i32
    %dma_wait3A_722 = arith.constant 0 : i32
    %dma_wait3A_723 = tpu.memref_slice %arg7[%dma_wait3A_719, %dma_wait3A_721, %dma_wait3A_722] : memref<4x72x128xf32, #tpu.memory_space<vmem>> -> memref<1x72x128xf32, #tpu.memory_space<vmem>>
    %dma_wait3A_724 = tpu.memref_squeeze %dma_wait3A_723 : memref<1x72x128xf32, #tpu.memory_space<vmem>> -> memref<72x128xf32, #tpu.memory_space<vmem>>
    %dma_wait3A_725 = arith.constant 25144 : i32
    %dma_wait3A_726 = tpu.memref_slice %arg5[%dma_wait3A_725] : memref<25600xi32, #tpu.memory_space<vmem>> -> memref<72xi32, #tpu.memory_space<vmem>>
    %dma_wait3A_727 = arith.constant 0 : i32
    %dma_wait3A_728 = arith.constant 0 : i32
    %dma_wait3A_729 = tpu.memref_slice %arg3[%dma_wait3A_727, %dma_wait3A_728] : memref<1000000x128xf32, #tpu.memory_space<hbm>> -> memref<1000000x128xf32, #tpu.memory_space<hbm>>
    %dma_wait3A_730 = tpu.memref_slice %arg11[%dma_wait3A_720] : memref<4x!tpu.dma_semaphore, #tpu.memory_space<semaphore_mem>> -> memref<1x!tpu.dma_semaphore, #tpu.memory_space<semaphore_mem>>
    %dma_wait3A_731 = tpu.memref_squeeze %dma_wait3A_730 : memref<1x!tpu.dma_semaphore, #tpu.memory_space<semaphore_mem>> -> memref<!tpu.dma_semaphore, #tpu.memory_space<semaphore_mem>>
    tpu.wait_indirect_dma semaphore(%dma_wait3A_731 : memref<!tpu.dma_semaphore, #tpu.memory_space<semaphore_mem>>) src(%dma_wait3A_729 : memref<1000000x128xf32, #tpu.memory_space<hbm>>) dst(%dma_wait3A_724 : memref<72x128xf32, #tpu.memory_space<vmem>>)
    %mul3A_732 = arith.constant 4 : i32
    %mul3A_733 = arith.muli %arg1, %mul3A_732 : i32
    %add3A_734 = arith.constant 0 : i32
    %add3A_735 = arith.addi %mul3A_733, %add3A_734 : i32
    %dma_start3A_736 = arith.constant 0 : i32
    %dma_start3A_737 = arith.constant 0 : i32
    %dma_start3A_738 = arith.constant 0 : i32
    %dma_start3A_739 = arith.constant 0 : i32
    %dma_start3A_740 = tpu.memref_slice %arg7[%dma_start3A_736, %dma_start3A_738, %dma_start3A_739] : memref<4x72x128xf32, #tpu.memory_space<vmem>> -> memref<1x72x128xf32, #tpu.memory_space<vmem>>
    %dma_start3A_741 = tpu.memref_squeeze %dma_start3A_740 : memref<1x72x128xf32, #tpu.memory_space<vmem>> -> memref<72x128xf32, #tpu.memory_space<vmem>>
    %dma_start3A_742 = arith.constant 0 : i32
    %dma_start3A_743 = arith.constant 0 : i32
    %dma_start3A_744 = tpu.memref_slice %arg8[%add3A_735, %dma_start3A_742, %dma_start3A_743] : memref<64x72x128xf32, #tpu.memory_space<vmem_shared>> -> memref<1x72x128xf32, #tpu.memory_space<vmem_shared>>
    %dma_start3A_745 = tpu.memref_squeeze %dma_start3A_744 : memref<1x72x128xf32, #tpu.memory_space<vmem_shared>> -> memref<72x128xf32, #tpu.memory_space<vmem_shared>>
    %dma_start3A_746 = tpu.memref_slice %arg12[%dma_start3A_737] : memref<4x!tpu.dma_semaphore, #tpu.memory_space<semaphore_mem>> -> memref<1x!tpu.dma_semaphore, #tpu.memory_space<semaphore_mem>>
    %dma_start3A_747 = tpu.memref_squeeze %dma_start3A_746 : memref<1x!tpu.dma_semaphore, #tpu.memory_space<semaphore_mem>> -> memref<!tpu.dma_semaphore, #tpu.memory_space<semaphore_mem>>
    %dma_start3A_748 = arith.constant 0 : i32
    %dma_start3A_749 = arith.constant 0 : i32
    %dma_start3A_750 = tpu.memref_slice %arg8[%add3A_735, %dma_start3A_748, %dma_start3A_749] : memref<64x72x128xf32, #tpu.memory_space<vmem_shared>> -> memref<1x72x128xf32, #tpu.memory_space<vmem_shared>>
    %dma_start3A_751 = tpu.memref_squeeze %dma_start3A_750 : memref<1x72x128xf32, #tpu.memory_space<vmem_shared>> -> memref<72x128xf32, #tpu.memory_space<vmem_shared>>
    %dma_start3A_752 = arith.constant 0 : i32
    %dma_start3A_753 = arith.constant 0 : i32
    %dma_start3A_754 = tpu.memref_slice %arg7[%dma_start3A_736, %dma_start3A_752, %dma_start3A_753] : memref<4x72x128xf32, #tpu.memory_space<vmem>> -> memref<1x72x128xf32, #tpu.memory_space<vmem>>
    %dma_start3A_755 = tpu.memref_squeeze %dma_start3A_754 : memref<1x72x128xf32, #tpu.memory_space<vmem>> -> memref<72x128xf32, #tpu.memory_space<vmem>>
    tpu.enqueue_dma source(%dma_start3A_755 : memref<72x128xf32, #tpu.memory_space<vmem>>) target(%dma_start3A_751 : memref<72x128xf32, #tpu.memory_space<vmem_shared>>) target_semaphore(%dma_start3A_747 : memref<!tpu.dma_semaphore, #tpu.memory_space<semaphore_mem>>)
    %mul3A_756 = arith.constant 4 : i32
    %mul3A_757 = arith.muli %arg1, %mul3A_756 : i32
    %add3A_758 = arith.constant 3 : i32
    %add3A_759 = arith.addi %mul3A_757, %add3A_758 : i32
    %dma_wait3A_760 = arith.constant 3 : i32
    %dma_wait3A_761 = arith.constant 3 : i32
    %dma_wait3A_762 = arith.constant 0 : i32
    %dma_wait3A_763 = arith.constant 0 : i32
    %dma_wait3A_764 = tpu.memref_slice %arg7[%dma_wait3A_760, %dma_wait3A_762, %dma_wait3A_763] : memref<4x72x128xf32, #tpu.memory_space<vmem>> -> memref<1x72x128xf32, #tpu.memory_space<vmem>>
    %dma_wait3A_765 = tpu.memref_squeeze %dma_wait3A_764 : memref<1x72x128xf32, #tpu.memory_space<vmem>> -> memref<72x128xf32, #tpu.memory_space<vmem>>
    %dma_wait3A_766 = arith.constant 0 : i32
    %dma_wait3A_767 = arith.constant 0 : i32
    %dma_wait3A_768 = tpu.memref_slice %arg8[%add3A_759, %dma_wait3A_766, %dma_wait3A_767] : memref<64x72x128xf32, #tpu.memory_space<vmem_shared>> -> memref<1x72x128xf32, #tpu.memory_space<vmem_shared>>
    %dma_wait3A_769 = tpu.memref_squeeze %dma_wait3A_768 : memref<1x72x128xf32, #tpu.memory_space<vmem_shared>> -> memref<72x128xf32, #tpu.memory_space<vmem_shared>>
    %dma_wait3A_770 = tpu.memref_slice %arg12[%dma_wait3A_761] : memref<4x!tpu.dma_semaphore, #tpu.memory_space<semaphore_mem>> -> memref<1x!tpu.dma_semaphore, #tpu.memory_space<semaphore_mem>>
    %dma_wait3A_771 = tpu.memref_squeeze %dma_wait3A_770 : memref<1x!tpu.dma_semaphore, #tpu.memory_space<semaphore_mem>> -> memref<!tpu.dma_semaphore, #tpu.memory_space<semaphore_mem>>
    %dma_wait3A_772 = arith.constant 0 : i32
    %dma_wait3A_773 = arith.constant 0 : i32
    %dma_wait3A_774 = tpu.memref_slice %arg8[%add3A_759, %dma_wait3A_772, %dma_wait3A_773] : memref<64x72x128xf32, #tpu.memory_space<vmem_shared>> -> memref<1x72x128xf32, #tpu.memory_space<vmem_shared>>
    %dma_wait3A_775 = tpu.memref_squeeze %dma_wait3A_774 : memref<1x72x128xf32, #tpu.memory_space<vmem_shared>> -> memref<72x128xf32, #tpu.memory_space<vmem_shared>>
    %dma_wait3A_776 = arith.constant 0 : i32
    %dma_wait3A_777 = arith.constant 0 : i32
    %dma_wait3A_778 = tpu.memref_slice %arg7[%dma_wait3A_760, %dma_wait3A_776, %dma_wait3A_777] : memref<4x72x128xf32, #tpu.memory_space<vmem>> -> memref<1x72x128xf32, #tpu.memory_space<vmem>>
    %dma_wait3A_779 = tpu.memref_squeeze %dma_wait3A_778 : memref<1x72x128xf32, #tpu.memory_space<vmem>> -> memref<72x128xf32, #tpu.memory_space<vmem>>
    tpu.wait_dma2 semaphore(%dma_wait3A_771 : memref<!tpu.dma_semaphore, #tpu.memory_space<semaphore_mem>>) src(%dma_wait3A_779 : memref<72x128xf32, #tpu.memory_space<vmem>>) dst(%dma_wait3A_775 : memref<72x128xf32, #tpu.memory_space<vmem_shared>>)
    %mul3A_780 = arith.constant 4 : i32
    %mul3A_781 = arith.muli %arg1, %mul3A_780 : i32
    %add3A_782 = arith.constant 3 : i32
    %add3A_783 = arith.addi %mul3A_781, %add3A_782 : i32
    %add3A_784 = arith.constant 24960 : i32
    %add3A_785 = arith.addi %mul3A_2, %add3A_784 : i32
    %add3A_786 = arith.constant 56 : i32
    %add3A_787 = arith.addi %add3A_785, %add3A_786 : i32
    %dma_start3A_788 = arith.constant 3 : i32
    %dma_start3A_789 = tpu.memref_slice %arg13[%dma_start3A_788] : memref<4x!tpu.dma_semaphore, #tpu.memory_space<semaphore_mem>> -> memref<1x!tpu.dma_semaphore, #tpu.memory_space<semaphore_mem>>
    %dma_start3A_790 = tpu.memref_squeeze %dma_start3A_789 : memref<1x!tpu.dma_semaphore, #tpu.memory_space<semaphore_mem>> -> memref<!tpu.dma_semaphore, #tpu.memory_space<semaphore_mem>>
    %dma_start3A_791 = arith.constant 0 : i32
    %dma_start3A_792 = tpu.memref_slice %arg4[%add3A_787, %dma_start3A_791] : memref<819200x128xf32, #tpu.memory_space<hbm>> -> memref<72x128xf32, #tpu.memory_space<hbm>>
    %dma_start3A_793 = arith.constant 0 : i32
    %dma_start3A_794 = arith.constant 0 : i32
    %dma_start3A_795 = tpu.memref_slice %arg8[%add3A_783, %dma_start3A_793, %dma_start3A_794] : memref<64x72x128xf32, #tpu.memory_space<vmem_shared>> -> memref<1x72x128xf32, #tpu.memory_space<vmem_shared>>
    %dma_start3A_796 = tpu.memref_squeeze %dma_start3A_795 : memref<1x72x128xf32, #tpu.memory_space<vmem_shared>> -> memref<72x128xf32, #tpu.memory_space<vmem_shared>>
    tpu.enqueue_dma source(%dma_start3A_796 : memref<72x128xf32, #tpu.memory_space<vmem_shared>>) target(%dma_start3A_792 : memref<72x128xf32, #tpu.memory_space<hbm>>) target_semaphore(%dma_start3A_790 : memref<!tpu.dma_semaphore, #tpu.memory_space<semaphore_mem>>)
    %add3A_797 = arith.constant 24960 : i32
    %add3A_798 = arith.addi %mul3A_2, %add3A_797 : i32
    %dma_wait3A_799 = arith.constant 3 : i32
    %dma_wait3A_800 = arith.constant 3 : i32
    %dma_wait3A_801 = arith.constant 0 : i32
    %dma_wait3A_802 = arith.constant 0 : i32
    %dma_wait3A_803 = tpu.memref_slice %arg6[%dma_wait3A_799, %dma_wait3A_801, %dma_wait3A_802] : memref<4x56x128xf32, #tpu.memory_space<vmem>> -> memref<1x56x128xf32, #tpu.memory_space<vmem>>
    %dma_wait3A_804 = tpu.memref_squeeze %dma_wait3A_803 : memref<1x56x128xf32, #tpu.memory_space<vmem>> -> memref<56x128xf32, #tpu.memory_space<vmem>>
    %dma_wait3A_805 = arith.constant 0 : i32
    %dma_wait3A_806 = tpu.memref_slice %arg4[%add3A_798, %dma_wait3A_805] : memref<819200x128xf32, #tpu.memory_space<hbm>> -> memref<56x128xf32, #tpu.memory_space<hbm>>
    %dma_wait3A_807 = tpu.memref_slice %arg10[%dma_wait3A_800] : memref<4x!tpu.dma_semaphore, #tpu.memory_space<semaphore_mem>> -> memref<1x!tpu.dma_semaphore, #tpu.memory_space<semaphore_mem>>
    %dma_wait3A_808 = tpu.memref_squeeze %dma_wait3A_807 : memref<1x!tpu.dma_semaphore, #tpu.memory_space<semaphore_mem>> -> memref<!tpu.dma_semaphore, #tpu.memory_space<semaphore_mem>>
    %dma_wait3A_809 = arith.constant 0 : i32
    %dma_wait3A_810 = tpu.memref_slice %arg4[%add3A_798, %dma_wait3A_809] : memref<819200x128xf32, #tpu.memory_space<hbm>> -> memref<56x128xf32, #tpu.memory_space<hbm>>
    %dma_wait3A_811 = arith.constant 0 : i32
    %dma_wait3A_812 = arith.constant 0 : i32
    %dma_wait3A_813 = tpu.memref_slice %arg6[%dma_wait3A_799, %dma_wait3A_811, %dma_wait3A_812] : memref<4x56x128xf32, #tpu.memory_space<vmem>> -> memref<1x56x128xf32, #tpu.memory_space<vmem>>
    %dma_wait3A_814 = tpu.memref_squeeze %dma_wait3A_813 : memref<1x56x128xf32, #tpu.memory_space<vmem>> -> memref<56x128xf32, #tpu.memory_space<vmem>>
    tpu.wait_dma2 semaphore(%dma_wait3A_808 : memref<!tpu.dma_semaphore, #tpu.memory_space<semaphore_mem>>) src(%dma_wait3A_814 : memref<56x128xf32, #tpu.memory_space<vmem>>) dst(%dma_wait3A_810 : memref<56x128xf32, #tpu.memory_space<hbm>>)
    %mul3A_815 = arith.constant 4 : i32
    %mul3A_816 = arith.muli %arg1, %mul3A_815 : i32
    %add3A_817 = arith.constant 3 : i32
    %add3A_818 = arith.addi %mul3A_816, %add3A_817 : i32
    %add3A_819 = arith.constant 24960 : i32
    %add3A_820 = arith.addi %mul3A_2, %add3A_819 : i32
    %add3A_821 = arith.constant 56 : i32
    %add3A_822 = arith.addi %add3A_820, %add3A_821 : i32
    %dma_wait3A_823 = arith.constant 3 : i32
    %dma_wait3A_824 = tpu.memref_slice %arg13[%dma_wait3A_823] : memref<4x!tpu.dma_semaphore, #tpu.memory_space<semaphore_mem>> -> memref<1x!tpu.dma_semaphore, #tpu.memory_space<semaphore_mem>>
    %dma_wait3A_825 = tpu.memref_squeeze %dma_wait3A_824 : memref<1x!tpu.dma_semaphore, #tpu.memory_space<semaphore_mem>> -> memref<!tpu.dma_semaphore, #tpu.memory_space<semaphore_mem>>
    %dma_wait3A_826 = arith.constant 0 : i32
    %dma_wait3A_827 = tpu.memref_slice %arg4[%add3A_822, %dma_wait3A_826] : memref<819200x128xf32, #tpu.memory_space<hbm>> -> memref<72x128xf32, #tpu.memory_space<hbm>>
    %dma_wait3A_828 = arith.constant 0 : i32
    %dma_wait3A_829 = arith.constant 0 : i32
    %dma_wait3A_830 = tpu.memref_slice %arg8[%add3A_818, %dma_wait3A_828, %dma_wait3A_829] : memref<64x72x128xf32, #tpu.memory_space<vmem_shared>> -> memref<1x72x128xf32, #tpu.memory_space<vmem_shared>>
    %dma_wait3A_831 = tpu.memref_squeeze %dma_wait3A_830 : memref<1x72x128xf32, #tpu.memory_space<vmem_shared>> -> memref<72x128xf32, #tpu.memory_space<vmem_shared>>
    tpu.wait_dma2 semaphore(%dma_wait3A_825 : memref<!tpu.dma_semaphore, #tpu.memory_space<semaphore_mem>>) src(%dma_wait3A_831 : memref<72x128xf32, #tpu.memory_space<vmem_shared>>) dst(%dma_wait3A_827 : memref<72x128xf32, #tpu.memory_space<hbm>>)
    %dma_start3A_832 = arith.constant 3 : i32
    %dma_start3A_833 = arith.constant 3 : i32
    %dma_start3A_834 = arith.constant 0 : i32
    %dma_start3A_835 = arith.constant 0 : i32
    %dma_start3A_836 = tpu.memref_slice %arg6[%dma_start3A_832, %dma_start3A_834, %dma_start3A_835] : memref<4x56x128xf32, #tpu.memory_space<vmem>> -> memref<1x56x128xf32, #tpu.memory_space<vmem>>
    %dma_start3A_837 = tpu.memref_squeeze %dma_start3A_836 : memref<1x56x128xf32, #tpu.memory_space<vmem>> -> memref<56x128xf32, #tpu.memory_space<vmem>>
    %dma_start3A_838 = arith.constant 25472 : i32
    %dma_start3A_839 = tpu.memref_slice %arg5[%dma_start3A_838] : memref<25600xi32, #tpu.memory_space<vmem>> -> memref<56xi32, #tpu.memory_space<vmem>>
    %dma_start3A_840 = arith.constant 0 : i32
    %dma_start3A_841 = arith.constant 0 : i32
    %dma_start3A_842 = tpu.memref_slice %arg3[%dma_start3A_840, %dma_start3A_841] : memref<1000000x128xf32, #tpu.memory_space<hbm>> -> memref<1000000x128xf32, #tpu.memory_space<hbm>>
    %dma_start3A_843 = tpu.memref_slice %arg9[%dma_start3A_833] : memref<4x!tpu.dma_semaphore, #tpu.memory_space<semaphore_mem>> -> memref<1x!tpu.dma_semaphore, #tpu.memory_space<semaphore_mem>>
    %dma_start3A_844 = tpu.memref_squeeze %dma_start3A_843 : memref<1x!tpu.dma_semaphore, #tpu.memory_space<semaphore_mem>> -> memref<!tpu.dma_semaphore, #tpu.memory_space<semaphore_mem>>
    tpu.enqueue_indirect_dma source(%dma_start3A_842 : memref<1000000x128xf32, #tpu.memory_space<hbm>>) target(%dma_start3A_837 : memref<56x128xf32, #tpu.memory_space<vmem>>) offsets(%dma_start3A_839 : memref<56xi32, #tpu.memory_space<vmem>>) semaphore(%dma_start3A_844 : memref<!tpu.dma_semaphore, #tpu.memory_space<semaphore_mem>>)
    %dma_start3A_845 = arith.constant 3 : i32
    %dma_start3A_846 = arith.constant 3 : i32
    %dma_start3A_847 = arith.constant 0 : i32
    %dma_start3A_848 = arith.constant 0 : i32
    %dma_start3A_849 = tpu.memref_slice %arg7[%dma_start3A_845, %dma_start3A_847, %dma_start3A_848] : memref<4x72x128xf32, #tpu.memory_space<vmem>> -> memref<1x72x128xf32, #tpu.memory_space<vmem>>
    %dma_start3A_850 = tpu.memref_squeeze %dma_start3A_849 : memref<1x72x128xf32, #tpu.memory_space<vmem>> -> memref<72x128xf32, #tpu.memory_space<vmem>>
    %dma_start3A_851 = arith.constant 25528 : i32
    %dma_start3A_852 = tpu.memref_slice %arg5[%dma_start3A_851] : memref<25600xi32, #tpu.memory_space<vmem>> -> memref<72xi32, #tpu.memory_space<vmem>>
    %dma_start3A_853 = arith.constant 0 : i32
    %dma_start3A_854 = arith.constant 0 : i32
    %dma_start3A_855 = tpu.memref_slice %arg3[%dma_start3A_853, %dma_start3A_854] : memref<1000000x128xf32, #tpu.memory_space<hbm>> -> memref<1000000x128xf32, #tpu.memory_space<hbm>>
    %dma_start3A_856 = tpu.memref_slice %arg11[%dma_start3A_846] : memref<4x!tpu.dma_semaphore, #tpu.memory_space<semaphore_mem>> -> memref<1x!tpu.dma_semaphore, #tpu.memory_space<semaphore_mem>>
    %dma_start3A_857 = tpu.memref_squeeze %dma_start3A_856 : memref<1x!tpu.dma_semaphore, #tpu.memory_space<semaphore_mem>> -> memref<!tpu.dma_semaphore, #tpu.memory_space<semaphore_mem>>
    tpu.enqueue_indirect_dma source(%dma_start3A_855 : memref<1000000x128xf32, #tpu.memory_space<hbm>>) target(%dma_start3A_850 : memref<72x128xf32, #tpu.memory_space<vmem>>) offsets(%dma_start3A_852 : memref<72xi32, #tpu.memory_space<vmem>>) semaphore(%dma_start3A_857 : memref<!tpu.dma_semaphore, #tpu.memory_space<semaphore_mem>>)
    %dma_wait3A_858 = arith.constant 1 : i32
    %dma_wait3A_859 = arith.constant 1 : i32
    %dma_wait3A_860 = arith.constant 0 : i32
    %dma_wait3A_861 = arith.constant 0 : i32
    %dma_wait3A_862 = tpu.memref_slice %arg6[%dma_wait3A_858, %dma_wait3A_860, %dma_wait3A_861] : memref<4x56x128xf32, #tpu.memory_space<vmem>> -> memref<1x56x128xf32, #tpu.memory_space<vmem>>
    %dma_wait3A_863 = tpu.memref_squeeze %dma_wait3A_862 : memref<1x56x128xf32, #tpu.memory_space<vmem>> -> memref<56x128xf32, #tpu.memory_space<vmem>>
    %dma_wait3A_864 = arith.constant 25216 : i32
    %dma_wait3A_865 = tpu.memref_slice %arg5[%dma_wait3A_864] : memref<25600xi32, #tpu.memory_space<vmem>> -> memref<56xi32, #tpu.memory_space<vmem>>
    %dma_wait3A_866 = arith.constant 0 : i32
    %dma_wait3A_867 = arith.constant 0 : i32
    %dma_wait3A_868 = tpu.memref_slice %arg3[%dma_wait3A_866, %dma_wait3A_867] : memref<1000000x128xf32, #tpu.memory_space<hbm>> -> memref<1000000x128xf32, #tpu.memory_space<hbm>>
    %dma_wait3A_869 = tpu.memref_slice %arg9[%dma_wait3A_859] : memref<4x!tpu.dma_semaphore, #tpu.memory_space<semaphore_mem>> -> memref<1x!tpu.dma_semaphore, #tpu.memory_space<semaphore_mem>>
    %dma_wait3A_870 = tpu.memref_squeeze %dma_wait3A_869 : memref<1x!tpu.dma_semaphore, #tpu.memory_space<semaphore_mem>> -> memref<!tpu.dma_semaphore, #tpu.memory_space<semaphore_mem>>
    tpu.wait_indirect_dma semaphore(%dma_wait3A_870 : memref<!tpu.dma_semaphore, #tpu.memory_space<semaphore_mem>>) src(%dma_wait3A_868 : memref<1000000x128xf32, #tpu.memory_space<hbm>>) dst(%dma_wait3A_863 : memref<56x128xf32, #tpu.memory_space<vmem>>)
    %add3A_871 = arith.constant 25216 : i32
    %add3A_872 = arith.addi %mul3A_2, %add3A_871 : i32
    %dma_start3A_873 = arith.constant 1 : i32
    %dma_start3A_874 = arith.constant 1 : i32
    %dma_start3A_875 = arith.constant 0 : i32
    %dma_start3A_876 = arith.constant 0 : i32
    %dma_start3A_877 = tpu.memref_slice %arg6[%dma_start3A_873, %dma_start3A_875, %dma_start3A_876] : memref<4x56x128xf32, #tpu.memory_space<vmem>> -> memref<1x56x128xf32, #tpu.memory_space<vmem>>
    %dma_start3A_878 = tpu.memref_squeeze %dma_start3A_877 : memref<1x56x128xf32, #tpu.memory_space<vmem>> -> memref<56x128xf32, #tpu.memory_space<vmem>>
    %dma_start3A_879 = arith.constant 0 : i32
    %dma_start3A_880 = tpu.memref_slice %arg4[%add3A_872, %dma_start3A_879] : memref<819200x128xf32, #tpu.memory_space<hbm>> -> memref<56x128xf32, #tpu.memory_space<hbm>>
    %dma_start3A_881 = tpu.memref_slice %arg10[%dma_start3A_874] : memref<4x!tpu.dma_semaphore, #tpu.memory_space<semaphore_mem>> -> memref<1x!tpu.dma_semaphore, #tpu.memory_space<semaphore_mem>>
    %dma_start3A_882 = tpu.memref_squeeze %dma_start3A_881 : memref<1x!tpu.dma_semaphore, #tpu.memory_space<semaphore_mem>> -> memref<!tpu.dma_semaphore, #tpu.memory_space<semaphore_mem>>
    %dma_start3A_883 = arith.constant 0 : i32
    %dma_start3A_884 = tpu.memref_slice %arg4[%add3A_872, %dma_start3A_883] : memref<819200x128xf32, #tpu.memory_space<hbm>> -> memref<56x128xf32, #tpu.memory_space<hbm>>
    %dma_start3A_885 = arith.constant 0 : i32
    %dma_start3A_886 = arith.constant 0 : i32
    %dma_start3A_887 = tpu.memref_slice %arg6[%dma_start3A_873, %dma_start3A_885, %dma_start3A_886] : memref<4x56x128xf32, #tpu.memory_space<vmem>> -> memref<1x56x128xf32, #tpu.memory_space<vmem>>
    %dma_start3A_888 = tpu.memref_squeeze %dma_start3A_887 : memref<1x56x128xf32, #tpu.memory_space<vmem>> -> memref<56x128xf32, #tpu.memory_space<vmem>>
    tpu.enqueue_dma source(%dma_start3A_888 : memref<56x128xf32, #tpu.memory_space<vmem>>) target(%dma_start3A_884 : memref<56x128xf32, #tpu.memory_space<hbm>>) target_semaphore(%dma_start3A_882 : memref<!tpu.dma_semaphore, #tpu.memory_space<semaphore_mem>>)
    %dma_wait3A_889 = arith.constant 1 : i32
    %dma_wait3A_890 = arith.constant 1 : i32
    %dma_wait3A_891 = arith.constant 0 : i32
    %dma_wait3A_892 = arith.constant 0 : i32
    %dma_wait3A_893 = tpu.memref_slice %arg7[%dma_wait3A_889, %dma_wait3A_891, %dma_wait3A_892] : memref<4x72x128xf32, #tpu.memory_space<vmem>> -> memref<1x72x128xf32, #tpu.memory_space<vmem>>
    %dma_wait3A_894 = tpu.memref_squeeze %dma_wait3A_893 : memref<1x72x128xf32, #tpu.memory_space<vmem>> -> memref<72x128xf32, #tpu.memory_space<vmem>>
    %dma_wait3A_895 = arith.constant 25272 : i32
    %dma_wait3A_896 = tpu.memref_slice %arg5[%dma_wait3A_895] : memref<25600xi32, #tpu.memory_space<vmem>> -> memref<72xi32, #tpu.memory_space<vmem>>
    %dma_wait3A_897 = arith.constant 0 : i32
    %dma_wait3A_898 = arith.constant 0 : i32
    %dma_wait3A_899 = tpu.memref_slice %arg3[%dma_wait3A_897, %dma_wait3A_898] : memref<1000000x128xf32, #tpu.memory_space<hbm>> -> memref<1000000x128xf32, #tpu.memory_space<hbm>>
    %dma_wait3A_900 = tpu.memref_slice %arg11[%dma_wait3A_890] : memref<4x!tpu.dma_semaphore, #tpu.memory_space<semaphore_mem>> -> memref<1x!tpu.dma_semaphore, #tpu.memory_space<semaphore_mem>>
    %dma_wait3A_901 = tpu.memref_squeeze %dma_wait3A_900 : memref<1x!tpu.dma_semaphore, #tpu.memory_space<semaphore_mem>> -> memref<!tpu.dma_semaphore, #tpu.memory_space<semaphore_mem>>
    tpu.wait_indirect_dma semaphore(%dma_wait3A_901 : memref<!tpu.dma_semaphore, #tpu.memory_space<semaphore_mem>>) src(%dma_wait3A_899 : memref<1000000x128xf32, #tpu.memory_space<hbm>>) dst(%dma_wait3A_894 : memref<72x128xf32, #tpu.memory_space<vmem>>)
    %mul3A_902 = arith.constant 4 : i32
    %mul3A_903 = arith.muli %arg1, %mul3A_902 : i32
    %add3A_904 = arith.constant 1 : i32
    %add3A_905 = arith.addi %mul3A_903, %add3A_904 : i32
    %dma_start3A_906 = arith.constant 1 : i32
    %dma_start3A_907 = arith.constant 1 : i32
    %dma_start3A_908 = arith.constant 0 : i32
    %dma_start3A_909 = arith.constant 0 : i32
    %dma_start3A_910 = tpu.memref_slice %arg7[%dma_start3A_906, %dma_start3A_908, %dma_start3A_909] : memref<4x72x128xf32, #tpu.memory_space<vmem>> -> memref<1x72x128xf32, #tpu.memory_space<vmem>>
    %dma_start3A_911 = tpu.memref_squeeze %dma_start3A_910 : memref<1x72x128xf32, #tpu.memory_space<vmem>> -> memref<72x128xf32, #tpu.memory_space<vmem>>
    %dma_start3A_912 = arith.constant 0 : i32
    %dma_start3A_913 = arith.constant 0 : i32
    %dma_start3A_914 = tpu.memref_slice %arg8[%add3A_905, %dma_start3A_912, %dma_start3A_913] : memref<64x72x128xf32, #tpu.memory_space<vmem_shared>> -> memref<1x72x128xf32, #tpu.memory_space<vmem_shared>>
    %dma_start3A_915 = tpu.memref_squeeze %dma_start3A_914 : memref<1x72x128xf32, #tpu.memory_space<vmem_shared>> -> memref<72x128xf32, #tpu.memory_space<vmem_shared>>
    %dma_start3A_916 = tpu.memref_slice %arg12[%dma_start3A_907] : memref<4x!tpu.dma_semaphore, #tpu.memory_space<semaphore_mem>> -> memref<1x!tpu.dma_semaphore, #tpu.memory_space<semaphore_mem>>
    %dma_start3A_917 = tpu.memref_squeeze %dma_start3A_916 : memref<1x!tpu.dma_semaphore, #tpu.memory_space<semaphore_mem>> -> memref<!tpu.dma_semaphore, #tpu.memory_space<semaphore_mem>>
    %dma_start3A_918 = arith.constant 0 : i32
    %dma_start3A_919 = arith.constant 0 : i32
    %dma_start3A_920 = tpu.memref_slice %arg8[%add3A_905, %dma_start3A_918, %dma_start3A_919] : memref<64x72x128xf32, #tpu.memory_space<vmem_shared>> -> memref<1x72x128xf32, #tpu.memory_space<vmem_shared>>
    %dma_start3A_921 = tpu.memref_squeeze %dma_start3A_920 : memref<1x72x128xf32, #tpu.memory_space<vmem_shared>> -> memref<72x128xf32, #tpu.memory_space<vmem_shared>>
    %dma_start3A_922 = arith.constant 0 : i32
    %dma_start3A_923 = arith.constant 0 : i32
    %dma_start3A_924 = tpu.memref_slice %arg7[%dma_start3A_906, %dma_start3A_922, %dma_start3A_923] : memref<4x72x128xf32, #tpu.memory_space<vmem>> -> memref<1x72x128xf32, #tpu.memory_space<vmem>>
    %dma_start3A_925 = tpu.memref_squeeze %dma_start3A_924 : memref<1x72x128xf32, #tpu.memory_space<vmem>> -> memref<72x128xf32, #tpu.memory_space<vmem>>
    tpu.enqueue_dma source(%dma_start3A_925 : memref<72x128xf32, #tpu.memory_space<vmem>>) target(%dma_start3A_921 : memref<72x128xf32, #tpu.memory_space<vmem_shared>>) target_semaphore(%dma_start3A_917 : memref<!tpu.dma_semaphore, #tpu.memory_space<semaphore_mem>>)
    %mul3A_926 = arith.constant 4 : i32
    %mul3A_927 = arith.muli %arg1, %mul3A_926 : i32
    %add3A_928 = arith.constant 0 : i32
    %add3A_929 = arith.addi %mul3A_927, %add3A_928 : i32
    %dma_wait3A_930 = arith.constant 0 : i32
    %dma_wait3A_931 = arith.constant 0 : i32
    %dma_wait3A_932 = arith.constant 0 : i32
    %dma_wait3A_933 = arith.constant 0 : i32
    %dma_wait3A_934 = tpu.memref_slice %arg7[%dma_wait3A_930, %dma_wait3A_932, %dma_wait3A_933] : memref<4x72x128xf32, #tpu.memory_space<vmem>> -> memref<1x72x128xf32, #tpu.memory_space<vmem>>
    %dma_wait3A_935 = tpu.memref_squeeze %dma_wait3A_934 : memref<1x72x128xf32, #tpu.memory_space<vmem>> -> memref<72x128xf32, #tpu.memory_space<vmem>>
    %dma_wait3A_936 = arith.constant 0 : i32
    %dma_wait3A_937 = arith.constant 0 : i32
    %dma_wait3A_938 = tpu.memref_slice %arg8[%add3A_929, %dma_wait3A_936, %dma_wait3A_937] : memref<64x72x128xf32, #tpu.memory_space<vmem_shared>> -> memref<1x72x128xf32, #tpu.memory_space<vmem_shared>>
    %dma_wait3A_939 = tpu.memref_squeeze %dma_wait3A_938 : memref<1x72x128xf32, #tpu.memory_space<vmem_shared>> -> memref<72x128xf32, #tpu.memory_space<vmem_shared>>
    %dma_wait3A_940 = tpu.memref_slice %arg12[%dma_wait3A_931] : memref<4x!tpu.dma_semaphore, #tpu.memory_space<semaphore_mem>> -> memref<1x!tpu.dma_semaphore, #tpu.memory_space<semaphore_mem>>
    %dma_wait3A_941 = tpu.memref_squeeze %dma_wait3A_940 : memref<1x!tpu.dma_semaphore, #tpu.memory_space<semaphore_mem>> -> memref<!tpu.dma_semaphore, #tpu.memory_space<semaphore_mem>>
    %dma_wait3A_942 = arith.constant 0 : i32
    %dma_wait3A_943 = arith.constant 0 : i32
    %dma_wait3A_944 = tpu.memref_slice %arg8[%add3A_929, %dma_wait3A_942, %dma_wait3A_943] : memref<64x72x128xf32, #tpu.memory_space<vmem_shared>> -> memref<1x72x128xf32, #tpu.memory_space<vmem_shared>>
    %dma_wait3A_945 = tpu.memref_squeeze %dma_wait3A_944 : memref<1x72x128xf32, #tpu.memory_space<vmem_shared>> -> memref<72x128xf32, #tpu.memory_space<vmem_shared>>
    %dma_wait3A_946 = arith.constant 0 : i32
    %dma_wait3A_947 = arith.constant 0 : i32
    %dma_wait3A_948 = tpu.memref_slice %arg7[%dma_wait3A_930, %dma_wait3A_946, %dma_wait3A_947] : memref<4x72x128xf32, #tpu.memory_space<vmem>> -> memref<1x72x128xf32, #tpu.memory_space<vmem>>
    %dma_wait3A_949 = tpu.memref_squeeze %dma_wait3A_948 : memref<1x72x128xf32, #tpu.memory_space<vmem>> -> memref<72x128xf32, #tpu.memory_space<vmem>>
    tpu.wait_dma2 semaphore(%dma_wait3A_941 : memref<!tpu.dma_semaphore, #tpu.memory_space<semaphore_mem>>) src(%dma_wait3A_949 : memref<72x128xf32, #tpu.memory_space<vmem>>) dst(%dma_wait3A_945 : memref<72x128xf32, #tpu.memory_space<vmem_shared>>)
    %mul3A_950 = arith.constant 4 : i32
    %mul3A_951 = arith.muli %arg1, %mul3A_950 : i32
    %add3A_952 = arith.constant 0 : i32
    %add3A_953 = arith.addi %mul3A_951, %add3A_952 : i32
    %add3A_954 = arith.constant 25088 : i32
    %add3A_955 = arith.addi %mul3A_2, %add3A_954 : i32
    %add3A_956 = arith.constant 56 : i32
    %add3A_957 = arith.addi %add3A_955, %add3A_956 : i32
    %dma_start3A_958 = arith.constant 0 : i32
    %dma_start3A_959 = tpu.memref_slice %arg13[%dma_start3A_958] : memref<4x!tpu.dma_semaphore, #tpu.memory_space<semaphore_mem>> -> memref<1x!tpu.dma_semaphore, #tpu.memory_space<semaphore_mem>>
    %dma_start3A_960 = tpu.memref_squeeze %dma_start3A_959 : memref<1x!tpu.dma_semaphore, #tpu.memory_space<semaphore_mem>> -> memref<!tpu.dma_semaphore, #tpu.memory_space<semaphore_mem>>
    %dma_start3A_961 = arith.constant 0 : i32
    %dma_start3A_962 = tpu.memref_slice %arg4[%add3A_957, %dma_start3A_961] : memref<819200x128xf32, #tpu.memory_space<hbm>> -> memref<72x128xf32, #tpu.memory_space<hbm>>
    %dma_start3A_963 = arith.constant 0 : i32
    %dma_start3A_964 = arith.constant 0 : i32
    %dma_start3A_965 = tpu.memref_slice %arg8[%add3A_953, %dma_start3A_963, %dma_start3A_964] : memref<64x72x128xf32, #tpu.memory_space<vmem_shared>> -> memref<1x72x128xf32, #tpu.memory_space<vmem_shared>>
    %dma_start3A_966 = tpu.memref_squeeze %dma_start3A_965 : memref<1x72x128xf32, #tpu.memory_space<vmem_shared>> -> memref<72x128xf32, #tpu.memory_space<vmem_shared>>
    tpu.enqueue_dma source(%dma_start3A_966 : memref<72x128xf32, #tpu.memory_space<vmem_shared>>) target(%dma_start3A_962 : memref<72x128xf32, #tpu.memory_space<hbm>>) target_semaphore(%dma_start3A_960 : memref<!tpu.dma_semaphore, #tpu.memory_space<semaphore_mem>>)
    %dma_wait3A_967 = arith.constant 2 : i32
    %dma_wait3A_968 = arith.constant 2 : i32
    %dma_wait3A_969 = arith.constant 0 : i32
    %dma_wait3A_970 = arith.constant 0 : i32
    %dma_wait3A_971 = tpu.memref_slice %arg6[%dma_wait3A_967, %dma_wait3A_969, %dma_wait3A_970] : memref<4x56x128xf32, #tpu.memory_space<vmem>> -> memref<1x56x128xf32, #tpu.memory_space<vmem>>
    %dma_wait3A_972 = tpu.memref_squeeze %dma_wait3A_971 : memref<1x56x128xf32, #tpu.memory_space<vmem>> -> memref<56x128xf32, #tpu.memory_space<vmem>>
    %dma_wait3A_973 = arith.constant 25344 : i32
    %dma_wait3A_974 = tpu.memref_slice %arg5[%dma_wait3A_973] : memref<25600xi32, #tpu.memory_space<vmem>> -> memref<56xi32, #tpu.memory_space<vmem>>
    %dma_wait3A_975 = arith.constant 0 : i32
    %dma_wait3A_976 = arith.constant 0 : i32
    %dma_wait3A_977 = tpu.memref_slice %arg3[%dma_wait3A_975, %dma_wait3A_976] : memref<1000000x128xf32, #tpu.memory_space<hbm>> -> memref<1000000x128xf32, #tpu.memory_space<hbm>>
    %dma_wait3A_978 = tpu.memref_slice %arg9[%dma_wait3A_968] : memref<4x!tpu.dma_semaphore, #tpu.memory_space<semaphore_mem>> -> memref<1x!tpu.dma_semaphore, #tpu.memory_space<semaphore_mem>>
    %dma_wait3A_979 = tpu.memref_squeeze %dma_wait3A_978 : memref<1x!tpu.dma_semaphore, #tpu.memory_space<semaphore_mem>> -> memref<!tpu.dma_semaphore, #tpu.memory_space<semaphore_mem>>
    tpu.wait_indirect_dma semaphore(%dma_wait3A_979 : memref<!tpu.dma_semaphore, #tpu.memory_space<semaphore_mem>>) src(%dma_wait3A_977 : memref<1000000x128xf32, #tpu.memory_space<hbm>>) dst(%dma_wait3A_972 : memref<56x128xf32, #tpu.memory_space<vmem>>)
    %add3A_980 = arith.constant 25344 : i32
    %add3A_981 = arith.addi %mul3A_2, %add3A_980 : i32
    %dma_start3A_982 = arith.constant 2 : i32
    %dma_start3A_983 = arith.constant 2 : i32
    %dma_start3A_984 = arith.constant 0 : i32
    %dma_start3A_985 = arith.constant 0 : i32
    %dma_start3A_986 = tpu.memref_slice %arg6[%dma_start3A_982, %dma_start3A_984, %dma_start3A_985] : memref<4x56x128xf32, #tpu.memory_space<vmem>> -> memref<1x56x128xf32, #tpu.memory_space<vmem>>
    %dma_start3A_987 = tpu.memref_squeeze %dma_start3A_986 : memref<1x56x128xf32, #tpu.memory_space<vmem>> -> memref<56x128xf32, #tpu.memory_space<vmem>>
    %dma_start3A_988 = arith.constant 0 : i32
    %dma_start3A_989 = tpu.memref_slice %arg4[%add3A_981, %dma_start3A_988] : memref<819200x128xf32, #tpu.memory_space<hbm>> -> memref<56x128xf32, #tpu.memory_space<hbm>>
    %dma_start3A_990 = tpu.memref_slice %arg10[%dma_start3A_983] : memref<4x!tpu.dma_semaphore, #tpu.memory_space<semaphore_mem>> -> memref<1x!tpu.dma_semaphore, #tpu.memory_space<semaphore_mem>>
    %dma_start3A_991 = tpu.memref_squeeze %dma_start3A_990 : memref<1x!tpu.dma_semaphore, #tpu.memory_space<semaphore_mem>> -> memref<!tpu.dma_semaphore, #tpu.memory_space<semaphore_mem>>
    %dma_start3A_992 = arith.constant 0 : i32
    %dma_start3A_993 = tpu.memref_slice %arg4[%add3A_981, %dma_start3A_992] : memref<819200x128xf32, #tpu.memory_space<hbm>> -> memref<56x128xf32, #tpu.memory_space<hbm>>
    %dma_start3A_994 = arith.constant 0 : i32
    %dma_start3A_995 = arith.constant 0 : i32
    %dma_start3A_996 = tpu.memref_slice %arg6[%dma_start3A_982, %dma_start3A_994, %dma_start3A_995] : memref<4x56x128xf32, #tpu.memory_space<vmem>> -> memref<1x56x128xf32, #tpu.memory_space<vmem>>
    %dma_start3A_997 = tpu.memref_squeeze %dma_start3A_996 : memref<1x56x128xf32, #tpu.memory_space<vmem>> -> memref<56x128xf32, #tpu.memory_space<vmem>>
    tpu.enqueue_dma source(%dma_start3A_997 : memref<56x128xf32, #tpu.memory_space<vmem>>) target(%dma_start3A_993 : memref<56x128xf32, #tpu.memory_space<hbm>>) target_semaphore(%dma_start3A_991 : memref<!tpu.dma_semaphore, #tpu.memory_space<semaphore_mem>>)
    %dma_wait3A_998 = arith.constant 2 : i32
    %dma_wait3A_999 = arith.constant 2 : i32
    %dma_wait3A_1000 = arith.constant 0 : i32
    %dma_wait3A_1001 = arith.constant 0 : i32
    %dma_wait3A_1002 = tpu.memref_slice %arg7[%dma_wait3A_998, %dma_wait3A_1000, %dma_wait3A_1001] : memref<4x72x128xf32, #tpu.memory_space<vmem>> -> memref<1x72x128xf32, #tpu.memory_space<vmem>>
    %dma_wait3A_1003 = tpu.memref_squeeze %dma_wait3A_1002 : memref<1x72x128xf32, #tpu.memory_space<vmem>> -> memref<72x128xf32, #tpu.memory_space<vmem>>
    %dma_wait3A_1004 = arith.constant 25400 : i32
    %dma_wait3A_1005 = tpu.memref_slice %arg5[%dma_wait3A_1004] : memref<25600xi32, #tpu.memory_space<vmem>> -> memref<72xi32, #tpu.memory_space<vmem>>
    %dma_wait3A_1006 = arith.constant 0 : i32
    %dma_wait3A_1007 = arith.constant 0 : i32
    %dma_wait3A_1008 = tpu.memref_slice %arg3[%dma_wait3A_1006, %dma_wait3A_1007] : memref<1000000x128xf32, #tpu.memory_space<hbm>> -> memref<1000000x128xf32, #tpu.memory_space<hbm>>
    %dma_wait3A_1009 = tpu.memref_slice %arg11[%dma_wait3A_999] : memref<4x!tpu.dma_semaphore, #tpu.memory_space<semaphore_mem>> -> memref<1x!tpu.dma_semaphore, #tpu.memory_space<semaphore_mem>>
    %dma_wait3A_1010 = tpu.memref_squeeze %dma_wait3A_1009 : memref<1x!tpu.dma_semaphore, #tpu.memory_space<semaphore_mem>> -> memref<!tpu.dma_semaphore, #tpu.memory_space<semaphore_mem>>
    tpu.wait_indirect_dma semaphore(%dma_wait3A_1010 : memref<!tpu.dma_semaphore, #tpu.memory_space<semaphore_mem>>) src(%dma_wait3A_1008 : memref<1000000x128xf32, #tpu.memory_space<hbm>>) dst(%dma_wait3A_1003 : memref<72x128xf32, #tpu.memory_space<vmem>>)
    %mul3A_1011 = arith.constant 4 : i32
    %mul3A_1012 = arith.muli %arg1, %mul3A_1011 : i32
    %add3A_1013 = arith.constant 2 : i32
    %add3A_1014 = arith.addi %mul3A_1012, %add3A_1013 : i32
    %dma_start3A_1015 = arith.constant 2 : i32
    %dma_start3A_1016 = arith.constant 2 : i32
    %dma_start3A_1017 = arith.constant 0 : i32
    %dma_start3A_1018 = arith.constant 0 : i32
    %dma_start3A_1019 = tpu.memref_slice %arg7[%dma_start3A_1015, %dma_start3A_1017, %dma_start3A_1018] : memref<4x72x128xf32, #tpu.memory_space<vmem>> -> memref<1x72x128xf32, #tpu.memory_space<vmem>>
    %dma_start3A_1020 = tpu.memref_squeeze %dma_start3A_1019 : memref<1x72x128xf32, #tpu.memory_space<vmem>> -> memref<72x128xf32, #tpu.memory_space<vmem>>
    %dma_start3A_1021 = arith.constant 0 : i32
    %dma_start3A_1022 = arith.constant 0 : i32
    %dma_start3A_1023 = tpu.memref_slice %arg8[%add3A_1014, %dma_start3A_1021, %dma_start3A_1022] : memref<64x72x128xf32, #tpu.memory_space<vmem_shared>> -> memref<1x72x128xf32, #tpu.memory_space<vmem_shared>>
    %dma_start3A_1024 = tpu.memref_squeeze %dma_start3A_1023 : memref<1x72x128xf32, #tpu.memory_space<vmem_shared>> -> memref<72x128xf32, #tpu.memory_space<vmem_shared>>
    %dma_start3A_1025 = tpu.memref_slice %arg12[%dma_start3A_1016] : memref<4x!tpu.dma_semaphore, #tpu.memory_space<semaphore_mem>> -> memref<1x!tpu.dma_semaphore, #tpu.memory_space<semaphore_mem>>
    %dma_start3A_1026 = tpu.memref_squeeze %dma_start3A_1025 : memref<1x!tpu.dma_semaphore, #tpu.memory_space<semaphore_mem>> -> memref<!tpu.dma_semaphore, #tpu.memory_space<semaphore_mem>>
    %dma_start3A_1027 = arith.constant 0 : i32
    %dma_start3A_1028 = arith.constant 0 : i32
    %dma_start3A_1029 = tpu.memref_slice %arg8[%add3A_1014, %dma_start3A_1027, %dma_start3A_1028] : memref<64x72x128xf32, #tpu.memory_space<vmem_shared>> -> memref<1x72x128xf32, #tpu.memory_space<vmem_shared>>
    %dma_start3A_1030 = tpu.memref_squeeze %dma_start3A_1029 : memref<1x72x128xf32, #tpu.memory_space<vmem_shared>> -> memref<72x128xf32, #tpu.memory_space<vmem_shared>>
    %dma_start3A_1031 = arith.constant 0 : i32
    %dma_start3A_1032 = arith.constant 0 : i32
    %dma_start3A_1033 = tpu.memref_slice %arg7[%dma_start3A_1015, %dma_start3A_1031, %dma_start3A_1032] : memref<4x72x128xf32, #tpu.memory_space<vmem>> -> memref<1x72x128xf32, #tpu.memory_space<vmem>>
    %dma_start3A_1034 = tpu.memref_squeeze %dma_start3A_1033 : memref<1x72x128xf32, #tpu.memory_space<vmem>> -> memref<72x128xf32, #tpu.memory_space<vmem>>
    tpu.enqueue_dma source(%dma_start3A_1034 : memref<72x128xf32, #tpu.memory_space<vmem>>) target(%dma_start3A_1030 : memref<72x128xf32, #tpu.memory_space<vmem_shared>>) target_semaphore(%dma_start3A_1026 : memref<!tpu.dma_semaphore, #tpu.memory_space<semaphore_mem>>)
    %mul3A_1035 = arith.constant 4 : i32
    %mul3A_1036 = arith.muli %arg1, %mul3A_1035 : i32
    %add3A_1037 = arith.constant 1 : i32
    %add3A_1038 = arith.addi %mul3A_1036, %add3A_1037 : i32
    %dma_wait3A_1039 = arith.constant 1 : i32
    %dma_wait3A_1040 = arith.constant 1 : i32
    %dma_wait3A_1041 = arith.constant 0 : i32
    %dma_wait3A_1042 = arith.constant 0 : i32
    %dma_wait3A_1043 = tpu.memref_slice %arg7[%dma_wait3A_1039, %dma_wait3A_1041, %dma_wait3A_1042] : memref<4x72x128xf32, #tpu.memory_space<vmem>> -> memref<1x72x128xf32, #tpu.memory_space<vmem>>
    %dma_wait3A_1044 = tpu.memref_squeeze %dma_wait3A_1043 : memref<1x72x128xf32, #tpu.memory_space<vmem>> -> memref<72x128xf32, #tpu.memory_space<vmem>>
    %dma_wait3A_1045 = arith.constant 0 : i32
    %dma_wait3A_1046 = arith.constant 0 : i32
    %dma_wait3A_1047 = tpu.memref_slice %arg8[%add3A_1038, %dma_wait3A_1045, %dma_wait3A_1046] : memref<64x72x128xf32, #tpu.memory_space<vmem_shared>> -> memref<1x72x128xf32, #tpu.memory_space<vmem_shared>>
    %dma_wait3A_1048 = tpu.memref_squeeze %dma_wait3A_1047 : memref<1x72x128xf32, #tpu.memory_space<vmem_shared>> -> memref<72x128xf32, #tpu.memory_space<vmem_shared>>
    %dma_wait3A_1049 = tpu.memref_slice %arg12[%dma_wait3A_1040] : memref<4x!tpu.dma_semaphore, #tpu.memory_space<semaphore_mem>> -> memref<1x!tpu.dma_semaphore, #tpu.memory_space<semaphore_mem>>
    %dma_wait3A_1050 = tpu.memref_squeeze %dma_wait3A_1049 : memref<1x!tpu.dma_semaphore, #tpu.memory_space<semaphore_mem>> -> memref<!tpu.dma_semaphore, #tpu.memory_space<semaphore_mem>>
    %dma_wait3A_1051 = arith.constant 0 : i32
    %dma_wait3A_1052 = arith.constant 0 : i32
    %dma_wait3A_1053 = tpu.memref_slice %arg8[%add3A_1038, %dma_wait3A_1051, %dma_wait3A_1052] : memref<64x72x128xf32, #tpu.memory_space<vmem_shared>> -> memref<1x72x128xf32, #tpu.memory_space<vmem_shared>>
    %dma_wait3A_1054 = tpu.memref_squeeze %dma_wait3A_1053 : memref<1x72x128xf32, #tpu.memory_space<vmem_shared>> -> memref<72x128xf32, #tpu.memory_space<vmem_shared>>
    %dma_wait3A_1055 = arith.constant 0 : i32
    %dma_wait3A_1056 = arith.constant 0 : i32
    %dma_wait3A_1057 = tpu.memref_slice %arg7[%dma_wait3A_1039, %dma_wait3A_1055, %dma_wait3A_1056] : memref<4x72x128xf32, #tpu.memory_space<vmem>> -> memref<1x72x128xf32, #tpu.memory_space<vmem>>
    %dma_wait3A_1058 = tpu.memref_squeeze %dma_wait3A_1057 : memref<1x72x128xf32, #tpu.memory_space<vmem>> -> memref<72x128xf32, #tpu.memory_space<vmem>>
    tpu.wait_dma2 semaphore(%dma_wait3A_1050 : memref<!tpu.dma_semaphore, #tpu.memory_space<semaphore_mem>>) src(%dma_wait3A_1058 : memref<72x128xf32, #tpu.memory_space<vmem>>) dst(%dma_wait3A_1054 : memref<72x128xf32, #tpu.memory_space<vmem_shared>>)
    %mul3A_1059 = arith.constant 4 : i32
    %mul3A_1060 = arith.muli %arg1, %mul3A_1059 : i32
    %add3A_1061 = arith.constant 1 : i32
    %add3A_1062 = arith.addi %mul3A_1060, %add3A_1061 : i32
    %add3A_1063 = arith.constant 25216 : i32
    %add3A_1064 = arith.addi %mul3A_2, %add3A_1063 : i32
    %add3A_1065 = arith.constant 56 : i32
    %add3A_1066 = arith.addi %add3A_1064, %add3A_1065 : i32
    %dma_start3A_1067 = arith.constant 1 : i32
    %dma_start3A_1068 = tpu.memref_slice %arg13[%dma_start3A_1067] : memref<4x!tpu.dma_semaphore, #tpu.memory_space<semaphore_mem>> -> memref<1x!tpu.dma_semaphore, #tpu.memory_space<semaphore_mem>>
    %dma_start3A_1069 = tpu.memref_squeeze %dma_start3A_1068 : memref<1x!tpu.dma_semaphore, #tpu.memory_space<semaphore_mem>> -> memref<!tpu.dma_semaphore, #tpu.memory_space<semaphore_mem>>
    %dma_start3A_1070 = arith.constant 0 : i32
    %dma_start3A_1071 = tpu.memref_slice %arg4[%add3A_1066, %dma_start3A_1070] : memref<819200x128xf32, #tpu.memory_space<hbm>> -> memref<72x128xf32, #tpu.memory_space<hbm>>
    %dma_start3A_1072 = arith.constant 0 : i32
    %dma_start3A_1073 = arith.constant 0 : i32
    %dma_start3A_1074 = tpu.memref_slice %arg8[%add3A_1062, %dma_start3A_1072, %dma_start3A_1073] : memref<64x72x128xf32, #tpu.memory_space<vmem_shared>> -> memref<1x72x128xf32, #tpu.memory_space<vmem_shared>>
    %dma_start3A_1075 = tpu.memref_squeeze %dma_start3A_1074 : memref<1x72x128xf32, #tpu.memory_space<vmem_shared>> -> memref<72x128xf32, #tpu.memory_space<vmem_shared>>
    tpu.enqueue_dma source(%dma_start3A_1075 : memref<72x128xf32, #tpu.memory_space<vmem_shared>>) target(%dma_start3A_1071 : memref<72x128xf32, #tpu.memory_space<hbm>>) target_semaphore(%dma_start3A_1069 : memref<!tpu.dma_semaphore, #tpu.memory_space<semaphore_mem>>)
    %dma_wait3A_1076 = arith.constant 3 : i32
    %dma_wait3A_1077 = arith.constant 3 : i32
    %dma_wait3A_1078 = arith.constant 0 : i32
    %dma_wait3A_1079 = arith.constant 0 : i32
    %dma_wait3A_1080 = tpu.memref_slice %arg6[%dma_wait3A_1076, %dma_wait3A_1078, %dma_wait3A_1079] : memref<4x56x128xf32, #tpu.memory_space<vmem>> -> memref<1x56x128xf32, #tpu.memory_space<vmem>>
    %dma_wait3A_1081 = tpu.memref_squeeze %dma_wait3A_1080 : memref<1x56x128xf32, #tpu.memory_space<vmem>> -> memref<56x128xf32, #tpu.memory_space<vmem>>
    %dma_wait3A_1082 = arith.constant 25472 : i32
    %dma_wait3A_1083 = tpu.memref_slice %arg5[%dma_wait3A_1082] : memref<25600xi32, #tpu.memory_space<vmem>> -> memref<56xi32, #tpu.memory_space<vmem>>
    %dma_wait3A_1084 = arith.constant 0 : i32
    %dma_wait3A_1085 = arith.constant 0 : i32
    %dma_wait3A_1086 = tpu.memref_slice %arg3[%dma_wait3A_1084, %dma_wait3A_1085] : memref<1000000x128xf32, #tpu.memory_space<hbm>> -> memref<1000000x128xf32, #tpu.memory_space<hbm>>
    %dma_wait3A_1087 = tpu.memref_slice %arg9[%dma_wait3A_1077] : memref<4x!tpu.dma_semaphore, #tpu.memory_space<semaphore_mem>> -> memref<1x!tpu.dma_semaphore, #tpu.memory_space<semaphore_mem>>
    %dma_wait3A_1088 = tpu.memref_squeeze %dma_wait3A_1087 : memref<1x!tpu.dma_semaphore, #tpu.memory_space<semaphore_mem>> -> memref<!tpu.dma_semaphore, #tpu.memory_space<semaphore_mem>>
    tpu.wait_indirect_dma semaphore(%dma_wait3A_1088 : memref<!tpu.dma_semaphore, #tpu.memory_space<semaphore_mem>>) src(%dma_wait3A_1086 : memref<1000000x128xf32, #tpu.memory_space<hbm>>) dst(%dma_wait3A_1081 : memref<56x128xf32, #tpu.memory_space<vmem>>)
    %add3A_1089 = arith.constant 25472 : i32
    %add3A_1090 = arith.addi %mul3A_2, %add3A_1089 : i32
    %dma_start3A_1091 = arith.constant 3 : i32
    %dma_start3A_1092 = arith.constant 3 : i32
    %dma_start3A_1093 = arith.constant 0 : i32
    %dma_start3A_1094 = arith.constant 0 : i32
    %dma_start3A_1095 = tpu.memref_slice %arg6[%dma_start3A_1091, %dma_start3A_1093, %dma_start3A_1094] : memref<4x56x128xf32, #tpu.memory_space<vmem>> -> memref<1x56x128xf32, #tpu.memory_space<vmem>>
    %dma_start3A_1096 = tpu.memref_squeeze %dma_start3A_1095 : memref<1x56x128xf32, #tpu.memory_space<vmem>> -> memref<56x128xf32, #tpu.memory_space<vmem>>
    %dma_start3A_1097 = arith.constant 0 : i32
    %dma_start3A_1098 = tpu.memref_slice %arg4[%add3A_1090, %dma_start3A_1097] : memref<819200x128xf32, #tpu.memory_space<hbm>> -> memref<56x128xf32, #tpu.memory_space<hbm>>
    %dma_start3A_1099 = tpu.memref_slice %arg10[%dma_start3A_1092] : memref<4x!tpu.dma_semaphore, #tpu.memory_space<semaphore_mem>> -> memref<1x!tpu.dma_semaphore, #tpu.memory_space<semaphore_mem>>
    %dma_start3A_1100 = tpu.memref_squeeze %dma_start3A_1099 : memref<1x!tpu.dma_semaphore, #tpu.memory_space<semaphore_mem>> -> memref<!tpu.dma_semaphore, #tpu.memory_space<semaphore_mem>>
    %dma_start3A_1101 = arith.constant 0 : i32
    %dma_start3A_1102 = tpu.memref_slice %arg4[%add3A_1090, %dma_start3A_1101] : memref<819200x128xf32, #tpu.memory_space<hbm>> -> memref<56x128xf32, #tpu.memory_space<hbm>>
    %dma_start3A_1103 = arith.constant 0 : i32
    %dma_start3A_1104 = arith.constant 0 : i32
    %dma_start3A_1105 = tpu.memref_slice %arg6[%dma_start3A_1091, %dma_start3A_1103, %dma_start3A_1104] : memref<4x56x128xf32, #tpu.memory_space<vmem>> -> memref<1x56x128xf32, #tpu.memory_space<vmem>>
    %dma_start3A_1106 = tpu.memref_squeeze %dma_start3A_1105 : memref<1x56x128xf32, #tpu.memory_space<vmem>> -> memref<56x128xf32, #tpu.memory_space<vmem>>
    tpu.enqueue_dma source(%dma_start3A_1106 : memref<56x128xf32, #tpu.memory_space<vmem>>) target(%dma_start3A_1102 : memref<56x128xf32, #tpu.memory_space<hbm>>) target_semaphore(%dma_start3A_1100 : memref<!tpu.dma_semaphore, #tpu.memory_space<semaphore_mem>>)
    %dma_wait3A_1107 = arith.constant 3 : i32
    %dma_wait3A_1108 = arith.constant 3 : i32
    %dma_wait3A_1109 = arith.constant 0 : i32
    %dma_wait3A_1110 = arith.constant 0 : i32
    %dma_wait3A_1111 = tpu.memref_slice %arg7[%dma_wait3A_1107, %dma_wait3A_1109, %dma_wait3A_1110] : memref<4x72x128xf32, #tpu.memory_space<vmem>> -> memref<1x72x128xf32, #tpu.memory_space<vmem>>
    %dma_wait3A_1112 = tpu.memref_squeeze %dma_wait3A_1111 : memref<1x72x128xf32, #tpu.memory_space<vmem>> -> memref<72x128xf32, #tpu.memory_space<vmem>>
    %dma_wait3A_1113 = arith.constant 25528 : i32
    %dma_wait3A_1114 = tpu.memref_slice %arg5[%dma_wait3A_1113] : memref<25600xi32, #tpu.memory_space<vmem>> -> memref<72xi32, #tpu.memory_space<vmem>>
    %dma_wait3A_1115 = arith.constant 0 : i32
    %dma_wait3A_1116 = arith.constant 0 : i32
    %dma_wait3A_1117 = tpu.memref_slice %arg3[%dma_wait3A_1115, %dma_wait3A_1116] : memref<1000000x128xf32, #tpu.memory_space<hbm>> -> memref<1000000x128xf32, #tpu.memory_space<hbm>>
    %dma_wait3A_1118 = tpu.memref_slice %arg11[%dma_wait3A_1108] : memref<4x!tpu.dma_semaphore, #tpu.memory_space<semaphore_mem>> -> memref<1x!tpu.dma_semaphore, #tpu.memory_space<semaphore_mem>>
    %dma_wait3A_1119 = tpu.memref_squeeze %dma_wait3A_1118 : memref<1x!tpu.dma_semaphore, #tpu.memory_space<semaphore_mem>> -> memref<!tpu.dma_semaphore, #tpu.memory_space<semaphore_mem>>
    tpu.wait_indirect_dma semaphore(%dma_wait3A_1119 : memref<!tpu.dma_semaphore, #tpu.memory_space<semaphore_mem>>) src(%dma_wait3A_1117 : memref<1000000x128xf32, #tpu.memory_space<hbm>>) dst(%dma_wait3A_1112 : memref<72x128xf32, #tpu.memory_space<vmem>>)
    %mul3A_1120 = arith.constant 4 : i32
    %mul3A_1121 = arith.muli %arg1, %mul3A_1120 : i32
    %add3A_1122 = arith.constant 3 : i32
    %add3A_1123 = arith.addi %mul3A_1121, %add3A_1122 : i32
    %dma_start3A_1124 = arith.constant 3 : i32
    %dma_start3A_1125 = arith.constant 3 : i32
    %dma_start3A_1126 = arith.constant 0 : i32
    %dma_start3A_1127 = arith.constant 0 : i32
    %dma_start3A_1128 = tpu.memref_slice %arg7[%dma_start3A_1124, %dma_start3A_1126, %dma_start3A_1127] : memref<4x72x128xf32, #tpu.memory_space<vmem>> -> memref<1x72x128xf32, #tpu.memory_space<vmem>>
    %dma_start3A_1129 = tpu.memref_squeeze %dma_start3A_1128 : memref<1x72x128xf32, #tpu.memory_space<vmem>> -> memref<72x128xf32, #tpu.memory_space<vmem>>
    %dma_start3A_1130 = arith.constant 0 : i32
    %dma_start3A_1131 = arith.constant 0 : i32
    %dma_start3A_1132 = tpu.memref_slice %arg8[%add3A_1123, %dma_start3A_1130, %dma_start3A_1131] : memref<64x72x128xf32, #tpu.memory_space<vmem_shared>> -> memref<1x72x128xf32, #tpu.memory_space<vmem_shared>>
    %dma_start3A_1133 = tpu.memref_squeeze %dma_start3A_1132 : memref<1x72x128xf32, #tpu.memory_space<vmem_shared>> -> memref<72x128xf32, #tpu.memory_space<vmem_shared>>
    %dma_start3A_1134 = tpu.memref_slice %arg12[%dma_start3A_1125] : memref<4x!tpu.dma_semaphore, #tpu.memory_space<semaphore_mem>> -> memref<1x!tpu.dma_semaphore, #tpu.memory_space<semaphore_mem>>
    %dma_start3A_1135 = tpu.memref_squeeze %dma_start3A_1134 : memref<1x!tpu.dma_semaphore, #tpu.memory_space<semaphore_mem>> -> memref<!tpu.dma_semaphore, #tpu.memory_space<semaphore_mem>>
    %dma_start3A_1136 = arith.constant 0 : i32
    %dma_start3A_1137 = arith.constant 0 : i32
    %dma_start3A_1138 = tpu.memref_slice %arg8[%add3A_1123, %dma_start3A_1136, %dma_start3A_1137] : memref<64x72x128xf32, #tpu.memory_space<vmem_shared>> -> memref<1x72x128xf32, #tpu.memory_space<vmem_shared>>
    %dma_start3A_1139 = tpu.memref_squeeze %dma_start3A_1138 : memref<1x72x128xf32, #tpu.memory_space<vmem_shared>> -> memref<72x128xf32, #tpu.memory_space<vmem_shared>>
    %dma_start3A_1140 = arith.constant 0 : i32
    %dma_start3A_1141 = arith.constant 0 : i32
    %dma_start3A_1142 = tpu.memref_slice %arg7[%dma_start3A_1124, %dma_start3A_1140, %dma_start3A_1141] : memref<4x72x128xf32, #tpu.memory_space<vmem>> -> memref<1x72x128xf32, #tpu.memory_space<vmem>>
    %dma_start3A_1143 = tpu.memref_squeeze %dma_start3A_1142 : memref<1x72x128xf32, #tpu.memory_space<vmem>> -> memref<72x128xf32, #tpu.memory_space<vmem>>
    tpu.enqueue_dma source(%dma_start3A_1143 : memref<72x128xf32, #tpu.memory_space<vmem>>) target(%dma_start3A_1139 : memref<72x128xf32, #tpu.memory_space<vmem_shared>>) target_semaphore(%dma_start3A_1135 : memref<!tpu.dma_semaphore, #tpu.memory_space<semaphore_mem>>)
    %mul3A_1144 = arith.constant 4 : i32
    %mul3A_1145 = arith.muli %arg1, %mul3A_1144 : i32
    %add3A_1146 = arith.constant 2 : i32
    %add3A_1147 = arith.addi %mul3A_1145, %add3A_1146 : i32
    %dma_wait3A_1148 = arith.constant 2 : i32
    %dma_wait3A_1149 = arith.constant 2 : i32
    %dma_wait3A_1150 = arith.constant 0 : i32
    %dma_wait3A_1151 = arith.constant 0 : i32
    %dma_wait3A_1152 = tpu.memref_slice %arg7[%dma_wait3A_1148, %dma_wait3A_1150, %dma_wait3A_1151] : memref<4x72x128xf32, #tpu.memory_space<vmem>> -> memref<1x72x128xf32, #tpu.memory_space<vmem>>
    %dma_wait3A_1153 = tpu.memref_squeeze %dma_wait3A_1152 : memref<1x72x128xf32, #tpu.memory_space<vmem>> -> memref<72x128xf32, #tpu.memory_space<vmem>>
    %dma_wait3A_1154 = arith.constant 0 : i32
    %dma_wait3A_1155 = arith.constant 0 : i32
    %dma_wait3A_1156 = tpu.memref_slice %arg8[%add3A_1147, %dma_wait3A_1154, %dma_wait3A_1155] : memref<64x72x128xf32, #tpu.memory_space<vmem_shared>> -> memref<1x72x128xf32, #tpu.memory_space<vmem_shared>>
    %dma_wait3A_1157 = tpu.memref_squeeze %dma_wait3A_1156 : memref<1x72x128xf32, #tpu.memory_space<vmem_shared>> -> memref<72x128xf32, #tpu.memory_space<vmem_shared>>
    %dma_wait3A_1158 = tpu.memref_slice %arg12[%dma_wait3A_1149] : memref<4x!tpu.dma_semaphore, #tpu.memory_space<semaphore_mem>> -> memref<1x!tpu.dma_semaphore, #tpu.memory_space<semaphore_mem>>
    %dma_wait3A_1159 = tpu.memref_squeeze %dma_wait3A_1158 : memref<1x!tpu.dma_semaphore, #tpu.memory_space<semaphore_mem>> -> memref<!tpu.dma_semaphore, #tpu.memory_space<semaphore_mem>>
    %dma_wait3A_1160 = arith.constant 0 : i32
    %dma_wait3A_1161 = arith.constant 0 : i32
    %dma_wait3A_1162 = tpu.memref_slice %arg8[%add3A_1147, %dma_wait3A_1160, %dma_wait3A_1161] : memref<64x72x128xf32, #tpu.memory_space<vmem_shared>> -> memref<1x72x128xf32, #tpu.memory_space<vmem_shared>>
    %dma_wait3A_1163 = tpu.memref_squeeze %dma_wait3A_1162 : memref<1x72x128xf32, #tpu.memory_space<vmem_shared>> -> memref<72x128xf32, #tpu.memory_space<vmem_shared>>
    %dma_wait3A_1164 = arith.constant 0 : i32
    %dma_wait3A_1165 = arith.constant 0 : i32
    %dma_wait3A_1166 = tpu.memref_slice %arg7[%dma_wait3A_1148, %dma_wait3A_1164, %dma_wait3A_1165] : memref<4x72x128xf32, #tpu.memory_space<vmem>> -> memref<1x72x128xf32, #tpu.memory_space<vmem>>
    %dma_wait3A_1167 = tpu.memref_squeeze %dma_wait3A_1166 : memref<1x72x128xf32, #tpu.memory_space<vmem>> -> memref<72x128xf32, #tpu.memory_space<vmem>>
    tpu.wait_dma2 semaphore(%dma_wait3A_1159 : memref<!tpu.dma_semaphore, #tpu.memory_space<semaphore_mem>>) src(%dma_wait3A_1167 : memref<72x128xf32, #tpu.memory_space<vmem>>) dst(%dma_wait3A_1163 : memref<72x128xf32, #tpu.memory_space<vmem_shared>>)
    %mul3A_1168 = arith.constant 4 : i32
    %mul3A_1169 = arith.muli %arg1, %mul3A_1168 : i32
    %add3A_1170 = arith.constant 2 : i32
    %add3A_1171 = arith.addi %mul3A_1169, %add3A_1170 : i32
    %add3A_1172 = arith.constant 25344 : i32
    %add3A_1173 = arith.addi %mul3A_2, %add3A_1172 : i32
    %add3A_1174 = arith.constant 56 : i32
    %add3A_1175 = arith.addi %add3A_1173, %add3A_1174 : i32
    %dma_start3A_1176 = arith.constant 2 : i32
    %dma_start3A_1177 = tpu.memref_slice %arg13[%dma_start3A_1176] : memref<4x!tpu.dma_semaphore, #tpu.memory_space<semaphore_mem>> -> memref<1x!tpu.dma_semaphore, #tpu.memory_space<semaphore_mem>>
    %dma_start3A_1178 = tpu.memref_squeeze %dma_start3A_1177 : memref<1x!tpu.dma_semaphore, #tpu.memory_space<semaphore_mem>> -> memref<!tpu.dma_semaphore, #tpu.memory_space<semaphore_mem>>
    %dma_start3A_1179 = arith.constant 0 : i32
    %dma_start3A_1180 = tpu.memref_slice %arg4[%add3A_1175, %dma_start3A_1179] : memref<819200x128xf32, #tpu.memory_space<hbm>> -> memref<72x128xf32, #tpu.memory_space<hbm>>
    %dma_start3A_1181 = arith.constant 0 : i32
    %dma_start3A_1182 = arith.constant 0 : i32
    %dma_start3A_1183 = tpu.memref_slice %arg8[%add3A_1171, %dma_start3A_1181, %dma_start3A_1182] : memref<64x72x128xf32, #tpu.memory_space<vmem_shared>> -> memref<1x72x128xf32, #tpu.memory_space<vmem_shared>>
    %dma_start3A_1184 = tpu.memref_squeeze %dma_start3A_1183 : memref<1x72x128xf32, #tpu.memory_space<vmem_shared>> -> memref<72x128xf32, #tpu.memory_space<vmem_shared>>
    tpu.enqueue_dma source(%dma_start3A_1184 : memref<72x128xf32, #tpu.memory_space<vmem_shared>>) target(%dma_start3A_1180 : memref<72x128xf32, #tpu.memory_space<hbm>>) target_semaphore(%dma_start3A_1178 : memref<!tpu.dma_semaphore, #tpu.memory_space<semaphore_mem>>)
    %mul3A_1185 = arith.constant 4 : i32
    %mul3A_1186 = arith.muli %arg1, %mul3A_1185 : i32
    %add3A_1187 = arith.constant 3 : i32
    %add3A_1188 = arith.addi %mul3A_1186, %add3A_1187 : i32
    %dma_wait3A_1189 = arith.constant 3 : i32
    %dma_wait3A_1190 = arith.constant 3 : i32
    %dma_wait3A_1191 = arith.constant 0 : i32
    %dma_wait3A_1192 = arith.constant 0 : i32
    %dma_wait3A_1193 = tpu.memref_slice %arg7[%dma_wait3A_1189, %dma_wait3A_1191, %dma_wait3A_1192] : memref<4x72x128xf32, #tpu.memory_space<vmem>> -> memref<1x72x128xf32, #tpu.memory_space<vmem>>
    %dma_wait3A_1194 = tpu.memref_squeeze %dma_wait3A_1193 : memref<1x72x128xf32, #tpu.memory_space<vmem>> -> memref<72x128xf32, #tpu.memory_space<vmem>>
    %dma_wait3A_1195 = arith.constant 0 : i32
    %dma_wait3A_1196 = arith.constant 0 : i32
    %dma_wait3A_1197 = tpu.memref_slice %arg8[%add3A_1188, %dma_wait3A_1195, %dma_wait3A_1196] : memref<64x72x128xf32, #tpu.memory_space<vmem_shared>> -> memref<1x72x128xf32, #tpu.memory_space<vmem_shared>>
    %dma_wait3A_1198 = tpu.memref_squeeze %dma_wait3A_1197 : memref<1x72x128xf32, #tpu.memory_space<vmem_shared>> -> memref<72x128xf32, #tpu.memory_space<vmem_shared>>
    %dma_wait3A_1199 = tpu.memref_slice %arg12[%dma_wait3A_1190] : memref<4x!tpu.dma_semaphore, #tpu.memory_space<semaphore_mem>> -> memref<1x!tpu.dma_semaphore, #tpu.memory_space<semaphore_mem>>
    %dma_wait3A_1200 = tpu.memref_squeeze %dma_wait3A_1199 : memref<1x!tpu.dma_semaphore, #tpu.memory_space<semaphore_mem>> -> memref<!tpu.dma_semaphore, #tpu.memory_space<semaphore_mem>>
    %dma_wait3A_1201 = arith.constant 0 : i32
    %dma_wait3A_1202 = arith.constant 0 : i32
    %dma_wait3A_1203 = tpu.memref_slice %arg8[%add3A_1188, %dma_wait3A_1201, %dma_wait3A_1202] : memref<64x72x128xf32, #tpu.memory_space<vmem_shared>> -> memref<1x72x128xf32, #tpu.memory_space<vmem_shared>>
    %dma_wait3A_1204 = tpu.memref_squeeze %dma_wait3A_1203 : memref<1x72x128xf32, #tpu.memory_space<vmem_shared>> -> memref<72x128xf32, #tpu.memory_space<vmem_shared>>
    %dma_wait3A_1205 = arith.constant 0 : i32
    %dma_wait3A_1206 = arith.constant 0 : i32
    %dma_wait3A_1207 = tpu.memref_slice %arg7[%dma_wait3A_1189, %dma_wait3A_1205, %dma_wait3A_1206] : memref<4x72x128xf32, #tpu.memory_space<vmem>> -> memref<1x72x128xf32, #tpu.memory_space<vmem>>
    %dma_wait3A_1208 = tpu.memref_squeeze %dma_wait3A_1207 : memref<1x72x128xf32, #tpu.memory_space<vmem>> -> memref<72x128xf32, #tpu.memory_space<vmem>>
    tpu.wait_dma2 semaphore(%dma_wait3A_1200 : memref<!tpu.dma_semaphore, #tpu.memory_space<semaphore_mem>>) src(%dma_wait3A_1208 : memref<72x128xf32, #tpu.memory_space<vmem>>) dst(%dma_wait3A_1204 : memref<72x128xf32, #tpu.memory_space<vmem_shared>>)
    %mul3A_1209 = arith.constant 4 : i32
    %mul3A_1210 = arith.muli %arg1, %mul3A_1209 : i32
    %add3A_1211 = arith.constant 3 : i32
    %add3A_1212 = arith.addi %mul3A_1210, %add3A_1211 : i32
    %add3A_1213 = arith.constant 25472 : i32
    %add3A_1214 = arith.addi %mul3A_2, %add3A_1213 : i32
    %add3A_1215 = arith.constant 56 : i32
    %add3A_1216 = arith.addi %add3A_1214, %add3A_1215 : i32
    %dma_start3A_1217 = arith.constant 3 : i32
    %dma_start3A_1218 = tpu.memref_slice %arg13[%dma_start3A_1217] : memref<4x!tpu.dma_semaphore, #tpu.memory_space<semaphore_mem>> -> memref<1x!tpu.dma_semaphore, #tpu.memory_space<semaphore_mem>>
    %dma_start3A_1219 = tpu.memref_squeeze %dma_start3A_1218 : memref<1x!tpu.dma_semaphore, #tpu.memory_space<semaphore_mem>> -> memref<!tpu.dma_semaphore, #tpu.memory_space<semaphore_mem>>
    %dma_start3A_1220 = arith.constant 0 : i32
    %dma_start3A_1221 = tpu.memref_slice %arg4[%add3A_1216, %dma_start3A_1220] : memref<819200x128xf32, #tpu.memory_space<hbm>> -> memref<72x128xf32, #tpu.memory_space<hbm>>
    %dma_start3A_1222 = arith.constant 0 : i32
    %dma_start3A_1223 = arith.constant 0 : i32
    %dma_start3A_1224 = tpu.memref_slice %arg8[%add3A_1212, %dma_start3A_1222, %dma_start3A_1223] : memref<64x72x128xf32, #tpu.memory_space<vmem_shared>> -> memref<1x72x128xf32, #tpu.memory_space<vmem_shared>>
    %dma_start3A_1225 = tpu.memref_squeeze %dma_start3A_1224 : memref<1x72x128xf32, #tpu.memory_space<vmem_shared>> -> memref<72x128xf32, #tpu.memory_space<vmem_shared>>
    tpu.enqueue_dma source(%dma_start3A_1225 : memref<72x128xf32, #tpu.memory_space<vmem_shared>>) target(%dma_start3A_1221 : memref<72x128xf32, #tpu.memory_space<hbm>>) target_semaphore(%dma_start3A_1219 : memref<!tpu.dma_semaphore, #tpu.memory_space<semaphore_mem>>)
    %add3A_1226 = arith.constant 25088 : i32
    %add3A_1227 = arith.addi %mul3A_2, %add3A_1226 : i32
    %dma_wait3A_1228 = arith.constant 0 : i32
    %dma_wait3A_1229 = arith.constant 0 : i32
    %dma_wait3A_1230 = arith.constant 0 : i32
    %dma_wait3A_1231 = arith.constant 0 : i32
    %dma_wait3A_1232 = tpu.memref_slice %arg6[%dma_wait3A_1228, %dma_wait3A_1230, %dma_wait3A_1231] : memref<4x56x128xf32, #tpu.memory_space<vmem>> -> memref<1x56x128xf32, #tpu.memory_space<vmem>>
    %dma_wait3A_1233 = tpu.memref_squeeze %dma_wait3A_1232 : memref<1x56x128xf32, #tpu.memory_space<vmem>> -> memref<56x128xf32, #tpu.memory_space<vmem>>
    %dma_wait3A_1234 = arith.constant 0 : i32
    %dma_wait3A_1235 = tpu.memref_slice %arg4[%add3A_1227, %dma_wait3A_1234] : memref<819200x128xf32, #tpu.memory_space<hbm>> -> memref<56x128xf32, #tpu.memory_space<hbm>>
    %dma_wait3A_1236 = tpu.memref_slice %arg10[%dma_wait3A_1229] : memref<4x!tpu.dma_semaphore, #tpu.memory_space<semaphore_mem>> -> memref<1x!tpu.dma_semaphore, #tpu.memory_space<semaphore_mem>>
    %dma_wait3A_1237 = tpu.memref_squeeze %dma_wait3A_1236 : memref<1x!tpu.dma_semaphore, #tpu.memory_space<semaphore_mem>> -> memref<!tpu.dma_semaphore, #tpu.memory_space<semaphore_mem>>
    %dma_wait3A_1238 = arith.constant 0 : i32
    %dma_wait3A_1239 = tpu.memref_slice %arg4[%add3A_1227, %dma_wait3A_1238] : memref<819200x128xf32, #tpu.memory_space<hbm>> -> memref<56x128xf32, #tpu.memory_space<hbm>>
    %dma_wait3A_1240 = arith.constant 0 : i32
    %dma_wait3A_1241 = arith.constant 0 : i32
    %dma_wait3A_1242 = tpu.memref_slice %arg6[%dma_wait3A_1228, %dma_wait3A_1240, %dma_wait3A_1241] : memref<4x56x128xf32, #tpu.memory_space<vmem>> -> memref<1x56x128xf32, #tpu.memory_space<vmem>>
    %dma_wait3A_1243 = tpu.memref_squeeze %dma_wait3A_1242 : memref<1x56x128xf32, #tpu.memory_space<vmem>> -> memref<56x128xf32, #tpu.memory_space<vmem>>
    tpu.wait_dma2 semaphore(%dma_wait3A_1237 : memref<!tpu.dma_semaphore, #tpu.memory_space<semaphore_mem>>) src(%dma_wait3A_1243 : memref<56x128xf32, #tpu.memory_space<vmem>>) dst(%dma_wait3A_1239 : memref<56x128xf32, #tpu.memory_space<hbm>>)
    %mul3A_1244 = arith.constant 4 : i32
    %mul3A_1245 = arith.muli %arg1, %mul3A_1244 : i32
    %add3A_1246 = arith.constant 0 : i32
    %add3A_1247 = arith.addi %mul3A_1245, %add3A_1246 : i32
    %add3A_1248 = arith.constant 25088 : i32
    %add3A_1249 = arith.addi %mul3A_2, %add3A_1248 : i32
    %add3A_1250 = arith.constant 56 : i32
    %add3A_1251 = arith.addi %add3A_1249, %add3A_1250 : i32
    %dma_wait3A_1252 = arith.constant 0 : i32
    %dma_wait3A_1253 = tpu.memref_slice %arg13[%dma_wait3A_1252] : memref<4x!tpu.dma_semaphore, #tpu.memory_space<semaphore_mem>> -> memref<1x!tpu.dma_semaphore, #tpu.memory_space<semaphore_mem>>
    %dma_wait3A_1254 = tpu.memref_squeeze %dma_wait3A_1253 : memref<1x!tpu.dma_semaphore, #tpu.memory_space<semaphore_mem>> -> memref<!tpu.dma_semaphore, #tpu.memory_space<semaphore_mem>>
    %dma_wait3A_1255 = arith.constant 0 : i32
    %dma_wait3A_1256 = tpu.memref_slice %arg4[%add3A_1251, %dma_wait3A_1255] : memref<819200x128xf32, #tpu.memory_space<hbm>> -> memref<72x128xf32, #tpu.memory_space<hbm>>
    %dma_wait3A_1257 = arith.constant 0 : i32
    %dma_wait3A_1258 = arith.constant 0 : i32
    %dma_wait3A_1259 = tpu.memref_slice %arg8[%add3A_1247, %dma_wait3A_1257, %dma_wait3A_1258] : memref<64x72x128xf32, #tpu.memory_space<vmem_shared>> -> memref<1x72x128xf32, #tpu.memory_space<vmem_shared>>
    %dma_wait3A_1260 = tpu.memref_squeeze %dma_wait3A_1259 : memref<1x72x128xf32, #tpu.memory_space<vmem_shared>> -> memref<72x128xf32, #tpu.memory_space<vmem_shared>>
    tpu.wait_dma2 semaphore(%dma_wait3A_1254 : memref<!tpu.dma_semaphore, #tpu.memory_space<semaphore_mem>>) src(%dma_wait3A_1260 : memref<72x128xf32, #tpu.memory_space<vmem_shared>>) dst(%dma_wait3A_1256 : memref<72x128xf32, #tpu.memory_space<hbm>>)
    %add3A_1261 = arith.constant 25216 : i32
    %add3A_1262 = arith.addi %mul3A_2, %add3A_1261 : i32
    %dma_wait3A_1263 = arith.constant 1 : i32
    %dma_wait3A_1264 = arith.constant 1 : i32
    %dma_wait3A_1265 = arith.constant 0 : i32
    %dma_wait3A_1266 = arith.constant 0 : i32
    %dma_wait3A_1267 = tpu.memref_slice %arg6[%dma_wait3A_1263, %dma_wait3A_1265, %dma_wait3A_1266] : memref<4x56x128xf32, #tpu.memory_space<vmem>> -> memref<1x56x128xf32, #tpu.memory_space<vmem>>
    %dma_wait3A_1268 = tpu.memref_squeeze %dma_wait3A_1267 : memref<1x56x128xf32, #tpu.memory_space<vmem>> -> memref<56x128xf32, #tpu.memory_space<vmem>>
    %dma_wait3A_1269 = arith.constant 0 : i32
    %dma_wait3A_1270 = tpu.memref_slice %arg4[%add3A_1262, %dma_wait3A_1269] : memref<819200x128xf32, #tpu.memory_space<hbm>> -> memref<56x128xf32, #tpu.memory_space<hbm>>
    %dma_wait3A_1271 = tpu.memref_slice %arg10[%dma_wait3A_1264] : memref<4x!tpu.dma_semaphore, #tpu.memory_space<semaphore_mem>> -> memref<1x!tpu.dma_semaphore, #tpu.memory_space<semaphore_mem>>
    %dma_wait3A_1272 = tpu.memref_squeeze %dma_wait3A_1271 : memref<1x!tpu.dma_semaphore, #tpu.memory_space<semaphore_mem>> -> memref<!tpu.dma_semaphore, #tpu.memory_space<semaphore_mem>>
    %dma_wait3A_1273 = arith.constant 0 : i32
    %dma_wait3A_1274 = tpu.memref_slice %arg4[%add3A_1262, %dma_wait3A_1273] : memref<819200x128xf32, #tpu.memory_space<hbm>> -> memref<56x128xf32, #tpu.memory_space<hbm>>
    %dma_wait3A_1275 = arith.constant 0 : i32
    %dma_wait3A_1276 = arith.constant 0 : i32
    %dma_wait3A_1277 = tpu.memref_slice %arg6[%dma_wait3A_1263, %dma_wait3A_1275, %dma_wait3A_1276] : memref<4x56x128xf32, #tpu.memory_space<vmem>> -> memref<1x56x128xf32, #tpu.memory_space<vmem>>
    %dma_wait3A_1278 = tpu.memref_squeeze %dma_wait3A_1277 : memref<1x56x128xf32, #tpu.memory_space<vmem>> -> memref<56x128xf32, #tpu.memory_space<vmem>>
    tpu.wait_dma2 semaphore(%dma_wait3A_1272 : memref<!tpu.dma_semaphore, #tpu.memory_space<semaphore_mem>>) src(%dma_wait3A_1278 : memref<56x128xf32, #tpu.memory_space<vmem>>) dst(%dma_wait3A_1274 : memref<56x128xf32, #tpu.memory_space<hbm>>)
    %mul3A_1279 = arith.constant 4 : i32
    %mul3A_1280 = arith.muli %arg1, %mul3A_1279 : i32
    %add3A_1281 = arith.constant 1 : i32
    %add3A_1282 = arith.addi %mul3A_1280, %add3A_1281 : i32
    %add3A_1283 = arith.constant 25216 : i32
    %add3A_1284 = arith.addi %mul3A_2, %add3A_1283 : i32
    %add3A_1285 = arith.constant 56 : i32
    %add3A_1286 = arith.addi %add3A_1284, %add3A_1285 : i32
    %dma_wait3A_1287 = arith.constant 1 : i32
    %dma_wait3A_1288 = tpu.memref_slice %arg13[%dma_wait3A_1287] : memref<4x!tpu.dma_semaphore, #tpu.memory_space<semaphore_mem>> -> memref<1x!tpu.dma_semaphore, #tpu.memory_space<semaphore_mem>>
    %dma_wait3A_1289 = tpu.memref_squeeze %dma_wait3A_1288 : memref<1x!tpu.dma_semaphore, #tpu.memory_space<semaphore_mem>> -> memref<!tpu.dma_semaphore, #tpu.memory_space<semaphore_mem>>
    %dma_wait3A_1290 = arith.constant 0 : i32
    %dma_wait3A_1291 = tpu.memref_slice %arg4[%add3A_1286, %dma_wait3A_1290] : memref<819200x128xf32, #tpu.memory_space<hbm>> -> memref<72x128xf32, #tpu.memory_space<hbm>>
    %dma_wait3A_1292 = arith.constant 0 : i32
    %dma_wait3A_1293 = arith.constant 0 : i32
    %dma_wait3A_1294 = tpu.memref_slice %arg8[%add3A_1282, %dma_wait3A_1292, %dma_wait3A_1293] : memref<64x72x128xf32, #tpu.memory_space<vmem_shared>> -> memref<1x72x128xf32, #tpu.memory_space<vmem_shared>>
    %dma_wait3A_1295 = tpu.memref_squeeze %dma_wait3A_1294 : memref<1x72x128xf32, #tpu.memory_space<vmem_shared>> -> memref<72x128xf32, #tpu.memory_space<vmem_shared>>
    tpu.wait_dma2 semaphore(%dma_wait3A_1289 : memref<!tpu.dma_semaphore, #tpu.memory_space<semaphore_mem>>) src(%dma_wait3A_1295 : memref<72x128xf32, #tpu.memory_space<vmem_shared>>) dst(%dma_wait3A_1291 : memref<72x128xf32, #tpu.memory_space<hbm>>)
    %add3A_1296 = arith.constant 25344 : i32
    %add3A_1297 = arith.addi %mul3A_2, %add3A_1296 : i32
    %dma_wait3A_1298 = arith.constant 2 : i32
    %dma_wait3A_1299 = arith.constant 2 : i32
    %dma_wait3A_1300 = arith.constant 0 : i32
    %dma_wait3A_1301 = arith.constant 0 : i32
    %dma_wait3A_1302 = tpu.memref_slice %arg6[%dma_wait3A_1298, %dma_wait3A_1300, %dma_wait3A_1301] : memref<4x56x128xf32, #tpu.memory_space<vmem>> -> memref<1x56x128xf32, #tpu.memory_space<vmem>>
    %dma_wait3A_1303 = tpu.memref_squeeze %dma_wait3A_1302 : memref<1x56x128xf32, #tpu.memory_space<vmem>> -> memref<56x128xf32, #tpu.memory_space<vmem>>
    %dma_wait3A_1304 = arith.constant 0 : i32
    %dma_wait3A_1305 = tpu.memref_slice %arg4[%add3A_1297, %dma_wait3A_1304] : memref<819200x128xf32, #tpu.memory_space<hbm>> -> memref<56x128xf32, #tpu.memory_space<hbm>>
    %dma_wait3A_1306 = tpu.memref_slice %arg10[%dma_wait3A_1299] : memref<4x!tpu.dma_semaphore, #tpu.memory_space<semaphore_mem>> -> memref<1x!tpu.dma_semaphore, #tpu.memory_space<semaphore_mem>>
    %dma_wait3A_1307 = tpu.memref_squeeze %dma_wait3A_1306 : memref<1x!tpu.dma_semaphore, #tpu.memory_space<semaphore_mem>> -> memref<!tpu.dma_semaphore, #tpu.memory_space<semaphore_mem>>
    %dma_wait3A_1308 = arith.constant 0 : i32
    %dma_wait3A_1309 = tpu.memref_slice %arg4[%add3A_1297, %dma_wait3A_1308] : memref<819200x128xf32, #tpu.memory_space<hbm>> -> memref<56x128xf32, #tpu.memory_space<hbm>>
    %dma_wait3A_1310 = arith.constant 0 : i32
    %dma_wait3A_1311 = arith.constant 0 : i32
    %dma_wait3A_1312 = tpu.memref_slice %arg6[%dma_wait3A_1298, %dma_wait3A_1310, %dma_wait3A_1311] : memref<4x56x128xf32, #tpu.memory_space<vmem>> -> memref<1x56x128xf32, #tpu.memory_space<vmem>>
    %dma_wait3A_1313 = tpu.memref_squeeze %dma_wait3A_1312 : memref<1x56x128xf32, #tpu.memory_space<vmem>> -> memref<56x128xf32, #tpu.memory_space<vmem>>
    tpu.wait_dma2 semaphore(%dma_wait3A_1307 : memref<!tpu.dma_semaphore, #tpu.memory_space<semaphore_mem>>) src(%dma_wait3A_1313 : memref<56x128xf32, #tpu.memory_space<vmem>>) dst(%dma_wait3A_1309 : memref<56x128xf32, #tpu.memory_space<hbm>>)
    %mul3A_1314 = arith.constant 4 : i32
    %mul3A_1315 = arith.muli %arg1, %mul3A_1314 : i32
    %add3A_1316 = arith.constant 2 : i32
    %add3A_1317 = arith.addi %mul3A_1315, %add3A_1316 : i32
    %add3A_1318 = arith.constant 25344 : i32
    %add3A_1319 = arith.addi %mul3A_2, %add3A_1318 : i32
    %add3A_1320 = arith.constant 56 : i32
    %add3A_1321 = arith.addi %add3A_1319, %add3A_1320 : i32
    %dma_wait3A_1322 = arith.constant 2 : i32
    %dma_wait3A_1323 = tpu.memref_slice %arg13[%dma_wait3A_1322] : memref<4x!tpu.dma_semaphore, #tpu.memory_space<semaphore_mem>> -> memref<1x!tpu.dma_semaphore, #tpu.memory_space<semaphore_mem>>
    %dma_wait3A_1324 = tpu.memref_squeeze %dma_wait3A_1323 : memref<1x!tpu.dma_semaphore, #tpu.memory_space<semaphore_mem>> -> memref<!tpu.dma_semaphore, #tpu.memory_space<semaphore_mem>>
    %dma_wait3A_1325 = arith.constant 0 : i32
    %dma_wait3A_1326 = tpu.memref_slice %arg4[%add3A_1321, %dma_wait3A_1325] : memref<819200x128xf32, #tpu.memory_space<hbm>> -> memref<72x128xf32, #tpu.memory_space<hbm>>
    %dma_wait3A_1327 = arith.constant 0 : i32
    %dma_wait3A_1328 = arith.constant 0 : i32
    %dma_wait3A_1329 = tpu.memref_slice %arg8[%add3A_1317, %dma_wait3A_1327, %dma_wait3A_1328] : memref<64x72x128xf32, #tpu.memory_space<vmem_shared>> -> memref<1x72x128xf32, #tpu.memory_space<vmem_shared>>
    %dma_wait3A_1330 = tpu.memref_squeeze %dma_wait3A_1329 : memref<1x72x128xf32, #tpu.memory_space<vmem_shared>> -> memref<72x128xf32, #tpu.memory_space<vmem_shared>>
    tpu.wait_dma2 semaphore(%dma_wait3A_1324 : memref<!tpu.dma_semaphore, #tpu.memory_space<semaphore_mem>>) src(%dma_wait3A_1330 : memref<72x128xf32, #tpu.memory_space<vmem_shared>>) dst(%dma_wait3A_1326 : memref<72x128xf32, #tpu.memory_space<hbm>>)
    %add3A_1331 = arith.constant 25472 : i32
    %add3A_1332 = arith.addi %mul3A_2, %add3A_1331 : i32
    %dma_wait3A_1333 = arith.constant 3 : i32
    %dma_wait3A_1334 = arith.constant 3 : i32
    %dma_wait3A_1335 = arith.constant 0 : i32
    %dma_wait3A_1336 = arith.constant 0 : i32
    %dma_wait3A_1337 = tpu.memref_slice %arg6[%dma_wait3A_1333, %dma_wait3A_1335, %dma_wait3A_1336] : memref<4x56x128xf32, #tpu.memory_space<vmem>> -> memref<1x56x128xf32, #tpu.memory_space<vmem>>
    %dma_wait3A_1338 = tpu.memref_squeeze %dma_wait3A_1337 : memref<1x56x128xf32, #tpu.memory_space<vmem>> -> memref<56x128xf32, #tpu.memory_space<vmem>>
    %dma_wait3A_1339 = arith.constant 0 : i32
    %dma_wait3A_1340 = tpu.memref_slice %arg4[%add3A_1332, %dma_wait3A_1339] : memref<819200x128xf32, #tpu.memory_space<hbm>> -> memref<56x128xf32, #tpu.memory_space<hbm>>
    %dma_wait3A_1341 = tpu.memref_slice %arg10[%dma_wait3A_1334] : memref<4x!tpu.dma_semaphore, #tpu.memory_space<semaphore_mem>> -> memref<1x!tpu.dma_semaphore, #tpu.memory_space<semaphore_mem>>
    %dma_wait3A_1342 = tpu.memref_squeeze %dma_wait3A_1341 : memref<1x!tpu.dma_semaphore, #tpu.memory_space<semaphore_mem>> -> memref<!tpu.dma_semaphore, #tpu.memory_space<semaphore_mem>>
    %dma_wait3A_1343 = arith.constant 0 : i32
    %dma_wait3A_1344 = tpu.memref_slice %arg4[%add3A_1332, %dma_wait3A_1343] : memref<819200x128xf32, #tpu.memory_space<hbm>> -> memref<56x128xf32, #tpu.memory_space<hbm>>
    %dma_wait3A_1345 = arith.constant 0 : i32
    %dma_wait3A_1346 = arith.constant 0 : i32
    %dma_wait3A_1347 = tpu.memref_slice %arg6[%dma_wait3A_1333, %dma_wait3A_1345, %dma_wait3A_1346] : memref<4x56x128xf32, #tpu.memory_space<vmem>> -> memref<1x56x128xf32, #tpu.memory_space<vmem>>
    %dma_wait3A_1348 = tpu.memref_squeeze %dma_wait3A_1347 : memref<1x56x128xf32, #tpu.memory_space<vmem>> -> memref<56x128xf32, #tpu.memory_space<vmem>>
    tpu.wait_dma2 semaphore(%dma_wait3A_1342 : memref<!tpu.dma_semaphore, #tpu.memory_space<semaphore_mem>>) src(%dma_wait3A_1348 : memref<56x128xf32, #tpu.memory_space<vmem>>) dst(%dma_wait3A_1344 : memref<56x128xf32, #tpu.memory_space<hbm>>)
    %mul3A_1349 = arith.constant 4 : i32
    %mul3A_1350 = arith.muli %arg1, %mul3A_1349 : i32
    %add3A_1351 = arith.constant 3 : i32
    %add3A_1352 = arith.addi %mul3A_1350, %add3A_1351 : i32
    %add3A_1353 = arith.constant 25472 : i32
    %add3A_1354 = arith.addi %mul3A_2, %add3A_1353 : i32
    %add3A_1355 = arith.constant 56 : i32
    %add3A_1356 = arith.addi %add3A_1354, %add3A_1355 : i32
    %dma_wait3A_1357 = arith.constant 3 : i32
    %dma_wait3A_1358 = tpu.memref_slice %arg13[%dma_wait3A_1357] : memref<4x!tpu.dma_semaphore, #tpu.memory_space<semaphore_mem>> -> memref<1x!tpu.dma_semaphore, #tpu.memory_space<semaphore_mem>>
    %dma_wait3A_1359 = tpu.memref_squeeze %dma_wait3A_1358 : memref<1x!tpu.dma_semaphore, #tpu.memory_space<semaphore_mem>> -> memref<!tpu.dma_semaphore, #tpu.memory_space<semaphore_mem>>
    %dma_wait3A_1360 = arith.constant 0 : i32
    %dma_wait3A_1361 = tpu.memref_slice %arg4[%add3A_1356, %dma_wait3A_1360] : memref<819200x128xf32, #tpu.memory_space<hbm>> -> memref<72x128xf32, #tpu.memory_space<hbm>>
    %dma_wait3A_1362 = arith.constant 0 : i32
    %dma_wait3A_1363 = arith.constant 0 : i32
    %dma_wait3A_1364 = tpu.memref_slice %arg8[%add3A_1352, %dma_wait3A_1362, %dma_wait3A_1363] : memref<64x72x128xf32, #tpu.memory_space<vmem_shared>> -> memref<1x72x128xf32, #tpu.memory_space<vmem_shared>>
    %dma_wait3A_1365 = tpu.memref_squeeze %dma_wait3A_1364 : memref<1x72x128xf32, #tpu.memory_space<vmem_shared>> -> memref<72x128xf32, #tpu.memory_space<vmem_shared>>
    tpu.wait_dma2 semaphore(%dma_wait3A_1359 : memref<!tpu.dma_semaphore, #tpu.memory_space<semaphore_mem>>) src(%dma_wait3A_1365 : memref<72x128xf32, #tpu.memory_space<vmem_shared>>) dst(%dma_wait3A_1361 : memref<72x128xf32, #tpu.memory_space<hbm>>)
    return
  }
}

</mosaic_0001>

<sc_bundles>
// kernel: _gather_rows.3.cloned.1.call-start
scs
__scs_entry_jumppad:
0x0: {  	(pc) =	sbr.rel $0x88, $3  }
0x1: {  	(tag) =	ssettag $0x0;
	lr =	simm.s32 $0x1  }
0x2: {  	[smem:$0x3F9F] =	sst lr;
	_ =	strace $0xD0000000  }
0x3: {  	_ = 	snop  }
0x4: {  	_ = 	snop  }
0x5: {  	_ = 	snop  }
0x6: {  	_ = 	snop  }
0x7: {  	_ = 	snop  }
__scs_overlays_trampoline_lowered:
0x8: {  	[smem:$0x3FAE] =	sst s0  }
0x9: {  	[smem:$0x3FAF] =	sst s1  }
0xa: {  	[smem:$0x3FB0] =	sst s2  }
0xb: {  	[smem:$0x3FB1] =	sst s3  }
0xc: {  	[smem:$0x3FB2] =	sst s4  }
0xd: {  	[smem:$0x3FB3] =	sst s5  }
0xe: {  	[smem:$0x3FB4] =	sst s6  }
0xf: {  	[smem:$0x3FB5] =	sst s7  }
0x10: {  	[smem:$0x3FB6] =	sst s8  }
0x11: {  	[smem:$0x3FB7] =	sst s9;
	s0 =	simm.s32 @!p0 $0x0  }
0x12: {  	s1 =	sld [smem:$0x3F9D];
	s0 =	simm.s32 @p0 $0x1  }
0x13: {  	[smem:$0x3FB8] =	sst s0;
	s0 =	simm.s32 @!p1 $0x0  }
0x14: {  	s2 =	sld [smem:$0x3F9C];
	s0 =	simm.s32 @p1 $0x1  }
0x15: {  	[smem:$0x3FB9] =	sst s0;
	s0 =	simm.s32 @!p2 $0x0  }
0x16: {  	s3 =	sld [smem:$0x3FDB];
	s0 =	simm.s32 @p2 $0x1  }
0x17: {  	s4 =	simm.s32 $0x1BF5;
	[smem:$0x3FBB] =	sst s0  }
0x18: {  	s0 =	sld [smem:$0x3F9E];
	_ =	swait.ge [sflag:s4], $0x0  }
0x19: {  	s7 =	sld [smem:$0x3F9F]  }
0x1a: {  	s8 =	sadd.s32 $0xFFFFE003, lr  }
0x1b: {  	s9 =	sadd.s32 $0xFFFFFEF7, lr;
	s5 =	simm.s32 $0xFFFFFFFF;
	p2 =	slt.u32 s8, $0xFFFFF086  }
0x1c: {  	p1 =	slt.u32 s9, $0xF7A;
	s5 =	simm.s32 @!p2 $0x0  }
0x1d: {  	s5 =	simm.s32 @p1 $0x1;
	p0 =	seq.s32 s7, s2  }
0x1e: {  	s7 =	smul.u32 @!p0 $0xF7A, s2;
	p2 =	seq.s32 @!p0 s5, $0x0  }
0x1f: {  	s9 =	smul.u32 $0xF7A, s1;
	s8 =	simm.s32 @!p0 $0x1BF5;
	p2 =	por !p2, p0  }
0x20: {  	[sflag:s8] =	ssyncset.s32 @!p0 $0xFFFFF086;
	s6 =	sadd.s32 @!p0 s3, s7;
	s7 =	simm.s32 @!p0 $0x108  }
0x21: {  	s3 =	sadd.s32 s3, s9;
	s6 =	sadd.s32 @!p0 $0x88, s6;
	s7 =	simm.s32 @p2 $0x1082  }
0x22: {  	[simem:s7], [sflag:s8] =	dma.local @!p0 [hbm:s6], $0xF7A  }
0x23: {  	s9 =	sor.u32 $0xD0000000, s2;
	s6 =	simm.s32 $0x108;
	_ =	swait.ge @!p0 [sflag:s8], $0x0  }
0x24: {  	s3 =	sadd.s32 $0x88, s3;
	s6 =	simm.s32 @!p1 $0x1082;
	[sflag:s4] =	ssyncset.s32 $0xFFFFF086  }
0x25: {  	[simem:s6], [sflag:s4] =	dma.local [hbm:s3], $0xF7A  }
0x26: {  	[smem:$0x3F9F] =	sst s1;
	(tag) =	ssettag s2;
	_ =	strace s9  }
0x27: {  	s1 =	sld [smem:$0x3FAF]  }
0x28: {  	s2 =	sld [smem:$0x3FB0]  }
0x29: {  	s4 =	sld [smem:$0x3FB2]  }
0x2a: {  	p0 =	seq.s32 s5, $0x0;
	s5 =	sld [smem:$0x3FB3]  }
0x2b: {  	s6 =	sld [smem:$0x3FB4]  }
0x2c: {  	s7 =	sld [smem:$0x3FB5]  }
0x2d: {  	s3 =	simm.s32 $0x108;
	s8 =	sld [smem:$0x3FB6]  }
0x2e: {  	s3 =	simm.s32 @!p0 $0x1082;
	s9 =	sld [smem:$0x3FB7]  }
0x2f: {  	lr =	sadd.s32 s0, s3;
	s0 =	sld [smem:$0x3FAE]  }
0x30: {  	s3 =	sld [smem:$0x3FB1]  }
0x31: {  	[smem:$0x3FBA] =	sst s10  }
0x32: {  	s10 =	sld [smem:$0x3FB8];
	_ =	sdelay $0x3  }
0x33: {  	p0 =	seq.s32 s10, $0x1;
	s10 =	sld [smem:$0x3FBA];
	_ =	sdelay $0x3  }
0x34: {  	[smem:$0x3FBA] =	sst s10  }
0x35: {  	s10 =	sld [smem:$0x3FB9];
	_ =	sdelay $0x3  }
0x36: {  	p1 =	seq.s32 s10, $0x1;
	s10 =	sld [smem:$0x3FBA];
	_ =	sdelay $0x3  }
0x37: {  	[smem:$0x3FBA] =	sst s10  }
0x38: {  	s10 =	sld [smem:$0x3FBB]  }
0x39: {  	_ = 	snop;
	(pc) =	sbr.ind lr, $3  }
0x3a: {  	_ = 	snop  }
0x3b: {  	_ = 	snop  }
0x3c: {  	p2 =	seq.s32 s10, $0x1;
	s10 =	sld [smem:$0x3FBA]  }
0x3d: {  	_ =	shalt  }
0x3e: {  	_ =	shalt  }
0x3f: {  	_ =	shalt  }
0x40: {  	_ =	shalt  }
0x41: {  	_ =	shalt  }
0x42: {  	_ =	shalt  }
0x43: {  	_ =	shalt  }
0x44: {  	_ =	shalt  }
0x45: {  	_ =	shalt  }
0x46: {  	_ =	shalt  }
0x47: {  	_ =	shalt  }
0x48: {  	_ =	shalt  }
0x49: {  	_ =	shalt  }
0x4a: {  	_ =	shalt  }
0x4b: {  	_ =	shalt  }
0x4c: {  	_ =	shalt  }
0x4d: {  	_ =	shalt  }
0x4e: {  	_ =	shalt  }
0x4f: {  	_ =	shalt  }
0x50: {  	_ =	shalt  }
0x51: {  	_ =	shalt  }
0x52: {  	_ =	shalt  }
0x53: {  	_ =	shalt  }
0x54: {  	_ =	shalt  }
0x55: {  	_ =	shalt  }
0x56: {  	_ =	shalt  }
0x57: {  	_ =	shalt  }
0x58: {  	_ =	shalt  }
0x59: {  	_ =	shalt  }
0x5a: {  	_ =	shalt  }
0x5b: {  	_ =	shalt  }
0x5c: {  	_ =	shalt  }
0x5d: {  	_ =	shalt  }
0x5e: {  	_ =	shalt  }
0x5f: {  	_ =	shalt  }
0x60: {  	_ =	shalt  }
0x61: {  	_ =	shalt  }
0x62: {  	_ =	shalt  }
0x63: {  	_ =	shalt  }
0x64: {  	_ =	shalt  }
0x65: {  	_ =	shalt  }
0x66: {  	_ =	shalt  }
0x67: {  	_ =	shalt  }
0x68: {  	_ =	shalt  }
0x69: {  	_ =	shalt  }
0x6a: {  	_ =	shalt  }
0x6b: {  	_ =	shalt  }
0x6c: {  	_ =	shalt  }
0x6d: {  	_ =	shalt  }
0x6e: {  	_ =	shalt  }
0x6f: {  	_ =	shalt  }
0x70: {  	_ =	shalt  }
0x71: {  	_ =	shalt  }
0x72: {  	_ =	shalt  }
0x73: {  	_ =	shalt  }
0x74: {  	_ =	shalt  }
0x75: {  	_ =	shalt  }
0x76: {  	_ =	shalt  }
0x77: {  	_ =	shalt  }
0x78: {  	_ =	shalt  }
0x79: {  	_ =	shalt  }
0x7a: {  	_ =	shalt  }
0x7b: {  	_ =	shalt  }
0x7c: {  	_ =	shalt  }
0x7d: {  	_ =	shalt  }
0x7e: {  	_ =	shalt  }
0x7f: {  	_ =	shalt  }
0x80: {  	_ =	shalt  }
0x81: {  	_ =	shalt  }
0x82: {  	_ =	shalt  }
0x83: {  	_ =	shalt  }
0x84: {  	_ =	shalt  }
0x85: {  	_ =	shalt  }
0x86: {  	_ =	shalt  }
0x87: {  	_ =	shalt  }
.Lfunc_end0:
.L_simem_size_0:
called_computation_lowered:
.L_overlay_start_0:
0x88: {  	s2 =	sld [smem:$0x3FD9]  }
0x89: {  	s3 =	sld [smem:$0x3FFE];
	_ =	sdelay $0x1  }
0x8a: {  	s1 =	srdreg.scid  }
0x8b: {  	s0 =	sand.u32 $0x1, s1  }
0x8c: {  	s18 =	sshll.u32 s0, $0xA;
	s2 =	sadd.s32 s3, s2  }
0x8d: {  	s2 =	sadd.s32 s2, s18  }
0x8e: {  	[smem:$0x3FC6] =	sst s2  }
0x8f: {  	_ = 	snop  }
0x90: {  	s2 =	sld [smem:$0x3FC9]  }
0x91: {  	s19 =	sld [smem:$0x3FC8]  }
0x92: {  	s4 =	sld [smem:$0x3FD0];
	(tm) =	ssettm $0x1  }
0x93: {  	s5 =	sld [smem:$0x3FFB];
	_ =	sdelay $0x3  }
0x94: {  	_ =	strace s5  }
0x95: {  	s5 =	sld [smem:$0x3FFC];
	_ =	sdelay $0x3  }
0x96: {  	_ =	strace s5  }
0x97: {  	s5 =	sld [smem:$0x3FFD];
	_ =	sdelay $0x3  }
0x98: {  	_ =	strace s5  }
0x99: {  	_ =	strace $0x8FFFFFFF  }
0x9a: {  	s20 =	sld [smem:$0x3FDB];
	_ =	sdelay $0x1  }
0x9b: {  	s6 =	simm.s32 $_scs_section_size  }
0x9c: {  	s7 =	simm.s32 $_size__tile_overlayer_lowered;
	s8 =	simm.s32 $_tile_overlayer_lowered  }
0x9d: {  	s23 =	simm.s32 $0x1BFF;
	s22 =	sshll.u32 s8, $0x1;
	s5 =	sadd.s32 s6, s20  }
0x9e: {  	s9 =	simm.s32 $0x0;
	s21 =	sshll.u32 s7, $0x1;
	s7 =	sadd.s32 s22, s5  }
0x9f: {  	[timem:s9], [sflag:s23] =	dma.local [hbm:s7], s21  }
0xa0: {  	_ =	swait.ge [sflag:s23], s21  }
0xa1: {  	s6 =	ssub.s32 $0x0, s21;
	[sflag:s23] =	ssyncset.done $0x0  }
0xa2: {  	[sflag:s23] =	ssyncadd.s32 s6;
	_ =	sdelay $0x1  }
0xa3: {  	s24 =	simm.s32 $0x1B8B  }
0xa4: {  	_ =	swait.ge [sflag:s24], $0x1  }
0xa5: {  	[sflag:s24] =	ssyncset.done $0x0  }
0xa6: {  	s25 =	simm.s32 $0x1B8E;
	[sflag:s24] =	ssyncadd.s32 $0xFFFFFFFF  }
0xa7: {  	s26 =	simm.s32 $execute0_lowered;
	[smem:$0x3FD2] =	sst s25  }
0xa8: {  	s6 =	sshll.u32 s26, $0x1;
	_ =	strace $0x80000046;
	[dreg:$0x1] =	wrdreg $0xFFFFFFFF  }
0xa9: {  	s28 =	simm.s32 $_size_execute0_lowered;
	s5 =	sadd.s32 s5, s6;
	[dreg:$0x0] =	wrdreg $0x0  }
0xaa: {  	s6 =	sshll.u32 s28, $0x1;
	[dreg:$0x2] =	wrdreg s5  }
0xab: {  	[dreg:$0x3] =	wrdreg s6  }
0xac: {  	[dreg:$0x4] =	wrdreg $0xC0  }
0xad: {  	_ =	task [dreg:s9], $0x5FFFF  }
0xae: {  	[dreg:$0x1] =	wrdreg $0xFFFFFFFF  }
0xaf: {  	[dreg:$0x0] =	wrdreg $0x60  }
0xb0: {  	[dreg:$0x2] =	wrdreg s2  }
0xb1: {  	[dreg:$0x3] =	wrdreg s19  }
0xb2: {  	[dreg:$0x4] =	wrdreg s4  }
0xb3: {  	[dreg:$0x5] =	wrdreg $0x164000  }
0xb4: {  	[dreg:$0x6] =	wrdreg $0x9  }
0xb5: {  	_ =	task.clear_ibuf [dreg:s9], $0x7FFFF;
	_ =	strace $0x90000046  }
0xb6: {  	s29 =	simm.s32 $0x9;
	_ =	strace $0x80000048  }
0xb7: {  	_ =	swait.ge [sflag:s29], $0x1  }
0xb8: {  	[sflag:s29] =	ssyncadd.s32 $0xFFFFFFFF  }
0xb9: {  	_ =	strace $0x90000048  }
0xba: {  	_ =	sfence  }
0xbb: {  	s30 =	sld [smem:$0x0];
	_ =	sdelay $0x2  }
0xbc: {  	s31 =	sshll.u32 s1, $0xD;
	s1 =	sshrl.u32 s1, $0x2  }
0xbd: {  	s3 =	sand.u32 $0x4000, s31;
	s1 =	sadd.s32 s1, s30  }
0xbe: {  	s0 =	sor.u32 s3, s0;
	s1 =	sshll.u32 s1, $0x11  }
0xbf: {  	s0 =	sor.u32 s1, s0  }
0xc0: {  	s0 =	sadd.s32 $0x8F2B, s0  }
0xc1: {  	[sflag:s0] =	ssyncadd.remote.s32 $0x1  }
0xc2: {  	_ =	sfence.sel $0xFFFF  }
0xc3: {  	[dreg:$0x0] =	wrdreg $0xFFFFFFFF;
	(pc) =	sbr.abs _section_cstart, $3  }
0xc4: {  	[dreg:$0x1] =	wrdreg $0xFFFFFFFF  }
0xc5: {  	_ =	task.clear_ibuf [dreg:s9], $0x2FFFF;
	_ =	strace $0x9FFFFFFF  }
0xc6: {  	(tm) =	ssettm $0x7FFFFFFF  }
0xc7: {  	_ =	shalt  }
tec
execute0_lowered:
.L_overlay_start_1:
0x0: {  	(tag) =	ssettag $0x1  }
0x1: {  	s0 =	rddreg [dreg:$0x0]  }
0x2: {  	s1 =	rddreg [dreg:$0x1];
	s2 =	srdreg.scid  }
0x3: {  	s12 =	stileid.u32;
	s4 =	rddreg [dreg:$0x2]  }
0x4: {  	s5 =	rddreg [dreg:$0x3];
	s9 =	smul.u32 $0x24000, s12  }
0x5: {  	s2 =	sand.u32 $0x1, s2;
	s3 =	sshll.u32 s12, $0x1;
	s18 =	sadd.s32 $0x380, s4  }
0x6: {  	s6 =	sor.u32 s2, s3;
	s3 =	simm.s32 $0x0;
	s9 =	sshrl.u32 s9, $0x2  }
0x7: {  	[smem:$0x7FF] =	sst s3;
	s11 =	smul.u32 $0x64000, s6;
	s9 =	sadd.s32 s9, s5  }
0x8: {  	_ =	strace $0x80000047;
	s20 =	sadd.s32 $0x2400, s9;
	[dreg:$0xa] =	wrdreg s9  }
0x9: {  	s22 =	smul.u32 $0xC800, s12;
	s21 =	sadd.s32 s11, s18;
	[dreg:$0xb] =	wrdreg s20  }
0xa: {  	s7 =	smul.u32 $0x6400, s6;
	s24 =	sadd.s32 $0x4800, s9;
	[dreg:$0x11] =	wrdreg s21  }
0xb: {  	s14 =	smul.u32 $0xC8000, s12;
	s9 =	sadd.s32 $0x6C00, s9;
	[dreg:$0xc] =	wrdreg s24  }
0xc: {  	s7 =	sshrl.u32 s7, $0x3;
	s16 =	sadd.s32 s4, s11;
	[dreg:$0xd] =	wrdreg s9  }
0xd: {  	s8 =	ssub.s32 $0x2, s2;
	s0 =	sadd.s32 s0, s7;
	[dreg:$0xf] =	wrdreg s16  }
0xe: {  	s25 =	smul.u32 $0x6400, s2;
	s17 =	sadd.s32 $0x800, s16;
	[dreg:$0xe] =	wrdreg s0  }
0xf: {  	s19 =	smul.u32 $0x320000, s6;
	s23 =	sadd.s32 $0x1000, s16;
	[dreg:$0x10] =	wrdreg s17  }
0x10: {  	s2 =	smul.u32 $0x64000, s2;
	s26 =	sadd.s32 $0xB80, s16;
	[dreg:$0x12] =	wrdreg s23  }
0x11: {  	s5 =	sshrl.u32 s19, $0x3;
	s31 =	sadd.s32 $0x1800, s16;
	[dreg:$0x13] =	wrdreg s26  }
0x12: {  	s13 =	sadd.s32 $0x1380, s16;
	s5 =	sadd.s32 s4, s5;
	[dreg:$0x14] =	wrdreg s31  }
0x13: {  	s6 =	sadd.s32 s25, s22;
	[dreg:$0x15] =	wrdreg s13;
	s15 =	sadd.s32 $0x62000, s5  }
0x14: {  	s6 =	sshll.u32 s6, $0x4;
	s16 =	sadd.s32 $0x61B80, s5;
	[dreg:$0x16] =	wrdreg s15  }
0x15: {  	s0 =	sadd.s32 s6, s18;
	s18 =	sadd.s32 $0x62800, s5;
	[dreg:$0x17] =	wrdreg s16  }
0x16: {  	s4 =	sadd.s32 s14, s4;
	s19 =	sadd.s32 $0x62380, s5;
	[dreg:$0x18] =	wrdreg s18  }
0x17: {  	s2 =	sadd.s32 s2, s4;
	[dreg:$0x19] =	wrdreg s19  }
0x18: {  	s21 =	sadd.s32 $0x63000, s5;
	[dreg:$0x6] =	wrdreg s2  }
0x19: {  	s23 =	sadd.s32 $0x62B80, s5;
	[dreg:$0x1a] =	wrdreg s21  }
0x1a: {  	s28 =	simm.s32 $0x38;
	s24 =	sadd.s32 $0x63800, s5;
	[dreg:$0x1b] =	wrdreg s23  }
0x1b: {  	s10 =	sshrl.u32 s8, $0x1;
	s25 =	sadd.s32 $0x63380, s5;
	[dreg:$0x1c] =	wrdreg s24  }
0x1c: {  	s8 =	ssub.s32 s8, s10;
	s26 =	sadd.s32 $0x63B80, s5;
	[dreg:$0x1d] =	wrdreg s25  }
0x1d: {  	s30 =	simm.s32 $0x48;
	s31 =	smax.u32 s8, $0x1;
	[dreg:$0x1e] =	wrdreg s26  }
0x1e: {  	s29 =	simm.s32 $0x14;
	s17 =	sadd.s32 $0x2800, s0;
	[dreg:$0x1f] =	wrdreg s31  }
0x1f: {  	s11 =	simm.s32 $0x10;
	s20 =	sadd.s32 $0x1800, s0;
	[dreg:$0x5] =	wrdreg s17  }
0x20: {  	s14 =	simm.s32 $0x8;
	s22 =	sadd.s32 $0x2000, s0;
	[dreg:$0x7] =	wrdreg s20  }
0x21: {  	s6 =	simm.s32 $0x7;
	s0 =	sadd.s32 $0x3000, s0;
	[dreg:$0x8] =	wrdreg s22  }
0x22: {  	s8 =	simm.s32 $0x13;
	s2 =	simm.s32 $0x0;
	[dreg:$0x9] =	wrdreg s0  }
.LBB2_1:
0x23: {  	[smem:$0x7FD] =	sst s2  }
0x24: {  	s0 =	rddreg [dreg:$0xe];
	s19 =	simm.s32 $0x15  }
0x25: {  	[tilespmem:s3], [sflag:$0x15] =	stream.linear.gather [hbm4b:s0+s3], $0x6400, $0x38;
	[tilespmem:$0x1F400] =	vst v63  }
0x26: {  	_ =	swait.ge [sflag:s19], $0x6400  }
0x27: {  	[sflag:s19] =	ssyncset.done $0x0  }
0x28: {  	s20 =	simm.s32 $0x6400;
	[sflag:s19] =	ssyncadd.s32 $0xFFFF9C00  }
0x29: {  	[tilespmem:s20], [sflag:$0x1] =	stream.indirect.gather [hbm4b:s1+s28], $0x80, s3, s28, $0xb8;
	[tilespmem:$0x1F400] =	vst v63  }
0x2a: {  	s21 =	simm.s32 $0xD400  }
0x2b: {  	[tilespmem:s21], [sflag:$0x9] =	stream.indirect.gather [hbm4b:s1+s30], $0x80, s28, s30, $0xb8;
	[tilespmem:$0x1F400] =	vst v63  }
0x2c: {  	s22 =	simm.s32 $0x80;
	s23 =	simm.s32 $0x8000  }
0x2d: {  	[tilespmem:s23], [sflag:$0x2] =	stream.indirect.gather [hbm4b:s1+s28], $0x80, s22, s28, $0xb8;
	[tilespmem:$0x1F400] =	vst v63  }
0x2e: {  	s24 =	simm.s32 $0xB8;
	s25 =	simm.s32 $0xF800  }
0x2f: {  	[tilespmem:s25], [sflag:$0xA] =	stream.indirect.gather [hbm4b:s1+s30], $0x80, s24, s30, $0xb8;
	[tilespmem:$0x1F400] =	vst v63  }
0x30: {  	s31 =	simm.s32 $0x100;
	s5 =	simm.s32 $0x9C00  }
0x31: {  	[tilespmem:s5], [sflag:$0x3] =	stream.indirect.gather [hbm4b:s1+s28], $0x80, s31, s28, $0xb8;
	[tilespmem:$0x1F400] =	vst v63  }
0x32: {  	s10 =	simm.s32 $0x138;
	s12 =	simm.s32 $0x11C00  }
0x33: {  	[tilespmem:s12], [sflag:$0xB] =	stream.indirect.gather [hbm4b:s1+s30], $0x80, s10, s30, $0xb8;
	[tilespmem:$0x1F400] =	vst v63  }
0x34: {  	s10 =	simm.s32 $0x1  }
0x35: {  	_ =	swait.ge [sflag:s10], $0x1C00  }
0x36: {  	s9 =	simm.s32 $0x6400;
	[sflag:s10] =	ssyncset.done $0x0  }
0x37: {  	s17 =	simm.s32 $0x9;
	s13 =	rddreg [dreg:$0xf];
	[sflag:s10] =	ssyncadd.s32 $0xFFFFE400  }
0x38: {  	[hbm4b:s13+s3] =	stream.linear.scatter [tilespmem:s9], [sflag:$0x5], $0x1C00, $0x38;
	[tilespmem:$0x1F400] =	vst v63  }
0x39: {  	_ =	swait.ge [sflag:s17], $0x2400  }
0x3a: {  	[sflag:s17] =	ssyncset.done $0x0  }
0x3b: {  	s7 =	simm.s32 $0xD400;
	s9 =	rddreg [dreg:$0xa];
	[sflag:s17] =	ssyncadd.s32 $0xFFFFDC00  }
0x3c: {  	[spmem:s9] =	stream.linear.scatter [tilespmem:s7], [sflag:$0xD], $0x2400, $0x38;
	[tilespmem:$0x1F400] =	vst v63  }
0x3d: {  	s15 =	simm.s32 $0x180;
	s16 =	simm.s32 $0xB800  }
0x3e: {  	[tilespmem:s16], [sflag:$0x4] =	stream.indirect.gather [hbm4b:s1+s28], $0x80, s15, s28, $0xb8;
	[tilespmem:$0x1F400] =	vst v63  }
0x3f: {  	s19 =	simm.s32 $0x1B8;
	s20 =	simm.s32 $0x14000  }
0x40: {  	[tilespmem:s20], [sflag:$0xC] =	stream.indirect.gather [hbm4b:s1+s30], $0x80, s19, s30, $0xb8;
	[tilespmem:$0x1F400] =	vst v63  }
0x41: {  	s19 =	simm.s32 $0x2  }
0x42: {  	_ =	swait.ge [sflag:s19], $0x1C00  }
0x43: {  	[sflag:s19] =	ssyncset.done $0x0  }
0x44: {  	s4 =	simm.s32 $0x8000;
	s21 =	rddreg [dreg:$0x10];
	[sflag:s19] =	ssyncadd.s32 $0xFFFFE400  }
0x45: {  	[hbm4b:s21+s3] =	stream.linear.scatter [tilespmem:s4], [sflag:$0x6], $0x1C00, $0x38;
	[tilespmem:$0x1F400] =	vst v63  }
0x46: {  	s21 =	simm.s32 $0xA  }
0x47: {  	_ =	swait.ge [sflag:s21], $0x2400  }
0x48: {  	s26 =	simm.s32 $0xF800;
	s22 =	stileid.u32;
	[sflag:s21] =	ssyncset.done $0x0  }
0x49: {  	s20 =	simm.s32 $0xD;
	s12 =	rddreg [dreg:$0xb];
	[sflag:s21] =	ssyncadd.s32 $0xFFFFDC00  }
0x4a: {  	[spmem:s12] =	stream.linear.scatter [tilespmem:s26], [sflag:$0xE], $0x2400, $0x38;
	[tilespmem:$0x1F400] =	vst v63  }
0x4b: {  	s7 =	sshll.u32 s22, $0x6;
	_ =	swait.ge [sflag:s20], $0x2400  }
0x4c: {  	s13 =	sshrl.u32 s9, $0x3;
	s15 =	sor.u32 $0x1C11, s7;
	[sflag:s20] =	ssyncset.done $0x0  }
0x4d: {  	s16 =	simm.s32 $0x5;
	s26 =	rddreg [dreg:$0x11];
	[sflag:s20] =	ssyncadd.s32 $0xFFFFDC00  }
0x4e: {  	[hbm:s26], [sflag:s15] =	dma.local [spmem:s13], $0x480  }
0x4f: {  	_ =	swait.ge [sflag:s16], $0x1C00  }
0x50: {  	[sflag:s16] =	ssyncset.done $0x0  }
0x51: {  	s22 =	simm.s32 $0x11;
	[sflag:s16] =	ssyncadd.s32 $0xFFFFE400  }
0x52: {  	_ =	swait.ge [sflag:s22], $0x480  }
0x53: {  	[sflag:s22] =	ssyncset.done $0x0  }
0x54: {  	s23 =	simm.s32 $0x6400;
	s31 =	simm.s32 $0x200;
	[sflag:s22] =	ssyncadd.s32 $0xFFFFFB80  }
0x55: {  	[tilespmem:s23], [sflag:$0x1] =	stream.indirect.gather [hbm4b:s1+s28], $0x80, s31, s28, $0xb8;
	[tilespmem:$0x1F400] =	vst v63  }
0x56: {  	s25 =	simm.s32 $0xD400;
	s26 =	simm.s32 $0x238;
	s23 =	simm.s32 $0x3  }
0x57: {  	[tilespmem:s25], [sflag:$0x9] =	stream.indirect.gather [hbm4b:s1+s30], $0x80, s26, s30, $0xb8;
	[tilespmem:$0x1F400] =	vst v63  }
0x58: {  	_ =	swait.ge [sflag:s23], $0x1C00  }
0x59: {  	[sflag:s23] =	ssyncset.done $0x0  }
0x5a: {  	s18 =	simm.s32 $0x9C00;
	s31 =	rddreg [dreg:$0x12];
	[sflag:s23] =	ssyncadd.s32 $0xFFFFE400  }
0x5b: {  	[hbm4b:s31+s3] =	stream.linear.scatter [tilespmem:s18], [sflag:$0x7], $0x1C00, $0x38;
	[tilespmem:$0x1F400] =	vst v63  }
0x5c: {  	s18 =	simm.s32 $0xB  }
0x5d: {  	_ =	swait.ge [sflag:s18], $0x2400  }
0x5e: {  	s26 =	simm.s32 $0x11C00;
	[sflag:s18] =	ssyncset.done $0x0  }
0x5f: {  	s31 =	simm.s32 $0xE;
	s25 =	rddreg [dreg:$0xc];
	[sflag:s18] =	ssyncadd.s32 $0xFFFFDC00  }
0x60: {  	[spmem:s25] =	stream.linear.scatter [tilespmem:s26], [sflag:$0xF], $0x2400, $0x38;
	[tilespmem:$0x1F400] =	vst v63  }
0x61: {  	_ =	swait.ge [sflag:s31], $0x2400  }
0x62: {  	s18 =	sshrl.u32 s12, $0x3;
	[sflag:s31] =	ssyncset.done $0x0  }
0x63: {  	s0 =	rddreg [dreg:$0x13];
	[sflag:s31] =	ssyncadd.s32 $0xFFFFDC00;
	s31 =	sor.u32 $0x1C12, s7  }
0x64: {  	[hbm:s0], [sflag:s31] =	dma.local [spmem:s18], $0x480  }
0x65: {  	s0 =	simm.s32 $0x6  }
0x66: {  	_ =	swait.ge [sflag:s0], $0x1C00  }
0x67: {  	[sflag:s0] =	ssyncset.done $0x0  }
0x68: {  	[sflag:s0] =	ssyncadd.s32 $0xFFFFE400;
	s0 =	simm.s32 $0x12  }
0x69: {  	_ =	swait.ge [sflag:s0], $0x480  }
0x6a: {  	[sflag:s0] =	ssyncset.done $0x0  }
0x6b: {  	s4 =	simm.s32 $0x8000;
	[sflag:s0] =	ssyncadd.s32 $0xFFFFFB80;
	s0 =	simm.s32 $0x280  }
0x6c: {  	[tilespmem:s4], [sflag:$0x2] =	stream.indirect.gather [hbm4b:s1+s28], $0x80, s0, s28, $0xb8;
	[tilespmem:$0x1F400] =	vst v63  }
0x6d: {  	s2 =	simm.s32 $0xF800;
	s4 =	simm.s32 $0x2B8  }
0x6e: {  	[tilespmem:s2], [sflag:$0xA] =	stream.indirect.gather [hbm4b:s1+s30], $0x80, s4, s30, $0xb8;
	[tilespmem:$0x1F400] =	vst v63  }
0x6f: {  	s2 =	simm.s32 $0x4  }
0x70: {  	_ =	swait.ge [sflag:s2], $0x1C00  }
0x71: {  	s24 =	simm.s32 $0xB800;
	[sflag:s2] =	ssyncset.done $0x0  }
0x72: {  	s4 =	rddreg [dreg:$0x14];
	[sflag:s2] =	ssyncadd.s32 $0xFFFFE400;
	s2 =	simm.s32 $0xC  }
0x73: {  	[hbm4b:s4+s3] =	stream.linear.scatter [tilespmem:s24], [sflag:$0x8], $0x1C00, $0x38;
	[tilespmem:$0x1F400] =	vst v63  }
0x74: {  	_ =	swait.ge [sflag:s2], $0x2400  }
0x75: {  	s5 =	simm.s32 $0x14000;
	[sflag:s2] =	ssyncset.done $0x0  }
0x76: {  	s24 =	simm.s32 $0xF;
	s4 =	rddreg [dreg:$0xd];
	[sflag:s2] =	ssyncadd.s32 $0xFFFFDC00  }
0x77: {  	[spmem:s4] =	stream.linear.scatter [tilespmem:s5], [sflag:$0x10], $0x2400, $0x38;
	[tilespmem:$0x1F400] =	vst v63  }
0x78: {  	s25 =	smov.u32 s25;
	_ =	swait.ge [sflag:s24], $0x2400  }
0x79: {  	s2 =	sshrl.u32 s25, $0x3;
	s5 =	smov.u32 s4;
	[sflag:s24] =	ssyncset.done $0x0  }
0x7a: {  	s4 =	sor.u32 $0x1C13, s7;
	s0 =	rddreg [dreg:$0x15];
	[sflag:s24] =	ssyncadd.s32 $0xFFFFDC00  }
0x7b: {  	[hbm:s0], [sflag:s4] =	dma.local [spmem:s2], $0x480  }
0x7c: {  	_ =	swait.ge [sflag:s6], $0x1C00  }
0x7d: {  	[sflag:s6] =	ssyncset.done $0x0  }
0x7e: {  	[sflag:s6] =	ssyncadd.s32 $0xFFFFE400  }
0x7f: {  	_ =	swait.ge [sflag:s8], $0x480  }
0x80: {  	s25 =	smov.u32 s2;
	s24 =	smov.u32 s4;
	[sflag:s8] =	ssyncset.done $0x0  }
0x81: {  	s2 =	simm.s32 $0x300;
	s4 =	simm.s32 $0x9C00;
	[sflag:s8] =	ssyncadd.s32 $0xFFFFFB80  }
0x82: {  	[tilespmem:s4], [sflag:$0x3] =	stream.indirect.gather [hbm4b:s1+s28], $0x80, s2, s28, $0xb8;
	[tilespmem:$0x1F400] =	vst v63  }
0x83: {  	s2 =	simm.s32 $0x338  }
0x84: {  	[tilespmem:s26], [sflag:$0xB] =	stream.indirect.gather [hbm4b:s1+s30], $0x80, s2, s30, $0xb8;
	[tilespmem:$0x1F400] =	vst v63  }
0x85: {  	_ =	swait.ge [sflag:s10], $0x1C00  }
0x86: {  	s4 =	rddreg [dreg:$0x6]  }
0x87: {  	[sflag:s10] =	ssyncset.done $0x0;
	s0 =	sadd.s32 $0x0, s4  }
0x88: {  	s26 =	simm.s32 $0x6400;
	[sflag:s10] =	ssyncadd.s32 $0xFFFFE400;
	s10 =	sadd.s32 $0x2000, s0  }
0x89: {  	[hbm4b:s10+s3] =	stream.linear.scatter [tilespmem:s26], [sflag:$0x5], $0x1C00, $0x38;
	[tilespmem:$0x1F400] =	vst v63  }
0x8a: {  	_ =	swait.ge [sflag:s17], $0x2400  }
0x8b: {  	[sflag:s17] =	ssyncset.done $0x0  }
0x8c: {  	s4 =	simm.s32 $0xD400;
	[sflag:s17] =	ssyncadd.s32 $0xFFFFDC00  }
0x8d: {  	[spmem:s9] =	stream.linear.scatter [tilespmem:s4], [sflag:$0xD], $0x2400, $0x38;
	[tilespmem:$0x1F400] =	vst v63  }
0x8e: {  	_ =	swait.ge [sflag:s11], $0x2400  }
0x8f: {  	s10 =	sor.u32 $0x1C14, s7;
	s9 =	rddreg [dreg:$0x7];
	[sflag:s11] =	ssyncset.done $0x0  }
0x90: {  	s17 =	sshrl.u32 s5, $0x3;
	[sflag:s11] =	ssyncadd.s32 $0xFFFFDC00;
	s4 =	sadd.s32 $0x0, s9  }
0x91: {  	[hbm:s4], [sflag:s10] =	dma.local [spmem:s17], $0x480  }
0x92: {  	_ =	swait.ge [sflag:s14], $0x1C00  }
0x93: {  	[sflag:s14] =	ssyncset.done $0x0  }
0x94: {  	[sflag:s14] =	ssyncadd.s32 $0xFFFFE400  }
0x95: {  	_ =	swait.ge [sflag:s29], $0x480  }
0x96: {  	s7 =	simm.s32 $0xB800;
	s9 =	smov.u32 s5;
	[sflag:s29] =	ssyncset.done $0x0  }
0x97: {  	s5 =	smov.u32 s10;
	s10 =	simm.s32 $0x380;
	[sflag:s29] =	ssyncadd.s32 $0xFFFFFB80  }
0x98: {  	[tilespmem:s7], [sflag:$0x4] =	stream.indirect.gather [hbm4b:s1+s28], $0x80, s10, s28, $0xb8;
	[tilespmem:$0x1F400] =	vst v63  }
0x99: {  	s26 =	smov.u32 s17;
	s17 =	simm.s32 $0x3B8;
	s4 =	simm.s32 $0x14000  }
0x9a: {  	[tilespmem:s4], [sflag:$0xC] =	stream.indirect.gather [hbm4b:s1+s30], $0x80, s17, s30, $0xb8;
	[tilespmem:$0x1F400] =	vst v63  }
0x9b: {  	_ =	swait.ge [sflag:s19], $0x1C00  }
0x9c: {  	[sflag:s19] =	ssyncset.done $0x0  }
0x9d: {  	s10 =	sadd.s32 $0x2800, s0;
	s17 =	simm.s32 $0x8000;
	[sflag:s19] =	ssyncadd.s32 $0xFFFFE400  }
0x9e: {  	[hbm4b:s10+s3] =	stream.linear.scatter [tilespmem:s17], [sflag:$0x6], $0x1C00, $0x38;
	[tilespmem:$0x1F400] =	vst v63  }
0x9f: {  	_ =	swait.ge [sflag:s21], $0x2400  }
0xa0: {  	[sflag:s21] =	ssyncset.done $0x0  }
0xa1: {  	s10 =	simm.s32 $0xF800;
	[sflag:s21] =	ssyncadd.s32 $0xFFFFDC00  }
0xa2: {  	[spmem:s12] =	stream.linear.scatter [tilespmem:s10], [sflag:$0xE], $0x2400, $0x38;
	[tilespmem:$0x1F400] =	vst v63  }
0xa3: {  	_ =	swait.ge [sflag:s20], $0x2400  }
0xa4: {  	s12 =	rddreg [dreg:$0x8];
	[sflag:s20] =	ssyncset.done $0x0  }
0xa5: {  	[sflag:s20] =	ssyncadd.s32 $0xFFFFDC00;
	s2 =	sadd.s32 $0x0, s12  }
0xa6: {  	[hbm:s2], [sflag:s15] =	dma.local [spmem:s13], $0x480  }
0xa7: {  	_ =	swait.ge [sflag:s16], $0x1C00  }
0xa8: {  	[sflag:s16] =	ssyncset.done $0x0  }
0xa9: {  	[sflag:s16] =	ssyncadd.s32 $0xFFFFE400  }
0xaa: {  	_ =	swait.ge [sflag:s22], $0x480  }
0xab: {  	s20 =	smov.u32 s15;
	[sflag:s22] =	ssyncset.done $0x0  }
0xac: {  	s15 =	simm.s32 $0x400;
	s16 =	simm.s32 $0x6400;
	[sflag:s22] =	ssyncadd.s32 $0xFFFFFB80  }
0xad: {  	[tilespmem:s16], [sflag:$0x1] =	stream.indirect.gather [hbm4b:s1+s28], $0x80, s15, s28, $0xb8;
	[tilespmem:$0x1F400] =	vst v63  }
0xae: {  	s19 =	simm.s32 $0x438;
	s22 =	simm.s32 $0xD400  }
0xaf: {  	[tilespmem:s22], [sflag:$0x9] =	stream.indirect.gather [hbm4b:s1+s30], $0x80, s19, s30, $0xb8;
	[tilespmem:$0x1F400] =	vst v63  }
0xb0: {  	_ =	swait.ge [sflag:s23], $0x1C00  }
0xb1: {  	s21 =	smov.u32 s13;
	s12 =	sadd.s32 $0x3000, s0;
	[sflag:s23] =	ssyncset.done $0x0  }
0xb2: {  	s13 =	simm.s32 $0x9C00;
	s15 =	simm.s32 $0xB;
	[sflag:s23] =	ssyncadd.s32 $0xFFFFE400  }
0xb3: {  	[hbm4b:s12+s3] =	stream.linear.scatter [tilespmem:s13], [sflag:$0x7], $0x1C00, $0x38;
	[tilespmem:$0x1F400] =	vst v63  }
0xb4: {  	_ =	swait.ge [sflag:s15], $0x2400  }
0xb5: {  	s19 =	simm.s32 $0x11C00;
	[sflag:s15] =	ssyncset.done $0x0  }
0xb6: {  	s22 =	simm.s32 $0xE;
	s16 =	rddreg [dreg:$0xc];
	[sflag:s15] =	ssyncadd.s32 $0xFFFFDC00  }
0xb7: {  	[spmem:s16] =	stream.linear.scatter [tilespmem:s19], [sflag:$0xF], $0x2400, $0x38;
	[tilespmem:$0x1F400] =	vst v63  }
0xb8: {  	_ =	swait.ge [sflag:s22], $0x2400  }
0xb9: {  	s23 =	rddreg [dreg:$0x5];
	[sflag:s22] =	ssyncset.done $0x0  }
0xba: {  	s12 =	simm.s32 $0x6;
	[sflag:s22] =	ssyncadd.s32 $0xFFFFDC00;
	s2 =	sadd.s32 $0x0, s23  }
0xbb: {  	[hbm:s2], [sflag:s31] =	dma.local [spmem:s18], $0x480  }
0xbc: {  	_ =	swait.ge [sflag:s12], $0x1C00  }
0xbd: {  	[sflag:s12] =	ssyncset.done $0x0  }
0xbe: {  	s13 =	simm.s32 $0x12;
	[sflag:s12] =	ssyncadd.s32 $0xFFFFE400  }
0xbf: {  	_ =	swait.ge [sflag:s13], $0x480  }
0xc0: {  	[sflag:s13] =	ssyncset.done $0x0  }
0xc1: {  	s15 =	simm.s32 $0x480;
	[sflag:s13] =	ssyncadd.s32 $0xFFFFFB80  }
0xc2: {  	[tilespmem:s17], [sflag:$0x2] =	stream.indirect.gather [hbm4b:s1+s28], $0x80, s15, s28, $0xb8;
	[tilespmem:$0x1F400] =	vst v63  }
0xc3: {  	s16 =	simm.s32 $0x4B8;
	s17 =	simm.s32 $0x4  }
0xc4: {  	[tilespmem:s10], [sflag:$0xA] =	stream.indirect.gather [hbm4b:s1+s30], $0x80, s16, s30, $0xb8;
	[tilespmem:$0x1F400] =	vst v63  }
0xc5: {  	_ =	swait.ge [sflag:s17], $0x1C00  }
0xc6: {  	s0 =	sadd.s32 $0x3800, s0;
	[sflag:s17] =	ssyncset.done $0x0  }
0xc7: {  	s23 =	smov.u32 s18;
	s18 =	simm.s32 $0xC;
	[sflag:s17] =	ssyncadd.s32 $0xFFFFE400  }
0xc8: {  	[hbm4b:s0+s3] =	stream.linear.scatter [tilespmem:s7], [sflag:$0x8], $0x1C00, $0x38;
	[tilespmem:$0x1F400] =	vst v63  }
0xc9: {  	_ =	swait.ge [sflag:s18], $0x2400  }
0xca: {  	[sflag:s18] =	ssyncset.done $0x0  }
0xcb: {  	s19 =	simm.s32 $0xF;
	[sflag:s18] =	ssyncadd.s32 $0xFFFFDC00  }
0xcc: {  	[spmem:s9] =	stream.linear.scatter [tilespmem:s4], [sflag:$0x10], $0x2400, $0x38;
	[tilespmem:$0x1F400] =	vst v63  }
0xcd: {  	s22 =	smov.u32 s31;
	_ =	swait.ge [sflag:s19], $0x2400  }
0xce: {  	s2 =	simm.s32 $0x2000;
	s31 =	rddreg [dreg:$0x9];
	[sflag:s19] =	ssyncset.done $0x0  }
0xcf: {  	s0 =	simm.s32 $0x500;
	[sflag:s19] =	ssyncadd.s32 $0xFFFFDC00;
	s4 =	sadd.s32 $0x0, s31  }
.LBB2_2:
0xd0: {  	[hbm:s4], [sflag:s24] =	dma.local [spmem:s25], $0x480  }
0xd1: {  	_ =	swait.ge [sflag:s6], $0x1C00  }
0xd2: {  	[sflag:s6] =	ssyncset.done $0x0  }
0xd3: {  	[sflag:s6] =	ssyncadd.s32 $0xFFFFE400  }
0xd4: {  	_ =	swait.ge [sflag:s8], $0x480  }
0xd5: {  	[sflag:s8] =	ssyncset.done $0x0  }
0xd6: {  	s16 =	simm.s32 $0x9C00;
	[sflag:s8] =	ssyncadd.s32 $0xFFFFFB80  }
0xd7: {  	[tilespmem:s16], [sflag:$0x3] =	stream.indirect.gather [hbm4b:s1+s28], $0x80, s0, s28, $0xb8;
	[tilespmem:$0x1F400] =	vst v63  }
0xd8: {  	s7 =	sadd.s32 $0x38, s0;
	s17 =	simm.s32 $0x11C00;
	s9 =	simm.s32 $0x1  }
0xd9: {  	[tilespmem:s17], [sflag:$0xB] =	stream.indirect.gather [hbm4b:s1+s30], $0x80, s7, s30, $0xb8;
	[tilespmem:$0x1F400] =	vst v63  }
0xda: {  	_ =	swait.ge [sflag:s9], $0x1C00  }
0xdb: {  	s4 =	smov.u32 s2;
	s12 =	rddreg [dreg:$0x6]  }
0xdc: {  	s31 =	simm.s32 $0x6400;
	[sflag:s9] =	ssyncset.done $0x0;
	s7 =	sadd.s32 s4, s12  }
0xdd: {  	s13 =	simm.s32 $0x9;
	[sflag:s9] =	ssyncadd.s32 $0xFFFFE400;
	s12 =	sadd.s32 $0x2000, s7  }
0xde: {  	[hbm4b:s12+s3] =	stream.linear.scatter [tilespmem:s31], [sflag:$0x5], $0x1C00, $0x38;
	[tilespmem:$0x1F400] =	vst v63  }
0xdf: {  	_ =	swait.ge [sflag:s13], $0x2400  }
0xe0: {  	[sflag:s13] =	ssyncset.done $0x0  }
0xe1: {  	s9 =	simm.s32 $0xD400;
	s15 =	rddreg [dreg:$0xa];
	[sflag:s13] =	ssyncadd.s32 $0xFFFFDC00  }
0xe2: {  	[spmem:s15] =	stream.linear.scatter [tilespmem:s9], [sflag:$0xD], $0x2400, $0x38;
	[tilespmem:$0x1F400] =	vst v63  }
0xe3: {  	_ =	swait.ge [sflag:s11], $0x2400  }
0xe4: {  	[sflag:s11] =	ssyncset.done $0x0;
	s18 =	rddreg [dreg:$0x7]  }
0xe5: {  	[sflag:s11] =	ssyncadd.s32 $0xFFFFDC00;
	s12 =	sadd.s32 s4, s18  }
0xe6: {  	[hbm:s12], [sflag:s5] =	dma.local [spmem:s26], $0x480  }
0xe7: {  	_ =	swait.ge [sflag:s14], $0x1C00  }
0xe8: {  	[sflag:s14] =	ssyncset.done $0x0  }
0xe9: {  	[sflag:s14] =	ssyncadd.s32 $0xFFFFE400  }
0xea: {  	_ =	swait.ge [sflag:s29], $0x480  }
0xeb: {  	[sflag:s29] =	ssyncset.done $0x0  }
0xec: {  	s19 =	sadd.s32 $0x80, s0;
	s18 =	simm.s32 $0xB800;
	[sflag:s29] =	ssyncadd.s32 $0xFFFFFB80  }
0xed: {  	[tilespmem:s18], [sflag:$0x4] =	stream.indirect.gather [hbm4b:s1+s28], $0x80, s19, s28, $0xb8;
	[tilespmem:$0x1F400] =	vst v63  }
0xee: {  	s10 =	sadd.s32 $0xB8, s0;
	s19 =	simm.s32 $0x14000  }
0xef: {  	[tilespmem:s19], [sflag:$0xC] =	stream.indirect.gather [hbm4b:s1+s30], $0x80, s10, s30, $0xb8;
	[tilespmem:$0x1F400] =	vst v63  }
0xf0: {  	s10 =	simm.s32 $0x2  }
0xf1: {  	_ =	swait.ge [sflag:s10], $0x1C00  }
0xf2: {  	s13 =	sadd.s32 $0x2800, s7;
	[sflag:s10] =	ssyncset.done $0x0  }
0xf3: {  	s15 =	simm.s32 $0xA;
	[sflag:s10] =	ssyncadd.s32 $0xFFFFE400;
	s10 =	simm.s32 $0x8000  }
0xf4: {  	[hbm4b:s13+s3] =	stream.linear.scatter [tilespmem:s10], [sflag:$0x6], $0x1C00, $0x38;
	[tilespmem:$0x1F400] =	vst v63  }
0xf5: {  	_ =	swait.ge [sflag:s15], $0x2400  }
0xf6: {  	[sflag:s15] =	ssyncset.done $0x0  }
0xf7: {  	s13 =	rddreg [dreg:$0xb];
	[sflag:s15] =	ssyncadd.s32 $0xFFFFDC00;
	s15 =	simm.s32 $0xF800  }
0xf8: {  	[spmem:s13] =	stream.linear.scatter [tilespmem:s15], [sflag:$0xE], $0x2400, $0x38;
	[tilespmem:$0x1F400] =	vst v63  }
0xf9: {  	s13 =	simm.s32 $0xD  }
0xfa: {  	_ =	swait.ge [sflag:s13], $0x2400  }
0xfb: {  	[sflag:s13] =	ssyncset.done $0x0;
	s12 =	rddreg [dreg:$0x8]  }
0xfc: {  	[sflag:s13] =	ssyncadd.s32 $0xFFFFDC00;
	s12 =	sadd.s32 s4, s12;
	s13 =	simm.s32 $0x5  }
0xfd: {  	[hbm:s12], [sflag:s20] =	dma.local [spmem:s21], $0x480  }
0xfe: {  	_ =	swait.ge [sflag:s13], $0x1C00  }
0xff: {  	[sflag:s13] =	ssyncset.done $0x0  }
0x100: {  	[sflag:s13] =	ssyncadd.s32 $0xFFFFE400;
	s13 =	simm.s32 $0x11  }
0x101: {  	_ =	swait.ge [sflag:s13], $0x480  }
0x102: {  	[sflag:s13] =	ssyncset.done $0x0  }
0x103: {  	s12 =	sadd.s32 $0x100, s0;
	[sflag:s13] =	ssyncadd.s32 $0xFFFFFB80  }
0x104: {  	[tilespmem:s31], [sflag:$0x1] =	stream.indirect.gather [hbm4b:s1+s28], $0x80, s12, s28, $0xb8;
	[tilespmem:$0x1F400] =	vst v63  }
0x105: {  	s12 =	sadd.s32 $0x138, s0  }
0x106: {  	[tilespmem:s9], [sflag:$0x9] =	stream.indirect.gather [hbm4b:s1+s30], $0x80, s12, s30, $0xb8;
	[tilespmem:$0x1F400] =	vst v63  }
0x107: {  	s12 =	simm.s32 $0x3  }
0x108: {  	_ =	swait.ge [sflag:s12], $0x1C00  }
0x109: {  	[sflag:s12] =	ssyncset.done $0x0  }
0x10a: {  	s9 =	sadd.s32 $0x3000, s7;
	[sflag:s12] =	ssyncadd.s32 $0xFFFFE400  }
0x10b: {  	[hbm4b:s9+s3] =	stream.linear.scatter [tilespmem:s16], [sflag:$0x7], $0x1C00, $0x38;
	[tilespmem:$0x1F400] =	vst v63  }
0x10c: {  	s16 =	simm.s32 $0xB  }
0x10d: {  	_ =	swait.ge [sflag:s16], $0x2400  }
0x10e: {  	[sflag:s16] =	ssyncset.done $0x0  }
0x10f: {  	s12 =	simm.s32 $0xE;
	s9 =	rddreg [dreg:$0xc];
	[sflag:s16] =	ssyncadd.s32 $0xFFFFDC00  }
0x110: {  	[spmem:s9] =	stream.linear.scatter [tilespmem:s17], [sflag:$0xF], $0x2400, $0x38;
	[tilespmem:$0x1F400] =	vst v63  }
0x111: {  	_ =	swait.ge [sflag:s12], $0x2400  }
0x112: {  	[sflag:s12] =	ssyncset.done $0x0;
	s16 =	rddreg [dreg:$0x5]  }
0x113: {  	s17 =	simm.s32 $0x6;
	[sflag:s12] =	ssyncadd.s32 $0xFFFFDC00;
	s12 =	sadd.s32 s4, s16  }
0x114: {  	[hbm:s12], [sflag:s22] =	dma.local [spmem:s23], $0x480  }
0x115: {  	_ =	swait.ge [sflag:s17], $0x1C00  }
0x116: {  	[sflag:s17] =	ssyncset.done $0x0  }
0x117: {  	s12 =	simm.s32 $0x12;
	[sflag:s17] =	ssyncadd.s32 $0xFFFFE400  }
0x118: {  	_ =	swait.ge [sflag:s12], $0x480  }
0x119: {  	[sflag:s12] =	ssyncset.done $0x0  }
0x11a: {  	s16 =	sadd.s32 $0x180, s0;
	[sflag:s12] =	ssyncadd.s32 $0xFFFFFB80  }
0x11b: {  	[tilespmem:s10], [sflag:$0x2] =	stream.indirect.gather [hbm4b:s1+s28], $0x80, s16, s28, $0xb8;
	[tilespmem:$0x1F400] =	vst v63  }
0x11c: {  	s17 =	sadd.s32 $0x1B8, s0  }
0x11d: {  	[tilespmem:s15], [sflag:$0xA] =	stream.indirect.gather [hbm4b:s1+s30], $0x80, s17, s30, $0xb8;
	[tilespmem:$0x1F400] =	vst v63  }
0x11e: {  	s15 =	simm.s32 $0x4  }
0x11f: {  	_ =	swait.ge [sflag:s15], $0x1C00  }
0x120: {  	[sflag:s15] =	ssyncset.done $0x0  }
0x121: {  	s7 =	sadd.s32 $0x3800, s7;
	s16 =	simm.s32 $0xC;
	[sflag:s15] =	ssyncadd.s32 $0xFFFFE400  }
0x122: {  	[hbm4b:s7+s3] =	stream.linear.scatter [tilespmem:s18], [sflag:$0x8], $0x1C00, $0x38;
	[tilespmem:$0x1F400] =	vst v63  }
0x123: {  	p0 =	sne.s32 s2, $0x5E000;
	s2 =	sadd.s32 $0x2000, s2;
	_ =	swait.ge [sflag:s16], $0x2400  }
0x124: {  	s13 =	simm.s32 $0x6400;
	s18 =	simm.s32 $0xF;
	[sflag:s16] =	ssyncset.done $0x0  }
.Ltmp0:
0x125: {  	s17 =	rddreg [dreg:$0xd];
	[sflag:s16] =	ssyncadd.s32 $0xFFFFDC00;
	(pc) =	sbr.rel @p0 .LBB2_2-.Ltmp0, $4  }
0x126: {  	[spmem:s17] =	stream.linear.scatter [tilespmem:s19], [sflag:$0x10], $0x2400, $0x38;
	[tilespmem:$0x1F400] =	vst v63  }
0x127: {  	s31 =	simm.s32 $0xD400;
	s9 =	simm.s32 $0x8000;
	_ =	swait.ge [sflag:s18], $0x2400  }
0x128: {  	s0 =	sadd.s32 $0x200, s0;
	[sflag:s18] =	ssyncset.done $0x0;
	s19 =	rddreg [dreg:$0x9]  }
0x129: {  	s10 =	simm.s32 $0xF800;
	[sflag:s18] =	ssyncadd.s32 $0xFFFFDC00;
	s4 =	sadd.s32 s4, s19  }
0x12a: {  	[hbm:s4], [sflag:s24] =	dma.local [spmem:s25], $0x480  }
0x12b: {  	_ =	swait.ge [sflag:s6], $0x1C00  }
0x12c: {  	[sflag:s6] =	ssyncset.done $0x0  }
0x12d: {  	[sflag:s6] =	ssyncadd.s32 $0xFFFFE400  }
0x12e: {  	_ =	swait.ge [sflag:s8], $0x480  }
0x12f: {  	[sflag:s8] =	ssyncset.done $0x0  }
0x130: {  	s2 =	simm.s32 $0x9C00;
	s0 =	simm.s32 $0x6300;
	[sflag:s8] =	ssyncadd.s32 $0xFFFFFB80  }
0x131: {  	[tilespmem:s2], [sflag:$0x3] =	stream.indirect.gather [hbm4b:s1+s28], $0x80, s0, s28, $0xb8;
	[tilespmem:$0x1F400] =	vst v63  }
0x132: {  	s4 =	simm.s32 $0x11C00;
	s7 =	simm.s32 $0x6338;
	s12 =	simm.s32 $0x1  }
0x133: {  	[tilespmem:s4], [sflag:$0xB] =	stream.indirect.gather [hbm4b:s1+s30], $0x80, s7, s30, $0xb8;
	[tilespmem:$0x1F400] =	vst v63  }
0x134: {  	_ =	swait.ge [sflag:s12], $0x1C00  }
0x135: {  	[sflag:s12] =	ssyncset.done $0x0  }
0x136: {  	s16 =	simm.s32 $0x9;
	s15 =	rddreg [dreg:$0x16];
	[sflag:s12] =	ssyncadd.s32 $0xFFFFE400  }
0x137: {  	[hbm4b:s15+s3] =	stream.linear.scatter [tilespmem:s13], [sflag:$0x5], $0x1C00, $0x38;
	[tilespmem:$0x1F400] =	vst v63  }
0x138: {  	_ =	swait.ge [sflag:s16], $0x2400  }
0x139: {  	[sflag:s16] =	ssyncset.done $0x0  }
0x13a: {  	s17 =	rddreg [dreg:$0xa];
	[sflag:s16] =	ssyncadd.s32 $0xFFFFDC00  }
0x13b: {  	[spmem:s17] =	stream.linear.scatter [tilespmem:s31], [sflag:$0xD], $0x2400, $0x38;
	[tilespmem:$0x1F400] =	vst v63  }
0x13c: {  	_ =	swait.ge [sflag:s11], $0x2400  }
0x13d: {  	[sflag:s11] =	ssyncset.done $0x0  }
0x13e: {  	s18 =	rddreg [dreg:$0x17];
	[sflag:s11] =	ssyncadd.s32 $0xFFFFDC00  }
0x13f: {  	[hbm:s18], [sflag:s5] =	dma.local [spmem:s26], $0x480  }
0x140: {  	_ =	swait.ge [sflag:s14], $0x1C00  }
0x141: {  	[sflag:s14] =	ssyncset.done $0x0  }
0x142: {  	[sflag:s14] =	ssyncadd.s32 $0xFFFFE400  }
0x143: {  	_ =	swait.ge [sflag:s29], $0x480  }
0x144: {  	[sflag:s29] =	ssyncset.done $0x0  }
0x145: {  	s19 =	simm.s32 $0x6380;
	s7 =	simm.s32 $0xB800;
	[sflag:s29] =	ssyncadd.s32 $0xFFFFFB80  }
0x146: {  	[tilespmem:s7], [sflag:$0x4] =	stream.indirect.gather [hbm4b:s1+s28], $0x80, s19, s28, $0xb8;
	[tilespmem:$0x1F400] =	vst v63  }
0x147: {  	s12 =	simm.s32 $0x14000;
	s13 =	simm.s32 $0x2;
	s31 =	simm.s32 $0x63B8  }
0x148: {  	[tilespmem:s12], [sflag:$0xC] =	stream.indirect.gather [hbm4b:s1+s30], $0x80, s31, s30, $0xb8;
	[tilespmem:$0x1F400] =	vst v63  }
0x149: {  	_ =	swait.ge [sflag:s13], $0x1C00  }
0x14a: {  	[sflag:s13] =	ssyncset.done $0x0  }
0x14b: {  	s16 =	simm.s32 $0xA;
	s15 =	rddreg [dreg:$0x18];
	[sflag:s13] =	ssyncadd.s32 $0xFFFFE400  }
0x14c: {  	[hbm4b:s15+s3] =	stream.linear.scatter [tilespmem:s9], [sflag:$0x6], $0x1C00, $0x38;
	[tilespmem:$0x1F400] =	vst v63  }
0x14d: {  	_ =	swait.ge [sflag:s16], $0x2400  }
0x14e: {  	[sflag:s16] =	ssyncset.done $0x0  }
0x14f: {  	s18 =	simm.s32 $0xD;
	s17 =	rddreg [dreg:$0xb];
	[sflag:s16] =	ssyncadd.s32 $0xFFFFDC00  }
0x150: {  	[spmem:s17] =	stream.linear.scatter [tilespmem:s10], [sflag:$0xE], $0x2400, $0x38;
	[tilespmem:$0x1F400] =	vst v63  }
0x151: {  	_ =	swait.ge [sflag:s18], $0x2400  }
0x152: {  	[sflag:s18] =	ssyncset.done $0x0  }
0x153: {  	s19 =	rddreg [dreg:$0x19];
	[sflag:s18] =	ssyncadd.s32 $0xFFFFDC00  }
0x154: {  	[hbm:s19], [sflag:s20] =	dma.local [spmem:s21], $0x480  }
0x155: {  	s21 =	simm.s32 $0x3  }
0x156: {  	_ =	swait.ge [sflag:s21], $0x1C00  }
0x157: {  	[sflag:s21] =	ssyncset.done $0x0  }
0x158: {  	s31 =	rddreg [dreg:$0x1a];
	[sflag:s21] =	ssyncadd.s32 $0xFFFFE400  }
0x159: {  	[hbm4b:s31+s3] =	stream.linear.scatter [tilespmem:s2], [sflag:$0x7], $0x1C00, $0x38;
	[tilespmem:$0x1F400] =	vst v63  }
0x15a: {  	s2 =	simm.s32 $0xB  }
0x15b: {  	_ =	swait.ge [sflag:s2], $0x2400  }
0x15c: {  	[sflag:s2] =	ssyncset.done $0x0  }
0x15d: {  	s10 =	simm.s32 $0xE;
	s9 =	rddreg [dreg:$0xc];
	[sflag:s2] =	ssyncadd.s32 $0xFFFFDC00  }
0x15e: {  	[spmem:s9] =	stream.linear.scatter [tilespmem:s4], [sflag:$0xF], $0x2400, $0x38;
	[tilespmem:$0x1F400] =	vst v63  }
0x15f: {  	_ =	swait.ge [sflag:s10], $0x2400  }
0x160: {  	[sflag:s10] =	ssyncset.done $0x0  }
0x161: {  	s15 =	simm.s32 $0x4;
	s13 =	rddreg [dreg:$0x1b];
	[sflag:s10] =	ssyncadd.s32 $0xFFFFDC00  }
0x162: {  	[hbm:s13], [sflag:s22] =	dma.local [spmem:s23], $0x480  }
0x163: {  	_ =	swait.ge [sflag:s15], $0x1C00  }
0x164: {  	[sflag:s15] =	ssyncset.done $0x0  }
0x165: {  	s17 =	simm.s32 $0xC;
	s16 =	rddreg [dreg:$0x1c];
	[sflag:s15] =	ssyncadd.s32 $0xFFFFE400  }
0x166: {  	[hbm4b:s16+s3] =	stream.linear.scatter [tilespmem:s7], [sflag:$0x8], $0x1C00, $0x38;
	[tilespmem:$0x1F400] =	vst v63  }
0x167: {  	_ =	swait.ge [sflag:s17], $0x2400  }
0x168: {  	[sflag:s17] =	ssyncset.done $0x0  }
0x169: {  	s19 =	simm.s32 $0xF;
	s18 =	rddreg [dreg:$0xd];
	[sflag:s17] =	ssyncadd.s32 $0xFFFFDC00  }
0x16a: {  	[spmem:s18] =	stream.linear.scatter [tilespmem:s12], [sflag:$0x10], $0x2400, $0x38;
	[tilespmem:$0x1F400] =	vst v63  }
0x16b: {  	_ =	swait.ge [sflag:s19], $0x2400  }
0x16c: {  	[sflag:s19] =	ssyncset.done $0x0  }
0x16d: {  	s20 =	rddreg [dreg:$0x1d];
	[sflag:s19] =	ssyncadd.s32 $0xFFFFDC00  }
0x16e: {  	[hbm:s20], [sflag:s24] =	dma.local [spmem:s25], $0x480  }
0x16f: {  	_ =	swait.ge [sflag:s11], $0x2400  }
0x170: {  	[sflag:s11] =	ssyncset.done $0x0  }
0x171: {  	s22 =	simm.s32 $0x5;
	s21 =	rddreg [dreg:$0x1e];
	[sflag:s11] =	ssyncadd.s32 $0xFFFFDC00  }
0x172: {  	[hbm:s21], [sflag:s5] =	dma.local [spmem:s26], $0x480  }
0x173: {  	_ =	swait.ge [sflag:s22], $0x1C00  }
0x174: {  	[sflag:s22] =	ssyncset.done $0x0  }
0x175: {  	s23 =	simm.s32 $0x11;
	[sflag:s22] =	ssyncadd.s32 $0xFFFFE400  }
0x176: {  	_ =	swait.ge [sflag:s23], $0x480  }
0x177: {  	[sflag:s23] =	ssyncset.done $0x0  }
0x178: {  	s24 =	simm.s32 $0x6;
	[sflag:s23] =	ssyncadd.s32 $0xFFFFFB80  }
0x179: {  	_ =	swait.ge [sflag:s24], $0x1C00  }
0x17a: {  	[sflag:s24] =	ssyncset.done $0x0  }
0x17b: {  	s25 =	simm.s32 $0x12;
	[sflag:s24] =	ssyncadd.s32 $0xFFFFE400  }
0x17c: {  	_ =	swait.ge [sflag:s25], $0x480  }
0x17d: {  	[sflag:s25] =	ssyncset.done $0x0  }
0x17e: {  	[sflag:s25] =	ssyncadd.s32 $0xFFFFFB80  }
0x17f: {  	_ =	swait.ge [sflag:s6], $0x1C00  }
0x180: {  	[sflag:s6] =	ssyncset.done $0x0  }
0x181: {  	[sflag:s6] =	ssyncadd.s32 $0xFFFFE400  }
0x182: {  	_ =	swait.ge [sflag:s8], $0x480  }
0x183: {  	[sflag:s8] =	ssyncset.done $0x0  }
0x184: {  	[sflag:s8] =	ssyncadd.s32 $0xFFFFFB80  }
0x185: {  	_ =	swait.ge [sflag:s14], $0x1C00  }
0x186: {  	[sflag:s14] =	ssyncset.done $0x0  }
0x187: {  	[sflag:s14] =	ssyncadd.s32 $0xFFFFE400  }
0x188: {  	_ =	swait.ge [sflag:s29], $0x480  }
0x189: {  	s26 =	sld [smem:$0x7FD];
	_ =	sdelay $0x2  }
0x18a: {  	s31 =	rddreg [dreg:$0x1f];
	s2 =	sadd.s32 $0x1, s26  }
0x18b: {  	p0 =	sne.s32 s2, s31  }
.Ltmp1:
0x18c: {  	_ = 	snop;
	(pc) =	sbr.rel @p0 .LBB2_1-.Ltmp1, $3  }
0x18d: {  	_ =	sdelay $0x1  }
0x18e: {  	[sflag:s29] =	ssyncset.done $0x0  }
0x18f: {  	[sflag:s29] =	ssyncadd.s32 $0xFFFFFB80  }
0x190: {  	_ =	sfence.sel $0x180000  }
0x191: {  	[bflag:$0x0] =	sbarrier.arrive $0xFFFF  }
0x192: {  	_ =	strace $0x90000047  }
0x193: {  	s0 =	stileid.u32;
	[bflag:$0x2] =	sbarrier.arrive $0xFFFF  }
0x194: {  	p0 =	sne.s32 s0, $0x0;
	s0 =	rddreg [dreg:$0x4]  }
0x195: {  	s0 =	sadd.s32 @!p0 $0x100000, s0  }
0x196: {  	[sflag:s0] =	ssyncadd.tile.s32 @!p0 $0x1;
	_ =	shalt  }
.Lfunc_end2:
_tile_overlayer_lowered:
.L_overlay_start_2:
0x197: {  	(tag) =	ssettag $0x2  }
0x198: {  	s0 =	rddreg [dreg:$0x0];
	s2 =	stileid.u32  }
0x199: {  	s1 =	rddreg [dreg:$0x1];
	p0 =	sne.s32 s2, $0x0  }
0x19a: {  	s3 =	rddreg [dreg:$0x2];
	[bflag:$0x3] =	sbarrier.arrive $0xFFFF;
	s2 =	simm.s32 @!p0 $0x1C15  }
0x19b: {  	[timem:s3], [sflag:s2] =	dma.local @!p0 [hbm:s0], s1  }
0x19c: {  	s0 =	simm.s32 @!p0 $0x15  }
0x19d: {  	_ =	swait.ge @!p0 [sflag:s0], s1  }
0x19e: {  	s1 =	ssub.s32 @!p0 $0x0, s1;
	[sflag:s0] =	ssyncset.done @!p0 $0x0  }
0x19f: {  	[sflag:s0] =	ssyncadd.s32 @!p0 s1  }
0x1a0: {  	[bflag:$0x3] =	sbarrier.arrive $0xFFFF  }
0x1a1: {  	_ =	shalt  }

</sc_bundles>
